<compile_context>
chip_gen: v7x
topology: tpu7x:2x2x1
jax: 0.10.2.dev20260603
libtpu: 0.0.44.dev20260713+nightly
codegen_flags: <defaults>
</compile_context>

<pallas_src>
import functools

import jax
import jax.numpy as jnp
from jax import lax
from jax.experimental import pallas as pl
from jax.experimental.pallas import tpu as pltpu
from jax.experimental.pallas import tpu_sc as plsc

WINDOW = 64
STRIDE = 32
NB = 6
AHEAD = 3


def _sliding_window_sc(inp_hbm, out_hbm, buf, rsems, wsems):
    nc = 2
    wid = lax.axis_index("s") * nc + lax.axis_index("c")
    osz = out_hbm.shape[0]
    nblocks = inp_hbm.shape[0] // STRIDE
    per = nblocks // 32

    lo = wid * per

    def read(k):
        slot = k % NB
        return pltpu.async_copy(
            inp_hbm.at[pl.ds((lo + k) * STRIDE, STRIDE)],
            buf.at[pl.ds(slot * STRIDE, STRIDE)],
            rsems[slot],
        )

    def write_descs(k):
        b = lo + k
        slot = k % NB
        src = buf.at[pl.ds(slot * STRIDE, STRIDE)]
        w1 = pltpu.make_async_copy(src, out_hbm.at[b, pl.ds(0, STRIDE)], wsems[slot])
        w2 = pltpu.make_async_copy(
            src, out_hbm.at[b - 1, pl.ds(STRIDE, STRIDE)], wsems[slot]
        )
        return b, w1, w2

    def fire_writes(k):
        b, w1, w2 = write_descs(k)

        @pl.when(b < osz)
        def _():
            w1.start()

        @pl.when(b > 0)
        def _():
            w2.start()

    def drain_writes(k):
        b, w1, w2 = write_descs(k)

        @pl.when(b < osz)
        def _():
            w1.wait()

        @pl.when(b > 0)
        def _():
            w2.wait()

    reads = {}
    for k in range(min(AHEAD, per)):
        reads[k] = read(k)
    for k in range(per):
        nk = k + AHEAD
        if nk < per:
            if nk - NB >= 0:
                drain_writes(nk - NB)
            reads[nk] = read(nk)
        reads[k].wait()
        fire_writes(k)
    for k in range(max(0, per - NB), per):
        drain_writes(k)


def kernel(input):
    T = input.shape[0]
    osz = (T - WINDOW) // STRIDE + 1
    D = input.shape[1]
    run = functools.partial(
        pl.kernel,
        mesh=plsc.VectorSubcoreMesh(core_axis_name="c", subcore_axis_name="s"),
        out_type=jax.ShapeDtypeStruct((osz, WINDOW, D), jnp.float32),
        scratch_types=[
            pltpu.VMEM((NB * STRIDE, D), jnp.float32),
            [pltpu.SemaphoreType.DMA] * NB,
            [pltpu.SemaphoreType.DMA] * NB,
        ],
    )(_sliding_window_sc)
    return run(input)

# --- scband reference (transcript-rebuilt; emitter-appended) ---
"""Pipeline reference for scband-sliding-window-67147518706263 (READ-ONLY COPY).

The authoritative reference and input builder live on the scoring server;
editing this copy changes nothing except your own understanding.
"""

import jax, jax.numpy as jnp
import numpy as np

WINDOW = 64
STRIDE = 32

def setup_inputs(seed: int = 0) -> dict:
    key = jax.random.key(seed)
    input = jax.random.normal(key, (16384, 512), dtype=jnp.float32)
    return {"input": input}

def reference(input):
    T = input.shape[0]
    osz = (T - WINDOW) // STRIDE + 1
    idx = STRIDE * jnp.arange(osz)[:, None] + jnp.arange(WINDOW)[None, :]
    return jnp.take(input, idx, axis=0)

if __name__ == "__main__":
    import jax
    _d = setup_inputs()
    print(jax.jit(kernel)(*tuple(_d.values())))

</pallas_src>

<mosaic_0001>
#map = affine_map<(d0, d1) -> (0, 0)>
#map1 = affine_map<(d0, d1) -> (0, 0, 0)>
module attributes {stable_mosaic.version = 14 : i64} {
  func.func @_sliding_window_sc(%arg0: i32, %arg1: i32, %arg2: memref<16384x512xf32, #tpu.memory_space<hbm>>, %arg3: memref<511x64x512xf32, #tpu.memory_space<hbm>>, %arg4: memref<192x512xf32, #tpu.memory_space<vmem>>, %arg5: memref<!tpu.dma_semaphore, #tpu.memory_space<semaphore_mem>>, %arg6: memref<!tpu.dma_semaphore, #tpu.memory_space<semaphore_mem>>, %arg7: memref<!tpu.dma_semaphore, #tpu.memory_space<semaphore_mem>>, %arg8: memref<!tpu.dma_semaphore, #tpu.memory_space<semaphore_mem>>, %arg9: memref<!tpu.dma_semaphore, #tpu.memory_space<semaphore_mem>>, %arg10: memref<!tpu.dma_semaphore, #tpu.memory_space<semaphore_mem>>, %arg11: memref<!tpu.dma_semaphore, #tpu.memory_space<semaphore_mem>>, %arg12: memref<!tpu.dma_semaphore, #tpu.memory_space<semaphore_mem>>, %arg13: memref<!tpu.dma_semaphore, #tpu.memory_space<semaphore_mem>>, %arg14: memref<!tpu.dma_semaphore, #tpu.memory_space<semaphore_mem>>, %arg15: memref<!tpu.dma_semaphore, #tpu.memory_space<semaphore_mem>>, %arg16: memref<!tpu.dma_semaphore, #tpu.memory_space<semaphore_mem>>) attributes {dimension_semantics = [#tpu.dimension_semantics<core_parallel>, #tpu.dimension_semantics<subcore_parallel>], iteration_bounds = array<i64: 2, 16>, scalar_prefetch = 0 : i64, scratch_operands = 13 : i64, tpu.core_type = #tpu.core_type<sc_vector_subcore>, window_params = [{transform_indices = #map}, {transform_indices = #map1}]} {
    %mul3A = arith.constant 2 : i32
    %mul3A_0 = arith.muli %arg1, %mul3A : i32
    %add3A = arith.addi %mul3A_0, %arg0 : i32
    %mul3A_1 = arith.constant 16 : i32
    %mul3A_2 = arith.muli %add3A, %mul3A_1 : i32
    %add3A_3 = arith.constant 0 : i32
    %add3A_4 = arith.addi %mul3A_2, %add3A_3 : i32
    %mul3A_5 = arith.constant 32 : i32
    %mul3A_6 = arith.muli %add3A_4, %mul3A_5 : i32
    %dma_start3A = arith.constant 0 : i32
    %dma_start3A_7 = arith.constant 0 : i32
    %dma_start3A_8 = tpu.memref_slice %arg4[%dma_start3A, %dma_start3A_7] : memref<192x512xf32, #tpu.memory_space<vmem>> -> memref<32x512xf32, #tpu.memory_space<vmem>>
    %dma_start3A_9 = arith.constant 0 : i32
    %dma_start3A_10 = tpu.memref_slice %arg2[%mul3A_6, %dma_start3A_9] : memref<16384x512xf32, #tpu.memory_space<hbm>> -> memref<32x512xf32, #tpu.memory_space<hbm>>
    %dma_start3A_11 = arith.constant 0 : i32
    %dma_start3A_12 = arith.constant 0 : i32
    %dma_start3A_13 = tpu.memref_slice %arg4[%dma_start3A_11, %dma_start3A_12] : memref<192x512xf32, #tpu.memory_space<vmem>> -> memref<32x512xf32, #tpu.memory_space<vmem>>
    %dma_start3A_14 = arith.constant 0 : i32
    %dma_start3A_15 = tpu.memref_slice %arg2[%mul3A_6, %dma_start3A_14] : memref<16384x512xf32, #tpu.memory_space<hbm>> -> memref<32x512xf32, #tpu.memory_space<hbm>>
    tpu.enqueue_dma source(%dma_start3A_15 : memref<32x512xf32, #tpu.memory_space<hbm>>) target(%dma_start3A_13 : memref<32x512xf32, #tpu.memory_space<vmem>>) target_semaphore(%arg5 : memref<!tpu.dma_semaphore, #tpu.memory_space<semaphore_mem>>)
    %add3A_16 = arith.constant 1 : i32
    %add3A_17 = arith.addi %mul3A_2, %add3A_16 : i32
    %mul3A_18 = arith.constant 32 : i32
    %mul3A_19 = arith.muli %add3A_17, %mul3A_18 : i32
    %dma_start3A_20 = arith.constant 32 : i32
    %dma_start3A_21 = arith.constant 0 : i32
    %dma_start3A_22 = tpu.memref_slice %arg4[%dma_start3A_20, %dma_start3A_21] : memref<192x512xf32, #tpu.memory_space<vmem>> -> memref<32x512xf32, #tpu.memory_space<vmem>>
    %dma_start3A_23 = arith.constant 0 : i32
    %dma_start3A_24 = tpu.memref_slice %arg2[%mul3A_19, %dma_start3A_23] : memref<16384x512xf32, #tpu.memory_space<hbm>> -> memref<32x512xf32, #tpu.memory_space<hbm>>
    %dma_start3A_25 = arith.constant 32 : i32
    %dma_start3A_26 = arith.constant 0 : i32
    %dma_start3A_27 = tpu.memref_slice %arg4[%dma_start3A_25, %dma_start3A_26] : memref<192x512xf32, #tpu.memory_space<vmem>> -> memref<32x512xf32, #tpu.memory_space<vmem>>
    %dma_start3A_28 = arith.constant 0 : i32
    %dma_start3A_29 = tpu.memref_slice %arg2[%mul3A_19, %dma_start3A_28] : memref<16384x512xf32, #tpu.memory_space<hbm>> -> memref<32x512xf32, #tpu.memory_space<hbm>>
    tpu.enqueue_dma source(%dma_start3A_29 : memref<32x512xf32, #tpu.memory_space<hbm>>) target(%dma_start3A_27 : memref<32x512xf32, #tpu.memory_space<vmem>>) target_semaphore(%arg6 : memref<!tpu.dma_semaphore, #tpu.memory_space<semaphore_mem>>)
    %add3A_30 = arith.constant 2 : i32
    %add3A_31 = arith.addi %mul3A_2, %add3A_30 : i32
    %mul3A_32 = arith.constant 32 : i32
    %mul3A_33 = arith.muli %add3A_31, %mul3A_32 : i32
    %dma_start3A_34 = arith.constant 64 : i32
    %dma_start3A_35 = arith.constant 0 : i32
    %dma_start3A_36 = tpu.memref_slice %arg4[%dma_start3A_34, %dma_start3A_35] : memref<192x512xf32, #tpu.memory_space<vmem>> -> memref<32x512xf32, #tpu.memory_space<vmem>>
    %dma_start3A_37 = arith.constant 0 : i32
    %dma_start3A_38 = tpu.memref_slice %arg2[%mul3A_33, %dma_start3A_37] : memref<16384x512xf32, #tpu.memory_space<hbm>> -> memref<32x512xf32, #tpu.memory_space<hbm>>
    %dma_start3A_39 = arith.constant 64 : i32
    %dma_start3A_40 = arith.constant 0 : i32
    %dma_start3A_41 = tpu.memref_slice %arg4[%dma_start3A_39, %dma_start3A_40] : memref<192x512xf32, #tpu.memory_space<vmem>> -> memref<32x512xf32, #tpu.memory_space<vmem>>
    %dma_start3A_42 = arith.constant 0 : i32
    %dma_start3A_43 = tpu.memref_slice %arg2[%mul3A_33, %dma_start3A_42] : memref<16384x512xf32, #tpu.memory_space<hbm>> -> memref<32x512xf32, #tpu.memory_space<hbm>>
    tpu.enqueue_dma source(%dma_start3A_43 : memref<32x512xf32, #tpu.memory_space<hbm>>) target(%dma_start3A_41 : memref<32x512xf32, #tpu.memory_space<vmem>>) target_semaphore(%arg7 : memref<!tpu.dma_semaphore, #tpu.memory_space<semaphore_mem>>)
    %add3A_44 = arith.constant 3 : i32
    %add3A_45 = arith.addi %mul3A_2, %add3A_44 : i32
    %mul3A_46 = arith.constant 32 : i32
    %mul3A_47 = arith.muli %add3A_45, %mul3A_46 : i32
    %dma_start3A_48 = arith.constant 96 : i32
    %dma_start3A_49 = arith.constant 0 : i32
    %dma_start3A_50 = tpu.memref_slice %arg4[%dma_start3A_48, %dma_start3A_49] : memref<192x512xf32, #tpu.memory_space<vmem>> -> memref<32x512xf32, #tpu.memory_space<vmem>>
    %dma_start3A_51 = arith.constant 0 : i32
    %dma_start3A_52 = tpu.memref_slice %arg2[%mul3A_47, %dma_start3A_51] : memref<16384x512xf32, #tpu.memory_space<hbm>> -> memref<32x512xf32, #tpu.memory_space<hbm>>
    %dma_start3A_53 = arith.constant 96 : i32
    %dma_start3A_54 = arith.constant 0 : i32
    %dma_start3A_55 = tpu.memref_slice %arg4[%dma_start3A_53, %dma_start3A_54] : memref<192x512xf32, #tpu.memory_space<vmem>> -> memref<32x512xf32, #tpu.memory_space<vmem>>
    %dma_start3A_56 = arith.constant 0 : i32
    %dma_start3A_57 = tpu.memref_slice %arg2[%mul3A_47, %dma_start3A_56] : memref<16384x512xf32, #tpu.memory_space<hbm>> -> memref<32x512xf32, #tpu.memory_space<hbm>>
    tpu.enqueue_dma source(%dma_start3A_57 : memref<32x512xf32, #tpu.memory_space<hbm>>) target(%dma_start3A_55 : memref<32x512xf32, #tpu.memory_space<vmem>>) target_semaphore(%arg8 : memref<!tpu.dma_semaphore, #tpu.memory_space<semaphore_mem>>)
    %dma_wait3A = arith.constant 0 : i32
    %dma_wait3A_58 = arith.constant 0 : i32
    %dma_wait3A_59 = tpu.memref_slice %arg4[%dma_wait3A, %dma_wait3A_58] : memref<192x512xf32, #tpu.memory_space<vmem>> -> memref<32x512xf32, #tpu.memory_space<vmem>>
    %dma_wait3A_60 = arith.constant 0 : i32
    %dma_wait3A_61 = tpu.memref_slice %arg2[%mul3A_6, %dma_wait3A_60] : memref<16384x512xf32, #tpu.memory_space<hbm>> -> memref<32x512xf32, #tpu.memory_space<hbm>>
    %dma_wait3A_62 = arith.constant 0 : i32
    %dma_wait3A_63 = arith.constant 0 : i32
    %dma_wait3A_64 = tpu.memref_slice %arg4[%dma_wait3A_62, %dma_wait3A_63] : memref<192x512xf32, #tpu.memory_space<vmem>> -> memref<32x512xf32, #tpu.memory_space<vmem>>
    %dma_wait3A_65 = arith.constant 0 : i32
    %dma_wait3A_66 = tpu.memref_slice %arg2[%mul3A_6, %dma_wait3A_65] : memref<16384x512xf32, #tpu.memory_space<hbm>> -> memref<32x512xf32, #tpu.memory_space<hbm>>
    tpu.wait_dma2 semaphore(%arg5 : memref<!tpu.dma_semaphore, #tpu.memory_space<semaphore_mem>>) src(%dma_wait3A_66 : memref<32x512xf32, #tpu.memory_space<hbm>>) dst(%dma_wait3A_64 : memref<32x512xf32, #tpu.memory_space<vmem>>)
    %add3A_67 = arith.constant 0 : i32
    %add3A_68 = arith.addi %mul3A_2, %add3A_67 : i32
    %sub3A = arith.constant 1 : i32
    %sub3A_69 = arith.subi %add3A_68, %sub3A : i32
    %lt3A = arith.constant 511 : i32
    %lt3A_70 = arith.cmpi slt, %add3A_68, %lt3A : i32
    %convert_element_type3A = arith.extui %lt3A_70 : i1 to i32
    %cond3A = arith.constant 0 : i32
    %cond3A_71 = arith.cmpi ne, %convert_element_type3A, %cond3A : i32
    scf.if %cond3A_71 {
      %dma_start3A_828 = arith.constant 0 : i32
      %dma_start3A_829 = arith.constant 0 : i32
      %dma_start3A_830 = tpu.memref_slice %arg4[%dma_start3A_828, %dma_start3A_829] : memref<192x512xf32, #tpu.memory_space<vmem>> -> memref<32x512xf32, #tpu.memory_space<vmem>>
      %dma_start3A_831 = arith.constant 0 : i32
      %dma_start3A_832 = arith.constant 0 : i32
      %dma_start3A_833 = tpu.memref_slice %arg3[%add3A_68, %dma_start3A_831, %dma_start3A_832] : memref<511x64x512xf32, #tpu.memory_space<hbm>> -> memref<1x32x512xf32, #tpu.memory_space<hbm>>
      %dma_start3A_834 = tpu.memref_squeeze %dma_start3A_833 : memref<1x32x512xf32, #tpu.memory_space<hbm>> -> memref<32x512xf32, #tpu.memory_space<hbm>>
      %dma_start3A_835 = arith.constant 0 : i32
      %dma_start3A_836 = arith.constant 0 : i32
      %dma_start3A_837 = tpu.memref_slice %arg3[%add3A_68, %dma_start3A_835, %dma_start3A_836] : memref<511x64x512xf32, #tpu.memory_space<hbm>> -> memref<1x32x512xf32, #tpu.memory_space<hbm>>
      %dma_start3A_838 = tpu.memref_squeeze %dma_start3A_837 : memref<1x32x512xf32, #tpu.memory_space<hbm>> -> memref<32x512xf32, #tpu.memory_space<hbm>>
      %dma_start3A_839 = arith.constant 0 : i32
      %dma_start3A_840 = arith.constant 0 : i32
      %dma_start3A_841 = tpu.memref_slice %arg4[%dma_start3A_839, %dma_start3A_840] : memref<192x512xf32, #tpu.memory_space<vmem>> -> memref<32x512xf32, #tpu.memory_space<vmem>>
      tpu.enqueue_dma source(%dma_start3A_841 : memref<32x512xf32, #tpu.memory_space<vmem>>) target(%dma_start3A_838 : memref<32x512xf32, #tpu.memory_space<hbm>>) target_semaphore(%arg11 : memref<!tpu.dma_semaphore, #tpu.memory_space<semaphore_mem>>)
    } else {
    }
    %gt3A = arith.constant 0 : i32
    %gt3A_72 = arith.cmpi sgt, %add3A_68, %gt3A : i32
    %convert_element_type3A_73 = arith.extui %gt3A_72 : i1 to i32
    %cond3A_74 = arith.constant 0 : i32
    %cond3A_75 = arith.cmpi ne, %convert_element_type3A_73, %cond3A_74 : i32
    scf.if %cond3A_75 {
      %dma_start3A_828 = arith.constant 0 : i32
      %dma_start3A_829 = arith.constant 0 : i32
      %dma_start3A_830 = tpu.memref_slice %arg4[%dma_start3A_828, %dma_start3A_829] : memref<192x512xf32, #tpu.memory_space<vmem>> -> memref<32x512xf32, #tpu.memory_space<vmem>>
      %dma_start3A_831 = arith.constant 32 : i32
      %dma_start3A_832 = arith.constant 0 : i32
      %dma_start3A_833 = tpu.memref_slice %arg3[%sub3A_69, %dma_start3A_831, %dma_start3A_832] : memref<511x64x512xf32, #tpu.memory_space<hbm>> -> memref<1x32x512xf32, #tpu.memory_space<hbm>>
      %dma_start3A_834 = tpu.memref_squeeze %dma_start3A_833 : memref<1x32x512xf32, #tpu.memory_space<hbm>> -> memref<32x512xf32, #tpu.memory_space<hbm>>
      %dma_start3A_835 = arith.constant 32 : i32
      %dma_start3A_836 = arith.constant 0 : i32
      %dma_start3A_837 = tpu.memref_slice %arg3[%sub3A_69, %dma_start3A_835, %dma_start3A_836] : memref<511x64x512xf32, #tpu.memory_space<hbm>> -> memref<1x32x512xf32, #tpu.memory_space<hbm>>
      %dma_start3A_838 = tpu.memref_squeeze %dma_start3A_837 : memref<1x32x512xf32, #tpu.memory_space<hbm>> -> memref<32x512xf32, #tpu.memory_space<hbm>>
      %dma_start3A_839 = arith.constant 0 : i32
      %dma_start3A_840 = arith.constant 0 : i32
      %dma_start3A_841 = tpu.memref_slice %arg4[%dma_start3A_839, %dma_start3A_840] : memref<192x512xf32, #tpu.memory_space<vmem>> -> memref<32x512xf32, #tpu.memory_space<vmem>>
      tpu.enqueue_dma source(%dma_start3A_841 : memref<32x512xf32, #tpu.memory_space<vmem>>) target(%dma_start3A_838 : memref<32x512xf32, #tpu.memory_space<hbm>>) target_semaphore(%arg11 : memref<!tpu.dma_semaphore, #tpu.memory_space<semaphore_mem>>)
    } else {
    }
    %add3A_76 = arith.constant 4 : i32
    %add3A_77 = arith.addi %mul3A_2, %add3A_76 : i32
    %mul3A_78 = arith.constant 32 : i32
    %mul3A_79 = arith.muli %add3A_77, %mul3A_78 : i32
    %dma_start3A_80 = arith.constant 128 : i32
    %dma_start3A_81 = arith.constant 0 : i32
    %dma_start3A_82 = tpu.memref_slice %arg4[%dma_start3A_80, %dma_start3A_81] : memref<192x512xf32, #tpu.memory_space<vmem>> -> memref<32x512xf32, #tpu.memory_space<vmem>>
    %dma_start3A_83 = arith.constant 0 : i32
    %dma_start3A_84 = tpu.memref_slice %arg2[%mul3A_79, %dma_start3A_83] : memref<16384x512xf32, #tpu.memory_space<hbm>> -> memref<32x512xf32, #tpu.memory_space<hbm>>
    %dma_start3A_85 = arith.constant 128 : i32
    %dma_start3A_86 = arith.constant 0 : i32
    %dma_start3A_87 = tpu.memref_slice %arg4[%dma_start3A_85, %dma_start3A_86] : memref<192x512xf32, #tpu.memory_space<vmem>> -> memref<32x512xf32, #tpu.memory_space<vmem>>
    %dma_start3A_88 = arith.constant 0 : i32
    %dma_start3A_89 = tpu.memref_slice %arg2[%mul3A_79, %dma_start3A_88] : memref<16384x512xf32, #tpu.memory_space<hbm>> -> memref<32x512xf32, #tpu.memory_space<hbm>>
    tpu.enqueue_dma source(%dma_start3A_89 : memref<32x512xf32, #tpu.memory_space<hbm>>) target(%dma_start3A_87 : memref<32x512xf32, #tpu.memory_space<vmem>>) target_semaphore(%arg9 : memref<!tpu.dma_semaphore, #tpu.memory_space<semaphore_mem>>)
    %dma_wait3A_90 = arith.constant 32 : i32
    %dma_wait3A_91 = arith.constant 0 : i32
    %dma_wait3A_92 = tpu.memref_slice %arg4[%dma_wait3A_90, %dma_wait3A_91] : memref<192x512xf32, #tpu.memory_space<vmem>> -> memref<32x512xf32, #tpu.memory_space<vmem>>
    %dma_wait3A_93 = arith.constant 0 : i32
    %dma_wait3A_94 = tpu.memref_slice %arg2[%mul3A_19, %dma_wait3A_93] : memref<16384x512xf32, #tpu.memory_space<hbm>> -> memref<32x512xf32, #tpu.memory_space<hbm>>
    %dma_wait3A_95 = arith.constant 32 : i32
    %dma_wait3A_96 = arith.constant 0 : i32
    %dma_wait3A_97 = tpu.memref_slice %arg4[%dma_wait3A_95, %dma_wait3A_96] : memref<192x512xf32, #tpu.memory_space<vmem>> -> memref<32x512xf32, #tpu.memory_space<vmem>>
    %dma_wait3A_98 = arith.constant 0 : i32
    %dma_wait3A_99 = tpu.memref_slice %arg2[%mul3A_19, %dma_wait3A_98] : memref<16384x512xf32, #tpu.memory_space<hbm>> -> memref<32x512xf32, #tpu.memory_space<hbm>>
    tpu.wait_dma2 semaphore(%arg6 : memref<!tpu.dma_semaphore, #tpu.memory_space<semaphore_mem>>) src(%dma_wait3A_99 : memref<32x512xf32, #tpu.memory_space<hbm>>) dst(%dma_wait3A_97 : memref<32x512xf32, #tpu.memory_space<vmem>>)
    %add3A_100 = arith.constant 1 : i32
    %add3A_101 = arith.addi %mul3A_2, %add3A_100 : i32
    %sub3A_102 = arith.constant 1 : i32
    %sub3A_103 = arith.subi %add3A_101, %sub3A_102 : i32
    %lt3A_104 = arith.constant 511 : i32
    %lt3A_105 = arith.cmpi slt, %add3A_101, %lt3A_104 : i32
    %convert_element_type3A_106 = arith.extui %lt3A_105 : i1 to i32
    %cond3A_107 = arith.constant 0 : i32
    %cond3A_108 = arith.cmpi ne, %convert_element_type3A_106, %cond3A_107 : i32
    scf.if %cond3A_108 {
      %dma_start3A_828 = arith.constant 32 : i32
      %dma_start3A_829 = arith.constant 0 : i32
      %dma_start3A_830 = tpu.memref_slice %arg4[%dma_start3A_828, %dma_start3A_829] : memref<192x512xf32, #tpu.memory_space<vmem>> -> memref<32x512xf32, #tpu.memory_space<vmem>>
      %dma_start3A_831 = arith.constant 0 : i32
      %dma_start3A_832 = arith.constant 0 : i32
      %dma_start3A_833 = tpu.memref_slice %arg3[%add3A_101, %dma_start3A_831, %dma_start3A_832] : memref<511x64x512xf32, #tpu.memory_space<hbm>> -> memref<1x32x512xf32, #tpu.memory_space<hbm>>
      %dma_start3A_834 = tpu.memref_squeeze %dma_start3A_833 : memref<1x32x512xf32, #tpu.memory_space<hbm>> -> memref<32x512xf32, #tpu.memory_space<hbm>>
      %dma_start3A_835 = arith.constant 0 : i32
      %dma_start3A_836 = arith.constant 0 : i32
      %dma_start3A_837 = tpu.memref_slice %arg3[%add3A_101, %dma_start3A_835, %dma_start3A_836] : memref<511x64x512xf32, #tpu.memory_space<hbm>> -> memref<1x32x512xf32, #tpu.memory_space<hbm>>
      %dma_start3A_838 = tpu.memref_squeeze %dma_start3A_837 : memref<1x32x512xf32, #tpu.memory_space<hbm>> -> memref<32x512xf32, #tpu.memory_space<hbm>>
      %dma_start3A_839 = arith.constant 32 : i32
      %dma_start3A_840 = arith.constant 0 : i32
      %dma_start3A_841 = tpu.memref_slice %arg4[%dma_start3A_839, %dma_start3A_840] : memref<192x512xf32, #tpu.memory_space<vmem>> -> memref<32x512xf32, #tpu.memory_space<vmem>>
      tpu.enqueue_dma source(%dma_start3A_841 : memref<32x512xf32, #tpu.memory_space<vmem>>) target(%dma_start3A_838 : memref<32x512xf32, #tpu.memory_space<hbm>>) target_semaphore(%arg12 : memref<!tpu.dma_semaphore, #tpu.memory_space<semaphore_mem>>)
    } else {
    }
    %gt3A_109 = arith.constant 0 : i32
    %gt3A_110 = arith.cmpi sgt, %add3A_101, %gt3A_109 : i32
    %convert_element_type3A_111 = arith.extui %gt3A_110 : i1 to i32
    %cond3A_112 = arith.constant 0 : i32
    %cond3A_113 = arith.cmpi ne, %convert_element_type3A_111, %cond3A_112 : i32
    scf.if %cond3A_113 {
      %dma_start3A_828 = arith.constant 32 : i32
      %dma_start3A_829 = arith.constant 0 : i32
      %dma_start3A_830 = tpu.memref_slice %arg4[%dma_start3A_828, %dma_start3A_829] : memref<192x512xf32, #tpu.memory_space<vmem>> -> memref<32x512xf32, #tpu.memory_space<vmem>>
      %dma_start3A_831 = arith.constant 32 : i32
      %dma_start3A_832 = arith.constant 0 : i32
      %dma_start3A_833 = tpu.memref_slice %arg3[%sub3A_103, %dma_start3A_831, %dma_start3A_832] : memref<511x64x512xf32, #tpu.memory_space<hbm>> -> memref<1x32x512xf32, #tpu.memory_space<hbm>>
      %dma_start3A_834 = tpu.memref_squeeze %dma_start3A_833 : memref<1x32x512xf32, #tpu.memory_space<hbm>> -> memref<32x512xf32, #tpu.memory_space<hbm>>
      %dma_start3A_835 = arith.constant 32 : i32
      %dma_start3A_836 = arith.constant 0 : i32
      %dma_start3A_837 = tpu.memref_slice %arg3[%sub3A_103, %dma_start3A_835, %dma_start3A_836] : memref<511x64x512xf32, #tpu.memory_space<hbm>> -> memref<1x32x512xf32, #tpu.memory_space<hbm>>
      %dma_start3A_838 = tpu.memref_squeeze %dma_start3A_837 : memref<1x32x512xf32, #tpu.memory_space<hbm>> -> memref<32x512xf32, #tpu.memory_space<hbm>>
      %dma_start3A_839 = arith.constant 32 : i32
      %dma_start3A_840 = arith.constant 0 : i32
      %dma_start3A_841 = tpu.memref_slice %arg4[%dma_start3A_839, %dma_start3A_840] : memref<192x512xf32, #tpu.memory_space<vmem>> -> memref<32x512xf32, #tpu.memory_space<vmem>>
      tpu.enqueue_dma source(%dma_start3A_841 : memref<32x512xf32, #tpu.memory_space<vmem>>) target(%dma_start3A_838 : memref<32x512xf32, #tpu.memory_space<hbm>>) target_semaphore(%arg12 : memref<!tpu.dma_semaphore, #tpu.memory_space<semaphore_mem>>)
    } else {
    }
    %add3A_114 = arith.constant 5 : i32
    %add3A_115 = arith.addi %mul3A_2, %add3A_114 : i32
    %mul3A_116 = arith.constant 32 : i32
    %mul3A_117 = arith.muli %add3A_115, %mul3A_116 : i32
    %dma_start3A_118 = arith.constant 160 : i32
    %dma_start3A_119 = arith.constant 0 : i32
    %dma_start3A_120 = tpu.memref_slice %arg4[%dma_start3A_118, %dma_start3A_119] : memref<192x512xf32, #tpu.memory_space<vmem>> -> memref<32x512xf32, #tpu.memory_space<vmem>>
    %dma_start3A_121 = arith.constant 0 : i32
    %dma_start3A_122 = tpu.memref_slice %arg2[%mul3A_117, %dma_start3A_121] : memref<16384x512xf32, #tpu.memory_space<hbm>> -> memref<32x512xf32, #tpu.memory_space<hbm>>
    %dma_start3A_123 = arith.constant 160 : i32
    %dma_start3A_124 = arith.constant 0 : i32
    %dma_start3A_125 = tpu.memref_slice %arg4[%dma_start3A_123, %dma_start3A_124] : memref<192x512xf32, #tpu.memory_space<vmem>> -> memref<32x512xf32, #tpu.memory_space<vmem>>
    %dma_start3A_126 = arith.constant 0 : i32
    %dma_start3A_127 = tpu.memref_slice %arg2[%mul3A_117, %dma_start3A_126] : memref<16384x512xf32, #tpu.memory_space<hbm>> -> memref<32x512xf32, #tpu.memory_space<hbm>>
    tpu.enqueue_dma source(%dma_start3A_127 : memref<32x512xf32, #tpu.memory_space<hbm>>) target(%dma_start3A_125 : memref<32x512xf32, #tpu.memory_space<vmem>>) target_semaphore(%arg10 : memref<!tpu.dma_semaphore, #tpu.memory_space<semaphore_mem>>)
    %dma_wait3A_128 = arith.constant 64 : i32
    %dma_wait3A_129 = arith.constant 0 : i32
    %dma_wait3A_130 = tpu.memref_slice %arg4[%dma_wait3A_128, %dma_wait3A_129] : memref<192x512xf32, #tpu.memory_space<vmem>> -> memref<32x512xf32, #tpu.memory_space<vmem>>
    %dma_wait3A_131 = arith.constant 0 : i32
    %dma_wait3A_132 = tpu.memref_slice %arg2[%mul3A_33, %dma_wait3A_131] : memref<16384x512xf32, #tpu.memory_space<hbm>> -> memref<32x512xf32, #tpu.memory_space<hbm>>
    %dma_wait3A_133 = arith.constant 64 : i32
    %dma_wait3A_134 = arith.constant 0 : i32
    %dma_wait3A_135 = tpu.memref_slice %arg4[%dma_wait3A_133, %dma_wait3A_134] : memref<192x512xf32, #tpu.memory_space<vmem>> -> memref<32x512xf32, #tpu.memory_space<vmem>>
    %dma_wait3A_136 = arith.constant 0 : i32
    %dma_wait3A_137 = tpu.memref_slice %arg2[%mul3A_33, %dma_wait3A_136] : memref<16384x512xf32, #tpu.memory_space<hbm>> -> memref<32x512xf32, #tpu.memory_space<hbm>>
    tpu.wait_dma2 semaphore(%arg7 : memref<!tpu.dma_semaphore, #tpu.memory_space<semaphore_mem>>) src(%dma_wait3A_137 : memref<32x512xf32, #tpu.memory_space<hbm>>) dst(%dma_wait3A_135 : memref<32x512xf32, #tpu.memory_space<vmem>>)
    %add3A_138 = arith.constant 2 : i32
    %add3A_139 = arith.addi %mul3A_2, %add3A_138 : i32
    %sub3A_140 = arith.constant 1 : i32
    %sub3A_141 = arith.subi %add3A_139, %sub3A_140 : i32
    %lt3A_142 = arith.constant 511 : i32
    %lt3A_143 = arith.cmpi slt, %add3A_139, %lt3A_142 : i32
    %convert_element_type3A_144 = arith.extui %lt3A_143 : i1 to i32
    %cond3A_145 = arith.constant 0 : i32
    %cond3A_146 = arith.cmpi ne, %convert_element_type3A_144, %cond3A_145 : i32
    scf.if %cond3A_146 {
      %dma_start3A_828 = arith.constant 64 : i32
      %dma_start3A_829 = arith.constant 0 : i32
      %dma_start3A_830 = tpu.memref_slice %arg4[%dma_start3A_828, %dma_start3A_829] : memref<192x512xf32, #tpu.memory_space<vmem>> -> memref<32x512xf32, #tpu.memory_space<vmem>>
      %dma_start3A_831 = arith.constant 0 : i32
      %dma_start3A_832 = arith.constant 0 : i32
      %dma_start3A_833 = tpu.memref_slice %arg3[%add3A_139, %dma_start3A_831, %dma_start3A_832] : memref<511x64x512xf32, #tpu.memory_space<hbm>> -> memref<1x32x512xf32, #tpu.memory_space<hbm>>
      %dma_start3A_834 = tpu.memref_squeeze %dma_start3A_833 : memref<1x32x512xf32, #tpu.memory_space<hbm>> -> memref<32x512xf32, #tpu.memory_space<hbm>>
      %dma_start3A_835 = arith.constant 0 : i32
      %dma_start3A_836 = arith.constant 0 : i32
      %dma_start3A_837 = tpu.memref_slice %arg3[%add3A_139, %dma_start3A_835, %dma_start3A_836] : memref<511x64x512xf32, #tpu.memory_space<hbm>> -> memref<1x32x512xf32, #tpu.memory_space<hbm>>
      %dma_start3A_838 = tpu.memref_squeeze %dma_start3A_837 : memref<1x32x512xf32, #tpu.memory_space<hbm>> -> memref<32x512xf32, #tpu.memory_space<hbm>>
      %dma_start3A_839 = arith.constant 64 : i32
      %dma_start3A_840 = arith.constant 0 : i32
      %dma_start3A_841 = tpu.memref_slice %arg4[%dma_start3A_839, %dma_start3A_840] : memref<192x512xf32, #tpu.memory_space<vmem>> -> memref<32x512xf32, #tpu.memory_space<vmem>>
      tpu.enqueue_dma source(%dma_start3A_841 : memref<32x512xf32, #tpu.memory_space<vmem>>) target(%dma_start3A_838 : memref<32x512xf32, #tpu.memory_space<hbm>>) target_semaphore(%arg13 : memref<!tpu.dma_semaphore, #tpu.memory_space<semaphore_mem>>)
    } else {
    }
    %gt3A_147 = arith.constant 0 : i32
    %gt3A_148 = arith.cmpi sgt, %add3A_139, %gt3A_147 : i32
    %convert_element_type3A_149 = arith.extui %gt3A_148 : i1 to i32
    %cond3A_150 = arith.constant 0 : i32
    %cond3A_151 = arith.cmpi ne, %convert_element_type3A_149, %cond3A_150 : i32
    scf.if %cond3A_151 {
      %dma_start3A_828 = arith.constant 64 : i32
      %dma_start3A_829 = arith.constant 0 : i32
      %dma_start3A_830 = tpu.memref_slice %arg4[%dma_start3A_828, %dma_start3A_829] : memref<192x512xf32, #tpu.memory_space<vmem>> -> memref<32x512xf32, #tpu.memory_space<vmem>>
      %dma_start3A_831 = arith.constant 32 : i32
      %dma_start3A_832 = arith.constant 0 : i32
      %dma_start3A_833 = tpu.memref_slice %arg3[%sub3A_141, %dma_start3A_831, %dma_start3A_832] : memref<511x64x512xf32, #tpu.memory_space<hbm>> -> memref<1x32x512xf32, #tpu.memory_space<hbm>>
      %dma_start3A_834 = tpu.memref_squeeze %dma_start3A_833 : memref<1x32x512xf32, #tpu.memory_space<hbm>> -> memref<32x512xf32, #tpu.memory_space<hbm>>
      %dma_start3A_835 = arith.constant 32 : i32
      %dma_start3A_836 = arith.constant 0 : i32
      %dma_start3A_837 = tpu.memref_slice %arg3[%sub3A_141, %dma_start3A_835, %dma_start3A_836] : memref<511x64x512xf32, #tpu.memory_space<hbm>> -> memref<1x32x512xf32, #tpu.memory_space<hbm>>
      %dma_start3A_838 = tpu.memref_squeeze %dma_start3A_837 : memref<1x32x512xf32, #tpu.memory_space<hbm>> -> memref<32x512xf32, #tpu.memory_space<hbm>>
      %dma_start3A_839 = arith.constant 64 : i32
      %dma_start3A_840 = arith.constant 0 : i32
      %dma_start3A_841 = tpu.memref_slice %arg4[%dma_start3A_839, %dma_start3A_840] : memref<192x512xf32, #tpu.memory_space<vmem>> -> memref<32x512xf32, #tpu.memory_space<vmem>>
      tpu.enqueue_dma source(%dma_start3A_841 : memref<32x512xf32, #tpu.memory_space<vmem>>) target(%dma_start3A_838 : memref<32x512xf32, #tpu.memory_space<hbm>>) target_semaphore(%arg13 : memref<!tpu.dma_semaphore, #tpu.memory_space<semaphore_mem>>)
    } else {
    }
    %add3A_152 = arith.constant 0 : i32
    %add3A_153 = arith.addi %mul3A_2, %add3A_152 : i32
    %sub3A_154 = arith.constant 1 : i32
    %sub3A_155 = arith.subi %add3A_153, %sub3A_154 : i32
    %lt3A_156 = arith.constant 511 : i32
    %lt3A_157 = arith.cmpi slt, %add3A_153, %lt3A_156 : i32
    %convert_element_type3A_158 = arith.extui %lt3A_157 : i1 to i32
    %cond3A_159 = arith.constant 0 : i32
    %cond3A_160 = arith.cmpi ne, %convert_element_type3A_158, %cond3A_159 : i32
    scf.if %cond3A_160 {
      %dma_wait3A_828 = arith.constant 0 : i32
      %dma_wait3A_829 = arith.constant 0 : i32
      %dma_wait3A_830 = tpu.memref_slice %arg4[%dma_wait3A_828, %dma_wait3A_829] : memref<192x512xf32, #tpu.memory_space<vmem>> -> memref<32x512xf32, #tpu.memory_space<vmem>>
      %dma_wait3A_831 = arith.constant 0 : i32
      %dma_wait3A_832 = arith.constant 0 : i32
      %dma_wait3A_833 = tpu.memref_slice %arg3[%add3A_153, %dma_wait3A_831, %dma_wait3A_832] : memref<511x64x512xf32, #tpu.memory_space<hbm>> -> memref<1x32x512xf32, #tpu.memory_space<hbm>>
      %dma_wait3A_834 = tpu.memref_squeeze %dma_wait3A_833 : memref<1x32x512xf32, #tpu.memory_space<hbm>> -> memref<32x512xf32, #tpu.memory_space<hbm>>
      %dma_wait3A_835 = arith.constant 0 : i32
      %dma_wait3A_836 = arith.constant 0 : i32
      %dma_wait3A_837 = tpu.memref_slice %arg3[%add3A_153, %dma_wait3A_835, %dma_wait3A_836] : memref<511x64x512xf32, #tpu.memory_space<hbm>> -> memref<1x32x512xf32, #tpu.memory_space<hbm>>
      %dma_wait3A_838 = tpu.memref_squeeze %dma_wait3A_837 : memref<1x32x512xf32, #tpu.memory_space<hbm>> -> memref<32x512xf32, #tpu.memory_space<hbm>>
      %dma_wait3A_839 = arith.constant 0 : i32
      %dma_wait3A_840 = arith.constant 0 : i32
      %dma_wait3A_841 = tpu.memref_slice %arg4[%dma_wait3A_839, %dma_wait3A_840] : memref<192x512xf32, #tpu.memory_space<vmem>> -> memref<32x512xf32, #tpu.memory_space<vmem>>
      tpu.wait_dma2 semaphore(%arg11 : memref<!tpu.dma_semaphore, #tpu.memory_space<semaphore_mem>>) src(%dma_wait3A_841 : memref<32x512xf32, #tpu.memory_space<vmem>>) dst(%dma_wait3A_838 : memref<32x512xf32, #tpu.memory_space<hbm>>)
    } else {
    }
    %gt3A_161 = arith.constant 0 : i32
    %gt3A_162 = arith.cmpi sgt, %add3A_153, %gt3A_161 : i32
    %convert_element_type3A_163 = arith.extui %gt3A_162 : i1 to i32
    %cond3A_164 = arith.constant 0 : i32
    %cond3A_165 = arith.cmpi ne, %convert_element_type3A_163, %cond3A_164 : i32
    scf.if %cond3A_165 {
      %dma_wait3A_828 = arith.constant 0 : i32
      %dma_wait3A_829 = arith.constant 0 : i32
      %dma_wait3A_830 = tpu.memref_slice %arg4[%dma_wait3A_828, %dma_wait3A_829] : memref<192x512xf32, #tpu.memory_space<vmem>> -> memref<32x512xf32, #tpu.memory_space<vmem>>
      %dma_wait3A_831 = arith.constant 32 : i32
      %dma_wait3A_832 = arith.constant 0 : i32
      %dma_wait3A_833 = tpu.memref_slice %arg3[%sub3A_155, %dma_wait3A_831, %dma_wait3A_832] : memref<511x64x512xf32, #tpu.memory_space<hbm>> -> memref<1x32x512xf32, #tpu.memory_space<hbm>>
      %dma_wait3A_834 = tpu.memref_squeeze %dma_wait3A_833 : memref<1x32x512xf32, #tpu.memory_space<hbm>> -> memref<32x512xf32, #tpu.memory_space<hbm>>
      %dma_wait3A_835 = arith.constant 32 : i32
      %dma_wait3A_836 = arith.constant 0 : i32
      %dma_wait3A_837 = tpu.memref_slice %arg3[%sub3A_155, %dma_wait3A_835, %dma_wait3A_836] : memref<511x64x512xf32, #tpu.memory_space<hbm>> -> memref<1x32x512xf32, #tpu.memory_space<hbm>>
      %dma_wait3A_838 = tpu.memref_squeeze %dma_wait3A_837 : memref<1x32x512xf32, #tpu.memory_space<hbm>> -> memref<32x512xf32, #tpu.memory_space<hbm>>
      %dma_wait3A_839 = arith.constant 0 : i32
      %dma_wait3A_840 = arith.constant 0 : i32
      %dma_wait3A_841 = tpu.memref_slice %arg4[%dma_wait3A_839, %dma_wait3A_840] : memref<192x512xf32, #tpu.memory_space<vmem>> -> memref<32x512xf32, #tpu.memory_space<vmem>>
      tpu.wait_dma2 semaphore(%arg11 : memref<!tpu.dma_semaphore, #tpu.memory_space<semaphore_mem>>) src(%dma_wait3A_841 : memref<32x512xf32, #tpu.memory_space<vmem>>) dst(%dma_wait3A_838 : memref<32x512xf32, #tpu.memory_space<hbm>>)
    } else {
    }
    %add3A_166 = arith.constant 6 : i32
    %add3A_167 = arith.addi %mul3A_2, %add3A_166 : i32
    %mul3A_168 = arith.constant 32 : i32
    %mul3A_169 = arith.muli %add3A_167, %mul3A_168 : i32
    %dma_start3A_170 = arith.constant 0 : i32
    %dma_start3A_171 = arith.constant 0 : i32
    %dma_start3A_172 = tpu.memref_slice %arg4[%dma_start3A_170, %dma_start3A_171] : memref<192x512xf32, #tpu.memory_space<vmem>> -> memref<32x512xf32, #tpu.memory_space<vmem>>
    %dma_start3A_173 = arith.constant 0 : i32
    %dma_start3A_174 = tpu.memref_slice %arg2[%mul3A_169, %dma_start3A_173] : memref<16384x512xf32, #tpu.memory_space<hbm>> -> memref<32x512xf32, #tpu.memory_space<hbm>>
    %dma_start3A_175 = arith.constant 0 : i32
    %dma_start3A_176 = arith.constant 0 : i32
    %dma_start3A_177 = tpu.memref_slice %arg4[%dma_start3A_175, %dma_start3A_176] : memref<192x512xf32, #tpu.memory_space<vmem>> -> memref<32x512xf32, #tpu.memory_space<vmem>>
    %dma_start3A_178 = arith.constant 0 : i32
    %dma_start3A_179 = tpu.memref_slice %arg2[%mul3A_169, %dma_start3A_178] : memref<16384x512xf32, #tpu.memory_space<hbm>> -> memref<32x512xf32, #tpu.memory_space<hbm>>
    tpu.enqueue_dma source(%dma_start3A_179 : memref<32x512xf32, #tpu.memory_space<hbm>>) target(%dma_start3A_177 : memref<32x512xf32, #tpu.memory_space<vmem>>) target_semaphore(%arg5 : memref<!tpu.dma_semaphore, #tpu.memory_space<semaphore_mem>>)
    %dma_wait3A_180 = arith.constant 96 : i32
    %dma_wait3A_181 = arith.constant 0 : i32
    %dma_wait3A_182 = tpu.memref_slice %arg4[%dma_wait3A_180, %dma_wait3A_181] : memref<192x512xf32, #tpu.memory_space<vmem>> -> memref<32x512xf32, #tpu.memory_space<vmem>>
    %dma_wait3A_183 = arith.constant 0 : i32
    %dma_wait3A_184 = tpu.memref_slice %arg2[%mul3A_47, %dma_wait3A_183] : memref<16384x512xf32, #tpu.memory_space<hbm>> -> memref<32x512xf32, #tpu.memory_space<hbm>>
    %dma_wait3A_185 = arith.constant 96 : i32
    %dma_wait3A_186 = arith.constant 0 : i32
    %dma_wait3A_187 = tpu.memref_slice %arg4[%dma_wait3A_185, %dma_wait3A_186] : memref<192x512xf32, #tpu.memory_space<vmem>> -> memref<32x512xf32, #tpu.memory_space<vmem>>
    %dma_wait3A_188 = arith.constant 0 : i32
    %dma_wait3A_189 = tpu.memref_slice %arg2[%mul3A_47, %dma_wait3A_188] : memref<16384x512xf32, #tpu.memory_space<hbm>> -> memref<32x512xf32, #tpu.memory_space<hbm>>
    tpu.wait_dma2 semaphore(%arg8 : memref<!tpu.dma_semaphore, #tpu.memory_space<semaphore_mem>>) src(%dma_wait3A_189 : memref<32x512xf32, #tpu.memory_space<hbm>>) dst(%dma_wait3A_187 : memref<32x512xf32, #tpu.memory_space<vmem>>)
    %add3A_190 = arith.constant 3 : i32
    %add3A_191 = arith.addi %mul3A_2, %add3A_190 : i32
    %sub3A_192 = arith.constant 1 : i32
    %sub3A_193 = arith.subi %add3A_191, %sub3A_192 : i32
    %lt3A_194 = arith.constant 511 : i32
    %lt3A_195 = arith.cmpi slt, %add3A_191, %lt3A_194 : i32
    %convert_element_type3A_196 = arith.extui %lt3A_195 : i1 to i32
    %cond3A_197 = arith.constant 0 : i32
    %cond3A_198 = arith.cmpi ne, %convert_element_type3A_196, %cond3A_197 : i32
    scf.if %cond3A_198 {
      %dma_start3A_828 = arith.constant 96 : i32
      %dma_start3A_829 = arith.constant 0 : i32
      %dma_start3A_830 = tpu.memref_slice %arg4[%dma_start3A_828, %dma_start3A_829] : memref<192x512xf32, #tpu.memory_space<vmem>> -> memref<32x512xf32, #tpu.memory_space<vmem>>
      %dma_start3A_831 = arith.constant 0 : i32
      %dma_start3A_832 = arith.constant 0 : i32
      %dma_start3A_833 = tpu.memref_slice %arg3[%add3A_191, %dma_start3A_831, %dma_start3A_832] : memref<511x64x512xf32, #tpu.memory_space<hbm>> -> memref<1x32x512xf32, #tpu.memory_space<hbm>>
      %dma_start3A_834 = tpu.memref_squeeze %dma_start3A_833 : memref<1x32x512xf32, #tpu.memory_space<hbm>> -> memref<32x512xf32, #tpu.memory_space<hbm>>
      %dma_start3A_835 = arith.constant 0 : i32
      %dma_start3A_836 = arith.constant 0 : i32
      %dma_start3A_837 = tpu.memref_slice %arg3[%add3A_191, %dma_start3A_835, %dma_start3A_836] : memref<511x64x512xf32, #tpu.memory_space<hbm>> -> memref<1x32x512xf32, #tpu.memory_space<hbm>>
      %dma_start3A_838 = tpu.memref_squeeze %dma_start3A_837 : memref<1x32x512xf32, #tpu.memory_space<hbm>> -> memref<32x512xf32, #tpu.memory_space<hbm>>
      %dma_start3A_839 = arith.constant 96 : i32
      %dma_start3A_840 = arith.constant 0 : i32
      %dma_start3A_841 = tpu.memref_slice %arg4[%dma_start3A_839, %dma_start3A_840] : memref<192x512xf32, #tpu.memory_space<vmem>> -> memref<32x512xf32, #tpu.memory_space<vmem>>
      tpu.enqueue_dma source(%dma_start3A_841 : memref<32x512xf32, #tpu.memory_space<vmem>>) target(%dma_start3A_838 : memref<32x512xf32, #tpu.memory_space<hbm>>) target_semaphore(%arg14 : memref<!tpu.dma_semaphore, #tpu.memory_space<semaphore_mem>>)
    } else {
    }
    %gt3A_199 = arith.constant 0 : i32
    %gt3A_200 = arith.cmpi sgt, %add3A_191, %gt3A_199 : i32
    %convert_element_type3A_201 = arith.extui %gt3A_200 : i1 to i32
    %cond3A_202 = arith.constant 0 : i32
    %cond3A_203 = arith.cmpi ne, %convert_element_type3A_201, %cond3A_202 : i32
    scf.if %cond3A_203 {
      %dma_start3A_828 = arith.constant 96 : i32
      %dma_start3A_829 = arith.constant 0 : i32
      %dma_start3A_830 = tpu.memref_slice %arg4[%dma_start3A_828, %dma_start3A_829] : memref<192x512xf32, #tpu.memory_space<vmem>> -> memref<32x512xf32, #tpu.memory_space<vmem>>
      %dma_start3A_831 = arith.constant 32 : i32
      %dma_start3A_832 = arith.constant 0 : i32
      %dma_start3A_833 = tpu.memref_slice %arg3[%sub3A_193, %dma_start3A_831, %dma_start3A_832] : memref<511x64x512xf32, #tpu.memory_space<hbm>> -> memref<1x32x512xf32, #tpu.memory_space<hbm>>
      %dma_start3A_834 = tpu.memref_squeeze %dma_start3A_833 : memref<1x32x512xf32, #tpu.memory_space<hbm>> -> memref<32x512xf32, #tpu.memory_space<hbm>>
      %dma_start3A_835 = arith.constant 32 : i32
      %dma_start3A_836 = arith.constant 0 : i32
      %dma_start3A_837 = tpu.memref_slice %arg3[%sub3A_193, %dma_start3A_835, %dma_start3A_836] : memref<511x64x512xf32, #tpu.memory_space<hbm>> -> memref<1x32x512xf32, #tpu.memory_space<hbm>>
      %dma_start3A_838 = tpu.memref_squeeze %dma_start3A_837 : memref<1x32x512xf32, #tpu.memory_space<hbm>> -> memref<32x512xf32, #tpu.memory_space<hbm>>
      %dma_start3A_839 = arith.constant 96 : i32
      %dma_start3A_840 = arith.constant 0 : i32
      %dma_start3A_841 = tpu.memref_slice %arg4[%dma_start3A_839, %dma_start3A_840] : memref<192x512xf32, #tpu.memory_space<vmem>> -> memref<32x512xf32, #tpu.memory_space<vmem>>
      tpu.enqueue_dma source(%dma_start3A_841 : memref<32x512xf32, #tpu.memory_space<vmem>>) target(%dma_start3A_838 : memref<32x512xf32, #tpu.memory_space<hbm>>) target_semaphore(%arg14 : memref<!tpu.dma_semaphore, #tpu.memory_space<semaphore_mem>>)
    } else {
    }
    %add3A_204 = arith.constant 1 : i32
    %add3A_205 = arith.addi %mul3A_2, %add3A_204 : i32
    %sub3A_206 = arith.constant 1 : i32
    %sub3A_207 = arith.subi %add3A_205, %sub3A_206 : i32
    %lt3A_208 = arith.constant 511 : i32
    %lt3A_209 = arith.cmpi slt, %add3A_205, %lt3A_208 : i32
    %convert_element_type3A_210 = arith.extui %lt3A_209 : i1 to i32
    %cond3A_211 = arith.constant 0 : i32
    %cond3A_212 = arith.cmpi ne, %convert_element_type3A_210, %cond3A_211 : i32
    scf.if %cond3A_212 {
      %dma_wait3A_828 = arith.constant 32 : i32
      %dma_wait3A_829 = arith.constant 0 : i32
      %dma_wait3A_830 = tpu.memref_slice %arg4[%dma_wait3A_828, %dma_wait3A_829] : memref<192x512xf32, #tpu.memory_space<vmem>> -> memref<32x512xf32, #tpu.memory_space<vmem>>
      %dma_wait3A_831 = arith.constant 0 : i32
      %dma_wait3A_832 = arith.constant 0 : i32
      %dma_wait3A_833 = tpu.memref_slice %arg3[%add3A_205, %dma_wait3A_831, %dma_wait3A_832] : memref<511x64x512xf32, #tpu.memory_space<hbm>> -> memref<1x32x512xf32, #tpu.memory_space<hbm>>
      %dma_wait3A_834 = tpu.memref_squeeze %dma_wait3A_833 : memref<1x32x512xf32, #tpu.memory_space<hbm>> -> memref<32x512xf32, #tpu.memory_space<hbm>>
      %dma_wait3A_835 = arith.constant 0 : i32
      %dma_wait3A_836 = arith.constant 0 : i32
      %dma_wait3A_837 = tpu.memref_slice %arg3[%add3A_205, %dma_wait3A_835, %dma_wait3A_836] : memref<511x64x512xf32, #tpu.memory_space<hbm>> -> memref<1x32x512xf32, #tpu.memory_space<hbm>>
      %dma_wait3A_838 = tpu.memref_squeeze %dma_wait3A_837 : memref<1x32x512xf32, #tpu.memory_space<hbm>> -> memref<32x512xf32, #tpu.memory_space<hbm>>
      %dma_wait3A_839 = arith.constant 32 : i32
      %dma_wait3A_840 = arith.constant 0 : i32
      %dma_wait3A_841 = tpu.memref_slice %arg4[%dma_wait3A_839, %dma_wait3A_840] : memref<192x512xf32, #tpu.memory_space<vmem>> -> memref<32x512xf32, #tpu.memory_space<vmem>>
      tpu.wait_dma2 semaphore(%arg12 : memref<!tpu.dma_semaphore, #tpu.memory_space<semaphore_mem>>) src(%dma_wait3A_841 : memref<32x512xf32, #tpu.memory_space<vmem>>) dst(%dma_wait3A_838 : memref<32x512xf32, #tpu.memory_space<hbm>>)
    } else {
    }
    %gt3A_213 = arith.constant 0 : i32
    %gt3A_214 = arith.cmpi sgt, %add3A_205, %gt3A_213 : i32
    %convert_element_type3A_215 = arith.extui %gt3A_214 : i1 to i32
    %cond3A_216 = arith.constant 0 : i32
    %cond3A_217 = arith.cmpi ne, %convert_element_type3A_215, %cond3A_216 : i32
    scf.if %cond3A_217 {
      %dma_wait3A_828 = arith.constant 32 : i32
      %dma_wait3A_829 = arith.constant 0 : i32
      %dma_wait3A_830 = tpu.memref_slice %arg4[%dma_wait3A_828, %dma_wait3A_829] : memref<192x512xf32, #tpu.memory_space<vmem>> -> memref<32x512xf32, #tpu.memory_space<vmem>>
      %dma_wait3A_831 = arith.constant 32 : i32
      %dma_wait3A_832 = arith.constant 0 : i32
      %dma_wait3A_833 = tpu.memref_slice %arg3[%sub3A_207, %dma_wait3A_831, %dma_wait3A_832] : memref<511x64x512xf32, #tpu.memory_space<hbm>> -> memref<1x32x512xf32, #tpu.memory_space<hbm>>
      %dma_wait3A_834 = tpu.memref_squeeze %dma_wait3A_833 : memref<1x32x512xf32, #tpu.memory_space<hbm>> -> memref<32x512xf32, #tpu.memory_space<hbm>>
      %dma_wait3A_835 = arith.constant 32 : i32
      %dma_wait3A_836 = arith.constant 0 : i32
      %dma_wait3A_837 = tpu.memref_slice %arg3[%sub3A_207, %dma_wait3A_835, %dma_wait3A_836] : memref<511x64x512xf32, #tpu.memory_space<hbm>> -> memref<1x32x512xf32, #tpu.memory_space<hbm>>
      %dma_wait3A_838 = tpu.memref_squeeze %dma_wait3A_837 : memref<1x32x512xf32, #tpu.memory_space<hbm>> -> memref<32x512xf32, #tpu.memory_space<hbm>>
      %dma_wait3A_839 = arith.constant 32 : i32
      %dma_wait3A_840 = arith.constant 0 : i32
      %dma_wait3A_841 = tpu.memref_slice %arg4[%dma_wait3A_839, %dma_wait3A_840] : memref<192x512xf32, #tpu.memory_space<vmem>> -> memref<32x512xf32, #tpu.memory_space<vmem>>
      tpu.wait_dma2 semaphore(%arg12 : memref<!tpu.dma_semaphore, #tpu.memory_space<semaphore_mem>>) src(%dma_wait3A_841 : memref<32x512xf32, #tpu.memory_space<vmem>>) dst(%dma_wait3A_838 : memref<32x512xf32, #tpu.memory_space<hbm>>)
    } else {
    }
    %add3A_218 = arith.constant 7 : i32
    %add3A_219 = arith.addi %mul3A_2, %add3A_218 : i32
    %mul3A_220 = arith.constant 32 : i32
    %mul3A_221 = arith.muli %add3A_219, %mul3A_220 : i32
    %dma_start3A_222 = arith.constant 32 : i32
    %dma_start3A_223 = arith.constant 0 : i32
    %dma_start3A_224 = tpu.memref_slice %arg4[%dma_start3A_222, %dma_start3A_223] : memref<192x512xf32, #tpu.memory_space<vmem>> -> memref<32x512xf32, #tpu.memory_space<vmem>>
    %dma_start3A_225 = arith.constant 0 : i32
    %dma_start3A_226 = tpu.memref_slice %arg2[%mul3A_221, %dma_start3A_225] : memref<16384x512xf32, #tpu.memory_space<hbm>> -> memref<32x512xf32, #tpu.memory_space<hbm>>
    %dma_start3A_227 = arith.constant 32 : i32
    %dma_start3A_228 = arith.constant 0 : i32
    %dma_start3A_229 = tpu.memref_slice %arg4[%dma_start3A_227, %dma_start3A_228] : memref<192x512xf32, #tpu.memory_space<vmem>> -> memref<32x512xf32, #tpu.memory_space<vmem>>
    %dma_start3A_230 = arith.constant 0 : i32
    %dma_start3A_231 = tpu.memref_slice %arg2[%mul3A_221, %dma_start3A_230] : memref<16384x512xf32, #tpu.memory_space<hbm>> -> memref<32x512xf32, #tpu.memory_space<hbm>>
    tpu.enqueue_dma source(%dma_start3A_231 : memref<32x512xf32, #tpu.memory_space<hbm>>) target(%dma_start3A_229 : memref<32x512xf32, #tpu.memory_space<vmem>>) target_semaphore(%arg6 : memref<!tpu.dma_semaphore, #tpu.memory_space<semaphore_mem>>)
    %dma_wait3A_232 = arith.constant 128 : i32
    %dma_wait3A_233 = arith.constant 0 : i32
    %dma_wait3A_234 = tpu.memref_slice %arg4[%dma_wait3A_232, %dma_wait3A_233] : memref<192x512xf32, #tpu.memory_space<vmem>> -> memref<32x512xf32, #tpu.memory_space<vmem>>
    %dma_wait3A_235 = arith.constant 0 : i32
    %dma_wait3A_236 = tpu.memref_slice %arg2[%mul3A_79, %dma_wait3A_235] : memref<16384x512xf32, #tpu.memory_space<hbm>> -> memref<32x512xf32, #tpu.memory_space<hbm>>
    %dma_wait3A_237 = arith.constant 128 : i32
    %dma_wait3A_238 = arith.constant 0 : i32
    %dma_wait3A_239 = tpu.memref_slice %arg4[%dma_wait3A_237, %dma_wait3A_238] : memref<192x512xf32, #tpu.memory_space<vmem>> -> memref<32x512xf32, #tpu.memory_space<vmem>>
    %dma_wait3A_240 = arith.constant 0 : i32
    %dma_wait3A_241 = tpu.memref_slice %arg2[%mul3A_79, %dma_wait3A_240] : memref<16384x512xf32, #tpu.memory_space<hbm>> -> memref<32x512xf32, #tpu.memory_space<hbm>>
    tpu.wait_dma2 semaphore(%arg9 : memref<!tpu.dma_semaphore, #tpu.memory_space<semaphore_mem>>) src(%dma_wait3A_241 : memref<32x512xf32, #tpu.memory_space<hbm>>) dst(%dma_wait3A_239 : memref<32x512xf32, #tpu.memory_space<vmem>>)
    %add3A_242 = arith.constant 4 : i32
    %add3A_243 = arith.addi %mul3A_2, %add3A_242 : i32
    %sub3A_244 = arith.constant 1 : i32
    %sub3A_245 = arith.subi %add3A_243, %sub3A_244 : i32
    %lt3A_246 = arith.constant 511 : i32
    %lt3A_247 = arith.cmpi slt, %add3A_243, %lt3A_246 : i32
    %convert_element_type3A_248 = arith.extui %lt3A_247 : i1 to i32
    %cond3A_249 = arith.constant 0 : i32
    %cond3A_250 = arith.cmpi ne, %convert_element_type3A_248, %cond3A_249 : i32
    scf.if %cond3A_250 {
      %dma_start3A_828 = arith.constant 128 : i32
      %dma_start3A_829 = arith.constant 0 : i32
      %dma_start3A_830 = tpu.memref_slice %arg4[%dma_start3A_828, %dma_start3A_829] : memref<192x512xf32, #tpu.memory_space<vmem>> -> memref<32x512xf32, #tpu.memory_space<vmem>>
      %dma_start3A_831 = arith.constant 0 : i32
      %dma_start3A_832 = arith.constant 0 : i32
      %dma_start3A_833 = tpu.memref_slice %arg3[%add3A_243, %dma_start3A_831, %dma_start3A_832] : memref<511x64x512xf32, #tpu.memory_space<hbm>> -> memref<1x32x512xf32, #tpu.memory_space<hbm>>
      %dma_start3A_834 = tpu.memref_squeeze %dma_start3A_833 : memref<1x32x512xf32, #tpu.memory_space<hbm>> -> memref<32x512xf32, #tpu.memory_space<hbm>>
      %dma_start3A_835 = arith.constant 0 : i32
      %dma_start3A_836 = arith.constant 0 : i32
      %dma_start3A_837 = tpu.memref_slice %arg3[%add3A_243, %dma_start3A_835, %dma_start3A_836] : memref<511x64x512xf32, #tpu.memory_space<hbm>> -> memref<1x32x512xf32, #tpu.memory_space<hbm>>
      %dma_start3A_838 = tpu.memref_squeeze %dma_start3A_837 : memref<1x32x512xf32, #tpu.memory_space<hbm>> -> memref<32x512xf32, #tpu.memory_space<hbm>>
      %dma_start3A_839 = arith.constant 128 : i32
      %dma_start3A_840 = arith.constant 0 : i32
      %dma_start3A_841 = tpu.memref_slice %arg4[%dma_start3A_839, %dma_start3A_840] : memref<192x512xf32, #tpu.memory_space<vmem>> -> memref<32x512xf32, #tpu.memory_space<vmem>>
      tpu.enqueue_dma source(%dma_start3A_841 : memref<32x512xf32, #tpu.memory_space<vmem>>) target(%dma_start3A_838 : memref<32x512xf32, #tpu.memory_space<hbm>>) target_semaphore(%arg15 : memref<!tpu.dma_semaphore, #tpu.memory_space<semaphore_mem>>)
    } else {
    }
    %gt3A_251 = arith.constant 0 : i32
    %gt3A_252 = arith.cmpi sgt, %add3A_243, %gt3A_251 : i32
    %convert_element_type3A_253 = arith.extui %gt3A_252 : i1 to i32
    %cond3A_254 = arith.constant 0 : i32
    %cond3A_255 = arith.cmpi ne, %convert_element_type3A_253, %cond3A_254 : i32
    scf.if %cond3A_255 {
      %dma_start3A_828 = arith.constant 128 : i32
      %dma_start3A_829 = arith.constant 0 : i32
      %dma_start3A_830 = tpu.memref_slice %arg4[%dma_start3A_828, %dma_start3A_829] : memref<192x512xf32, #tpu.memory_space<vmem>> -> memref<32x512xf32, #tpu.memory_space<vmem>>
      %dma_start3A_831 = arith.constant 32 : i32
      %dma_start3A_832 = arith.constant 0 : i32
      %dma_start3A_833 = tpu.memref_slice %arg3[%sub3A_245, %dma_start3A_831, %dma_start3A_832] : memref<511x64x512xf32, #tpu.memory_space<hbm>> -> memref<1x32x512xf32, #tpu.memory_space<hbm>>
      %dma_start3A_834 = tpu.memref_squeeze %dma_start3A_833 : memref<1x32x512xf32, #tpu.memory_space<hbm>> -> memref<32x512xf32, #tpu.memory_space<hbm>>
      %dma_start3A_835 = arith.constant 32 : i32
      %dma_start3A_836 = arith.constant 0 : i32
      %dma_start3A_837 = tpu.memref_slice %arg3[%sub3A_245, %dma_start3A_835, %dma_start3A_836] : memref<511x64x512xf32, #tpu.memory_space<hbm>> -> memref<1x32x512xf32, #tpu.memory_space<hbm>>
      %dma_start3A_838 = tpu.memref_squeeze %dma_start3A_837 : memref<1x32x512xf32, #tpu.memory_space<hbm>> -> memref<32x512xf32, #tpu.memory_space<hbm>>
      %dma_start3A_839 = arith.constant 128 : i32
      %dma_start3A_840 = arith.constant 0 : i32
      %dma_start3A_841 = tpu.memref_slice %arg4[%dma_start3A_839, %dma_start3A_840] : memref<192x512xf32, #tpu.memory_space<vmem>> -> memref<32x512xf32, #tpu.memory_space<vmem>>
      tpu.enqueue_dma source(%dma_start3A_841 : memref<32x512xf32, #tpu.memory_space<vmem>>) target(%dma_start3A_838 : memref<32x512xf32, #tpu.memory_space<hbm>>) target_semaphore(%arg15 : memref<!tpu.dma_semaphore, #tpu.memory_space<semaphore_mem>>)
    } else {
    }
    %add3A_256 = arith.constant 2 : i32
    %add3A_257 = arith.addi %mul3A_2, %add3A_256 : i32
    %sub3A_258 = arith.constant 1 : i32
    %sub3A_259 = arith.subi %add3A_257, %sub3A_258 : i32
    %lt3A_260 = arith.constant 511 : i32
    %lt3A_261 = arith.cmpi slt, %add3A_257, %lt3A_260 : i32
    %convert_element_type3A_262 = arith.extui %lt3A_261 : i1 to i32
    %cond3A_263 = arith.constant 0 : i32
    %cond3A_264 = arith.cmpi ne, %convert_element_type3A_262, %cond3A_263 : i32
    scf.if %cond3A_264 {
      %dma_wait3A_828 = arith.constant 64 : i32
      %dma_wait3A_829 = arith.constant 0 : i32
      %dma_wait3A_830 = tpu.memref_slice %arg4[%dma_wait3A_828, %dma_wait3A_829] : memref<192x512xf32, #tpu.memory_space<vmem>> -> memref<32x512xf32, #tpu.memory_space<vmem>>
      %dma_wait3A_831 = arith.constant 0 : i32
      %dma_wait3A_832 = arith.constant 0 : i32
      %dma_wait3A_833 = tpu.memref_slice %arg3[%add3A_257, %dma_wait3A_831, %dma_wait3A_832] : memref<511x64x512xf32, #tpu.memory_space<hbm>> -> memref<1x32x512xf32, #tpu.memory_space<hbm>>
      %dma_wait3A_834 = tpu.memref_squeeze %dma_wait3A_833 : memref<1x32x512xf32, #tpu.memory_space<hbm>> -> memref<32x512xf32, #tpu.memory_space<hbm>>
      %dma_wait3A_835 = arith.constant 0 : i32
      %dma_wait3A_836 = arith.constant 0 : i32
      %dma_wait3A_837 = tpu.memref_slice %arg3[%add3A_257, %dma_wait3A_835, %dma_wait3A_836] : memref<511x64x512xf32, #tpu.memory_space<hbm>> -> memref<1x32x512xf32, #tpu.memory_space<hbm>>
      %dma_wait3A_838 = tpu.memref_squeeze %dma_wait3A_837 : memref<1x32x512xf32, #tpu.memory_space<hbm>> -> memref<32x512xf32, #tpu.memory_space<hbm>>
      %dma_wait3A_839 = arith.constant 64 : i32
      %dma_wait3A_840 = arith.constant 0 : i32
      %dma_wait3A_841 = tpu.memref_slice %arg4[%dma_wait3A_839, %dma_wait3A_840] : memref<192x512xf32, #tpu.memory_space<vmem>> -> memref<32x512xf32, #tpu.memory_space<vmem>>
      tpu.wait_dma2 semaphore(%arg13 : memref<!tpu.dma_semaphore, #tpu.memory_space<semaphore_mem>>) src(%dma_wait3A_841 : memref<32x512xf32, #tpu.memory_space<vmem>>) dst(%dma_wait3A_838 : memref<32x512xf32, #tpu.memory_space<hbm>>)
    } else {
    }
    %gt3A_265 = arith.constant 0 : i32
    %gt3A_266 = arith.cmpi sgt, %add3A_257, %gt3A_265 : i32
    %convert_element_type3A_267 = arith.extui %gt3A_266 : i1 to i32
    %cond3A_268 = arith.constant 0 : i32
    %cond3A_269 = arith.cmpi ne, %convert_element_type3A_267, %cond3A_268 : i32
    scf.if %cond3A_269 {
      %dma_wait3A_828 = arith.constant 64 : i32
      %dma_wait3A_829 = arith.constant 0 : i32
      %dma_wait3A_830 = tpu.memref_slice %arg4[%dma_wait3A_828, %dma_wait3A_829] : memref<192x512xf32, #tpu.memory_space<vmem>> -> memref<32x512xf32, #tpu.memory_space<vmem>>
      %dma_wait3A_831 = arith.constant 32 : i32
      %dma_wait3A_832 = arith.constant 0 : i32
      %dma_wait3A_833 = tpu.memref_slice %arg3[%sub3A_259, %dma_wait3A_831, %dma_wait3A_832] : memref<511x64x512xf32, #tpu.memory_space<hbm>> -> memref<1x32x512xf32, #tpu.memory_space<hbm>>
      %dma_wait3A_834 = tpu.memref_squeeze %dma_wait3A_833 : memref<1x32x512xf32, #tpu.memory_space<hbm>> -> memref<32x512xf32, #tpu.memory_space<hbm>>
      %dma_wait3A_835 = arith.constant 32 : i32
      %dma_wait3A_836 = arith.constant 0 : i32
      %dma_wait3A_837 = tpu.memref_slice %arg3[%sub3A_259, %dma_wait3A_835, %dma_wait3A_836] : memref<511x64x512xf32, #tpu.memory_space<hbm>> -> memref<1x32x512xf32, #tpu.memory_space<hbm>>
      %dma_wait3A_838 = tpu.memref_squeeze %dma_wait3A_837 : memref<1x32x512xf32, #tpu.memory_space<hbm>> -> memref<32x512xf32, #tpu.memory_space<hbm>>
      %dma_wait3A_839 = arith.constant 64 : i32
      %dma_wait3A_840 = arith.constant 0 : i32
      %dma_wait3A_841 = tpu.memref_slice %arg4[%dma_wait3A_839, %dma_wait3A_840] : memref<192x512xf32, #tpu.memory_space<vmem>> -> memref<32x512xf32, #tpu.memory_space<vmem>>
      tpu.wait_dma2 semaphore(%arg13 : memref<!tpu.dma_semaphore, #tpu.memory_space<semaphore_mem>>) src(%dma_wait3A_841 : memref<32x512xf32, #tpu.memory_space<vmem>>) dst(%dma_wait3A_838 : memref<32x512xf32, #tpu.memory_space<hbm>>)
    } else {
    }
    %add3A_270 = arith.constant 8 : i32
    %add3A_271 = arith.addi %mul3A_2, %add3A_270 : i32
    %mul3A_272 = arith.constant 32 : i32
    %mul3A_273 = arith.muli %add3A_271, %mul3A_272 : i32
    %dma_start3A_274 = arith.constant 64 : i32
    %dma_start3A_275 = arith.constant 0 : i32
    %dma_start3A_276 = tpu.memref_slice %arg4[%dma_start3A_274, %dma_start3A_275] : memref<192x512xf32, #tpu.memory_space<vmem>> -> memref<32x512xf32, #tpu.memory_space<vmem>>
    %dma_start3A_277 = arith.constant 0 : i32
    %dma_start3A_278 = tpu.memref_slice %arg2[%mul3A_273, %dma_start3A_277] : memref<16384x512xf32, #tpu.memory_space<hbm>> -> memref<32x512xf32, #tpu.memory_space<hbm>>
    %dma_start3A_279 = arith.constant 64 : i32
    %dma_start3A_280 = arith.constant 0 : i32
    %dma_start3A_281 = tpu.memref_slice %arg4[%dma_start3A_279, %dma_start3A_280] : memref<192x512xf32, #tpu.memory_space<vmem>> -> memref<32x512xf32, #tpu.memory_space<vmem>>
    %dma_start3A_282 = arith.constant 0 : i32
    %dma_start3A_283 = tpu.memref_slice %arg2[%mul3A_273, %dma_start3A_282] : memref<16384x512xf32, #tpu.memory_space<hbm>> -> memref<32x512xf32, #tpu.memory_space<hbm>>
    tpu.enqueue_dma source(%dma_start3A_283 : memref<32x512xf32, #tpu.memory_space<hbm>>) target(%dma_start3A_281 : memref<32x512xf32, #tpu.memory_space<vmem>>) target_semaphore(%arg7 : memref<!tpu.dma_semaphore, #tpu.memory_space<semaphore_mem>>)
    %dma_wait3A_284 = arith.constant 160 : i32
    %dma_wait3A_285 = arith.constant 0 : i32
    %dma_wait3A_286 = tpu.memref_slice %arg4[%dma_wait3A_284, %dma_wait3A_285] : memref<192x512xf32, #tpu.memory_space<vmem>> -> memref<32x512xf32, #tpu.memory_space<vmem>>
    %dma_wait3A_287 = arith.constant 0 : i32
    %dma_wait3A_288 = tpu.memref_slice %arg2[%mul3A_117, %dma_wait3A_287] : memref<16384x512xf32, #tpu.memory_space<hbm>> -> memref<32x512xf32, #tpu.memory_space<hbm>>
    %dma_wait3A_289 = arith.constant 160 : i32
    %dma_wait3A_290 = arith.constant 0 : i32
    %dma_wait3A_291 = tpu.memref_slice %arg4[%dma_wait3A_289, %dma_wait3A_290] : memref<192x512xf32, #tpu.memory_space<vmem>> -> memref<32x512xf32, #tpu.memory_space<vmem>>
    %dma_wait3A_292 = arith.constant 0 : i32
    %dma_wait3A_293 = tpu.memref_slice %arg2[%mul3A_117, %dma_wait3A_292] : memref<16384x512xf32, #tpu.memory_space<hbm>> -> memref<32x512xf32, #tpu.memory_space<hbm>>
    tpu.wait_dma2 semaphore(%arg10 : memref<!tpu.dma_semaphore, #tpu.memory_space<semaphore_mem>>) src(%dma_wait3A_293 : memref<32x512xf32, #tpu.memory_space<hbm>>) dst(%dma_wait3A_291 : memref<32x512xf32, #tpu.memory_space<vmem>>)
    %add3A_294 = arith.constant 5 : i32
    %add3A_295 = arith.addi %mul3A_2, %add3A_294 : i32
    %sub3A_296 = arith.constant 1 : i32
    %sub3A_297 = arith.subi %add3A_295, %sub3A_296 : i32
    %lt3A_298 = arith.constant 511 : i32
    %lt3A_299 = arith.cmpi slt, %add3A_295, %lt3A_298 : i32
    %convert_element_type3A_300 = arith.extui %lt3A_299 : i1 to i32
    %cond3A_301 = arith.constant 0 : i32
    %cond3A_302 = arith.cmpi ne, %convert_element_type3A_300, %cond3A_301 : i32
    scf.if %cond3A_302 {
      %dma_start3A_828 = arith.constant 160 : i32
      %dma_start3A_829 = arith.constant 0 : i32
      %dma_start3A_830 = tpu.memref_slice %arg4[%dma_start3A_828, %dma_start3A_829] : memref<192x512xf32, #tpu.memory_space<vmem>> -> memref<32x512xf32, #tpu.memory_space<vmem>>
      %dma_start3A_831 = arith.constant 0 : i32
      %dma_start3A_832 = arith.constant 0 : i32
      %dma_start3A_833 = tpu.memref_slice %arg3[%add3A_295, %dma_start3A_831, %dma_start3A_832] : memref<511x64x512xf32, #tpu.memory_space<hbm>> -> memref<1x32x512xf32, #tpu.memory_space<hbm>>
      %dma_start3A_834 = tpu.memref_squeeze %dma_start3A_833 : memref<1x32x512xf32, #tpu.memory_space<hbm>> -> memref<32x512xf32, #tpu.memory_space<hbm>>
      %dma_start3A_835 = arith.constant 0 : i32
      %dma_start3A_836 = arith.constant 0 : i32
      %dma_start3A_837 = tpu.memref_slice %arg3[%add3A_295, %dma_start3A_835, %dma_start3A_836] : memref<511x64x512xf32, #tpu.memory_space<hbm>> -> memref<1x32x512xf32, #tpu.memory_space<hbm>>
      %dma_start3A_838 = tpu.memref_squeeze %dma_start3A_837 : memref<1x32x512xf32, #tpu.memory_space<hbm>> -> memref<32x512xf32, #tpu.memory_space<hbm>>
      %dma_start3A_839 = arith.constant 160 : i32
      %dma_start3A_840 = arith.constant 0 : i32
      %dma_start3A_841 = tpu.memref_slice %arg4[%dma_start3A_839, %dma_start3A_840] : memref<192x512xf32, #tpu.memory_space<vmem>> -> memref<32x512xf32, #tpu.memory_space<vmem>>
      tpu.enqueue_dma source(%dma_start3A_841 : memref<32x512xf32, #tpu.memory_space<vmem>>) target(%dma_start3A_838 : memref<32x512xf32, #tpu.memory_space<hbm>>) target_semaphore(%arg16 : memref<!tpu.dma_semaphore, #tpu.memory_space<semaphore_mem>>)
    } else {
    }
    %gt3A_303 = arith.constant 0 : i32
    %gt3A_304 = arith.cmpi sgt, %add3A_295, %gt3A_303 : i32
    %convert_element_type3A_305 = arith.extui %gt3A_304 : i1 to i32
    %cond3A_306 = arith.constant 0 : i32
    %cond3A_307 = arith.cmpi ne, %convert_element_type3A_305, %cond3A_306 : i32
    scf.if %cond3A_307 {
      %dma_start3A_828 = arith.constant 160 : i32
      %dma_start3A_829 = arith.constant 0 : i32
      %dma_start3A_830 = tpu.memref_slice %arg4[%dma_start3A_828, %dma_start3A_829] : memref<192x512xf32, #tpu.memory_space<vmem>> -> memref<32x512xf32, #tpu.memory_space<vmem>>
      %dma_start3A_831 = arith.constant 32 : i32
      %dma_start3A_832 = arith.constant 0 : i32
      %dma_start3A_833 = tpu.memref_slice %arg3[%sub3A_297, %dma_start3A_831, %dma_start3A_832] : memref<511x64x512xf32, #tpu.memory_space<hbm>> -> memref<1x32x512xf32, #tpu.memory_space<hbm>>
      %dma_start3A_834 = tpu.memref_squeeze %dma_start3A_833 : memref<1x32x512xf32, #tpu.memory_space<hbm>> -> memref<32x512xf32, #tpu.memory_space<hbm>>
      %dma_start3A_835 = arith.constant 32 : i32
      %dma_start3A_836 = arith.constant 0 : i32
      %dma_start3A_837 = tpu.memref_slice %arg3[%sub3A_297, %dma_start3A_835, %dma_start3A_836] : memref<511x64x512xf32, #tpu.memory_space<hbm>> -> memref<1x32x512xf32, #tpu.memory_space<hbm>>
      %dma_start3A_838 = tpu.memref_squeeze %dma_start3A_837 : memref<1x32x512xf32, #tpu.memory_space<hbm>> -> memref<32x512xf32, #tpu.memory_space<hbm>>
      %dma_start3A_839 = arith.constant 160 : i32
      %dma_start3A_840 = arith.constant 0 : i32
      %dma_start3A_841 = tpu.memref_slice %arg4[%dma_start3A_839, %dma_start3A_840] : memref<192x512xf32, #tpu.memory_space<vmem>> -> memref<32x512xf32, #tpu.memory_space<vmem>>
      tpu.enqueue_dma source(%dma_start3A_841 : memref<32x512xf32, #tpu.memory_space<vmem>>) target(%dma_start3A_838 : memref<32x512xf32, #tpu.memory_space<hbm>>) target_semaphore(%arg16 : memref<!tpu.dma_semaphore, #tpu.memory_space<semaphore_mem>>)
    } else {
    }
    %add3A_308 = arith.constant 3 : i32
    %add3A_309 = arith.addi %mul3A_2, %add3A_308 : i32
    %sub3A_310 = arith.constant 1 : i32
    %sub3A_311 = arith.subi %add3A_309, %sub3A_310 : i32
    %lt3A_312 = arith.constant 511 : i32
    %lt3A_313 = arith.cmpi slt, %add3A_309, %lt3A_312 : i32
    %convert_element_type3A_314 = arith.extui %lt3A_313 : i1 to i32
    %cond3A_315 = arith.constant 0 : i32
    %cond3A_316 = arith.cmpi ne, %convert_element_type3A_314, %cond3A_315 : i32
    scf.if %cond3A_316 {
      %dma_wait3A_828 = arith.constant 96 : i32
      %dma_wait3A_829 = arith.constant 0 : i32
      %dma_wait3A_830 = tpu.memref_slice %arg4[%dma_wait3A_828, %dma_wait3A_829] : memref<192x512xf32, #tpu.memory_space<vmem>> -> memref<32x512xf32, #tpu.memory_space<vmem>>
      %dma_wait3A_831 = arith.constant 0 : i32
      %dma_wait3A_832 = arith.constant 0 : i32
      %dma_wait3A_833 = tpu.memref_slice %arg3[%add3A_309, %dma_wait3A_831, %dma_wait3A_832] : memref<511x64x512xf32, #tpu.memory_space<hbm>> -> memref<1x32x512xf32, #tpu.memory_space<hbm>>
      %dma_wait3A_834 = tpu.memref_squeeze %dma_wait3A_833 : memref<1x32x512xf32, #tpu.memory_space<hbm>> -> memref<32x512xf32, #tpu.memory_space<hbm>>
      %dma_wait3A_835 = arith.constant 0 : i32
      %dma_wait3A_836 = arith.constant 0 : i32
      %dma_wait3A_837 = tpu.memref_slice %arg3[%add3A_309, %dma_wait3A_835, %dma_wait3A_836] : memref<511x64x512xf32, #tpu.memory_space<hbm>> -> memref<1x32x512xf32, #tpu.memory_space<hbm>>
      %dma_wait3A_838 = tpu.memref_squeeze %dma_wait3A_837 : memref<1x32x512xf32, #tpu.memory_space<hbm>> -> memref<32x512xf32, #tpu.memory_space<hbm>>
      %dma_wait3A_839 = arith.constant 96 : i32
      %dma_wait3A_840 = arith.constant 0 : i32
      %dma_wait3A_841 = tpu.memref_slice %arg4[%dma_wait3A_839, %dma_wait3A_840] : memref<192x512xf32, #tpu.memory_space<vmem>> -> memref<32x512xf32, #tpu.memory_space<vmem>>
      tpu.wait_dma2 semaphore(%arg14 : memref<!tpu.dma_semaphore, #tpu.memory_space<semaphore_mem>>) src(%dma_wait3A_841 : memref<32x512xf32, #tpu.memory_space<vmem>>) dst(%dma_wait3A_838 : memref<32x512xf32, #tpu.memory_space<hbm>>)
    } else {
    }
    %gt3A_317 = arith.constant 0 : i32
    %gt3A_318 = arith.cmpi sgt, %add3A_309, %gt3A_317 : i32
    %convert_element_type3A_319 = arith.extui %gt3A_318 : i1 to i32
    %cond3A_320 = arith.constant 0 : i32
    %cond3A_321 = arith.cmpi ne, %convert_element_type3A_319, %cond3A_320 : i32
    scf.if %cond3A_321 {
      %dma_wait3A_828 = arith.constant 96 : i32
      %dma_wait3A_829 = arith.constant 0 : i32
      %dma_wait3A_830 = tpu.memref_slice %arg4[%dma_wait3A_828, %dma_wait3A_829] : memref<192x512xf32, #tpu.memory_space<vmem>> -> memref<32x512xf32, #tpu.memory_space<vmem>>
      %dma_wait3A_831 = arith.constant 32 : i32
      %dma_wait3A_832 = arith.constant 0 : i32
      %dma_wait3A_833 = tpu.memref_slice %arg3[%sub3A_311, %dma_wait3A_831, %dma_wait3A_832] : memref<511x64x512xf32, #tpu.memory_space<hbm>> -> memref<1x32x512xf32, #tpu.memory_space<hbm>>
      %dma_wait3A_834 = tpu.memref_squeeze %dma_wait3A_833 : memref<1x32x512xf32, #tpu.memory_space<hbm>> -> memref<32x512xf32, #tpu.memory_space<hbm>>
      %dma_wait3A_835 = arith.constant 32 : i32
      %dma_wait3A_836 = arith.constant 0 : i32
      %dma_wait3A_837 = tpu.memref_slice %arg3[%sub3A_311, %dma_wait3A_835, %dma_wait3A_836] : memref<511x64x512xf32, #tpu.memory_space<hbm>> -> memref<1x32x512xf32, #tpu.memory_space<hbm>>
      %dma_wait3A_838 = tpu.memref_squeeze %dma_wait3A_837 : memref<1x32x512xf32, #tpu.memory_space<hbm>> -> memref<32x512xf32, #tpu.memory_space<hbm>>
      %dma_wait3A_839 = arith.constant 96 : i32
      %dma_wait3A_840 = arith.constant 0 : i32
      %dma_wait3A_841 = tpu.memref_slice %arg4[%dma_wait3A_839, %dma_wait3A_840] : memref<192x512xf32, #tpu.memory_space<vmem>> -> memref<32x512xf32, #tpu.memory_space<vmem>>
      tpu.wait_dma2 semaphore(%arg14 : memref<!tpu.dma_semaphore, #tpu.memory_space<semaphore_mem>>) src(%dma_wait3A_841 : memref<32x512xf32, #tpu.memory_space<vmem>>) dst(%dma_wait3A_838 : memref<32x512xf32, #tpu.memory_space<hbm>>)
    } else {
    }
    %add3A_322 = arith.constant 9 : i32
    %add3A_323 = arith.addi %mul3A_2, %add3A_322 : i32
    %mul3A_324 = arith.constant 32 : i32
    %mul3A_325 = arith.muli %add3A_323, %mul3A_324 : i32
    %dma_start3A_326 = arith.constant 96 : i32
    %dma_start3A_327 = arith.constant 0 : i32
    %dma_start3A_328 = tpu.memref_slice %arg4[%dma_start3A_326, %dma_start3A_327] : memref<192x512xf32, #tpu.memory_space<vmem>> -> memref<32x512xf32, #tpu.memory_space<vmem>>
    %dma_start3A_329 = arith.constant 0 : i32
    %dma_start3A_330 = tpu.memref_slice %arg2[%mul3A_325, %dma_start3A_329] : memref<16384x512xf32, #tpu.memory_space<hbm>> -> memref<32x512xf32, #tpu.memory_space<hbm>>
    %dma_start3A_331 = arith.constant 96 : i32
    %dma_start3A_332 = arith.constant 0 : i32
    %dma_start3A_333 = tpu.memref_slice %arg4[%dma_start3A_331, %dma_start3A_332] : memref<192x512xf32, #tpu.memory_space<vmem>> -> memref<32x512xf32, #tpu.memory_space<vmem>>
    %dma_start3A_334 = arith.constant 0 : i32
    %dma_start3A_335 = tpu.memref_slice %arg2[%mul3A_325, %dma_start3A_334] : memref<16384x512xf32, #tpu.memory_space<hbm>> -> memref<32x512xf32, #tpu.memory_space<hbm>>
    tpu.enqueue_dma source(%dma_start3A_335 : memref<32x512xf32, #tpu.memory_space<hbm>>) target(%dma_start3A_333 : memref<32x512xf32, #tpu.memory_space<vmem>>) target_semaphore(%arg8 : memref<!tpu.dma_semaphore, #tpu.memory_space<semaphore_mem>>)
    %dma_wait3A_336 = arith.constant 0 : i32
    %dma_wait3A_337 = arith.constant 0 : i32
    %dma_wait3A_338 = tpu.memref_slice %arg4[%dma_wait3A_336, %dma_wait3A_337] : memref<192x512xf32, #tpu.memory_space<vmem>> -> memref<32x512xf32, #tpu.memory_space<vmem>>
    %dma_wait3A_339 = arith.constant 0 : i32
    %dma_wait3A_340 = tpu.memref_slice %arg2[%mul3A_169, %dma_wait3A_339] : memref<16384x512xf32, #tpu.memory_space<hbm>> -> memref<32x512xf32, #tpu.memory_space<hbm>>
    %dma_wait3A_341 = arith.constant 0 : i32
    %dma_wait3A_342 = arith.constant 0 : i32
    %dma_wait3A_343 = tpu.memref_slice %arg4[%dma_wait3A_341, %dma_wait3A_342] : memref<192x512xf32, #tpu.memory_space<vmem>> -> memref<32x512xf32, #tpu.memory_space<vmem>>
    %dma_wait3A_344 = arith.constant 0 : i32
    %dma_wait3A_345 = tpu.memref_slice %arg2[%mul3A_169, %dma_wait3A_344] : memref<16384x512xf32, #tpu.memory_space<hbm>> -> memref<32x512xf32, #tpu.memory_space<hbm>>
    tpu.wait_dma2 semaphore(%arg5 : memref<!tpu.dma_semaphore, #tpu.memory_space<semaphore_mem>>) src(%dma_wait3A_345 : memref<32x512xf32, #tpu.memory_space<hbm>>) dst(%dma_wait3A_343 : memref<32x512xf32, #tpu.memory_space<vmem>>)
    %add3A_346 = arith.constant 6 : i32
    %add3A_347 = arith.addi %mul3A_2, %add3A_346 : i32
    %sub3A_348 = arith.constant 1 : i32
    %sub3A_349 = arith.subi %add3A_347, %sub3A_348 : i32
    %lt3A_350 = arith.constant 511 : i32
    %lt3A_351 = arith.cmpi slt, %add3A_347, %lt3A_350 : i32
    %convert_element_type3A_352 = arith.extui %lt3A_351 : i1 to i32
    %cond3A_353 = arith.constant 0 : i32
    %cond3A_354 = arith.cmpi ne, %convert_element_type3A_352, %cond3A_353 : i32
    scf.if %cond3A_354 {
      %dma_start3A_828 = arith.constant 0 : i32
      %dma_start3A_829 = arith.constant 0 : i32
      %dma_start3A_830 = tpu.memref_slice %arg4[%dma_start3A_828, %dma_start3A_829] : memref<192x512xf32, #tpu.memory_space<vmem>> -> memref<32x512xf32, #tpu.memory_space<vmem>>
      %dma_start3A_831 = arith.constant 0 : i32
      %dma_start3A_832 = arith.constant 0 : i32
      %dma_start3A_833 = tpu.memref_slice %arg3[%add3A_347, %dma_start3A_831, %dma_start3A_832] : memref<511x64x512xf32, #tpu.memory_space<hbm>> -> memref<1x32x512xf32, #tpu.memory_space<hbm>>
      %dma_start3A_834 = tpu.memref_squeeze %dma_start3A_833 : memref<1x32x512xf32, #tpu.memory_space<hbm>> -> memref<32x512xf32, #tpu.memory_space<hbm>>
      %dma_start3A_835 = arith.constant 0 : i32
      %dma_start3A_836 = arith.constant 0 : i32
      %dma_start3A_837 = tpu.memref_slice %arg3[%add3A_347, %dma_start3A_835, %dma_start3A_836] : memref<511x64x512xf32, #tpu.memory_space<hbm>> -> memref<1x32x512xf32, #tpu.memory_space<hbm>>
      %dma_start3A_838 = tpu.memref_squeeze %dma_start3A_837 : memref<1x32x512xf32, #tpu.memory_space<hbm>> -> memref<32x512xf32, #tpu.memory_space<hbm>>
      %dma_start3A_839 = arith.constant 0 : i32
      %dma_start3A_840 = arith.constant 0 : i32
      %dma_start3A_841 = tpu.memref_slice %arg4[%dma_start3A_839, %dma_start3A_840] : memref<192x512xf32, #tpu.memory_space<vmem>> -> memref<32x512xf32, #tpu.memory_space<vmem>>
      tpu.enqueue_dma source(%dma_start3A_841 : memref<32x512xf32, #tpu.memory_space<vmem>>) target(%dma_start3A_838 : memref<32x512xf32, #tpu.memory_space<hbm>>) target_semaphore(%arg11 : memref<!tpu.dma_semaphore, #tpu.memory_space<semaphore_mem>>)
    } else {
    }
    %gt3A_355 = arith.constant 0 : i32
    %gt3A_356 = arith.cmpi sgt, %add3A_347, %gt3A_355 : i32
    %convert_element_type3A_357 = arith.extui %gt3A_356 : i1 to i32
    %cond3A_358 = arith.constant 0 : i32
    %cond3A_359 = arith.cmpi ne, %convert_element_type3A_357, %cond3A_358 : i32
    scf.if %cond3A_359 {
      %dma_start3A_828 = arith.constant 0 : i32
      %dma_start3A_829 = arith.constant 0 : i32
      %dma_start3A_830 = tpu.memref_slice %arg4[%dma_start3A_828, %dma_start3A_829] : memref<192x512xf32, #tpu.memory_space<vmem>> -> memref<32x512xf32, #tpu.memory_space<vmem>>
      %dma_start3A_831 = arith.constant 32 : i32
      %dma_start3A_832 = arith.constant 0 : i32
      %dma_start3A_833 = tpu.memref_slice %arg3[%sub3A_349, %dma_start3A_831, %dma_start3A_832] : memref<511x64x512xf32, #tpu.memory_space<hbm>> -> memref<1x32x512xf32, #tpu.memory_space<hbm>>
      %dma_start3A_834 = tpu.memref_squeeze %dma_start3A_833 : memref<1x32x512xf32, #tpu.memory_space<hbm>> -> memref<32x512xf32, #tpu.memory_space<hbm>>
      %dma_start3A_835 = arith.constant 32 : i32
      %dma_start3A_836 = arith.constant 0 : i32
      %dma_start3A_837 = tpu.memref_slice %arg3[%sub3A_349, %dma_start3A_835, %dma_start3A_836] : memref<511x64x512xf32, #tpu.memory_space<hbm>> -> memref<1x32x512xf32, #tpu.memory_space<hbm>>
      %dma_start3A_838 = tpu.memref_squeeze %dma_start3A_837 : memref<1x32x512xf32, #tpu.memory_space<hbm>> -> memref<32x512xf32, #tpu.memory_space<hbm>>
      %dma_start3A_839 = arith.constant 0 : i32
      %dma_start3A_840 = arith.constant 0 : i32
      %dma_start3A_841 = tpu.memref_slice %arg4[%dma_start3A_839, %dma_start3A_840] : memref<192x512xf32, #tpu.memory_space<vmem>> -> memref<32x512xf32, #tpu.memory_space<vmem>>
      tpu.enqueue_dma source(%dma_start3A_841 : memref<32x512xf32, #tpu.memory_space<vmem>>) target(%dma_start3A_838 : memref<32x512xf32, #tpu.memory_space<hbm>>) target_semaphore(%arg11 : memref<!tpu.dma_semaphore, #tpu.memory_space<semaphore_mem>>)
    } else {
    }
    %add3A_360 = arith.constant 4 : i32
    %add3A_361 = arith.addi %mul3A_2, %add3A_360 : i32
    %sub3A_362 = arith.constant 1 : i32
    %sub3A_363 = arith.subi %add3A_361, %sub3A_362 : i32
    %lt3A_364 = arith.constant 511 : i32
    %lt3A_365 = arith.cmpi slt, %add3A_361, %lt3A_364 : i32
    %convert_element_type3A_366 = arith.extui %lt3A_365 : i1 to i32
    %cond3A_367 = arith.constant 0 : i32
    %cond3A_368 = arith.cmpi ne, %convert_element_type3A_366, %cond3A_367 : i32
    scf.if %cond3A_368 {
      %dma_wait3A_828 = arith.constant 128 : i32
      %dma_wait3A_829 = arith.constant 0 : i32
      %dma_wait3A_830 = tpu.memref_slice %arg4[%dma_wait3A_828, %dma_wait3A_829] : memref<192x512xf32, #tpu.memory_space<vmem>> -> memref<32x512xf32, #tpu.memory_space<vmem>>
      %dma_wait3A_831 = arith.constant 0 : i32
      %dma_wait3A_832 = arith.constant 0 : i32
      %dma_wait3A_833 = tpu.memref_slice %arg3[%add3A_361, %dma_wait3A_831, %dma_wait3A_832] : memref<511x64x512xf32, #tpu.memory_space<hbm>> -> memref<1x32x512xf32, #tpu.memory_space<hbm>>
      %dma_wait3A_834 = tpu.memref_squeeze %dma_wait3A_833 : memref<1x32x512xf32, #tpu.memory_space<hbm>> -> memref<32x512xf32, #tpu.memory_space<hbm>>
      %dma_wait3A_835 = arith.constant 0 : i32
      %dma_wait3A_836 = arith.constant 0 : i32
      %dma_wait3A_837 = tpu.memref_slice %arg3[%add3A_361, %dma_wait3A_835, %dma_wait3A_836] : memref<511x64x512xf32, #tpu.memory_space<hbm>> -> memref<1x32x512xf32, #tpu.memory_space<hbm>>
      %dma_wait3A_838 = tpu.memref_squeeze %dma_wait3A_837 : memref<1x32x512xf32, #tpu.memory_space<hbm>> -> memref<32x512xf32, #tpu.memory_space<hbm>>
      %dma_wait3A_839 = arith.constant 128 : i32
      %dma_wait3A_840 = arith.constant 0 : i32
      %dma_wait3A_841 = tpu.memref_slice %arg4[%dma_wait3A_839, %dma_wait3A_840] : memref<192x512xf32, #tpu.memory_space<vmem>> -> memref<32x512xf32, #tpu.memory_space<vmem>>
      tpu.wait_dma2 semaphore(%arg15 : memref<!tpu.dma_semaphore, #tpu.memory_space<semaphore_mem>>) src(%dma_wait3A_841 : memref<32x512xf32, #tpu.memory_space<vmem>>) dst(%dma_wait3A_838 : memref<32x512xf32, #tpu.memory_space<hbm>>)
    } else {
    }
    %gt3A_369 = arith.constant 0 : i32
    %gt3A_370 = arith.cmpi sgt, %add3A_361, %gt3A_369 : i32
    %convert_element_type3A_371 = arith.extui %gt3A_370 : i1 to i32
    %cond3A_372 = arith.constant 0 : i32
    %cond3A_373 = arith.cmpi ne, %convert_element_type3A_371, %cond3A_372 : i32
    scf.if %cond3A_373 {
      %dma_wait3A_828 = arith.constant 128 : i32
      %dma_wait3A_829 = arith.constant 0 : i32
      %dma_wait3A_830 = tpu.memref_slice %arg4[%dma_wait3A_828, %dma_wait3A_829] : memref<192x512xf32, #tpu.memory_space<vmem>> -> memref<32x512xf32, #tpu.memory_space<vmem>>
      %dma_wait3A_831 = arith.constant 32 : i32
      %dma_wait3A_832 = arith.constant 0 : i32
      %dma_wait3A_833 = tpu.memref_slice %arg3[%sub3A_363, %dma_wait3A_831, %dma_wait3A_832] : memref<511x64x512xf32, #tpu.memory_space<hbm>> -> memref<1x32x512xf32, #tpu.memory_space<hbm>>
      %dma_wait3A_834 = tpu.memref_squeeze %dma_wait3A_833 : memref<1x32x512xf32, #tpu.memory_space<hbm>> -> memref<32x512xf32, #tpu.memory_space<hbm>>
      %dma_wait3A_835 = arith.constant 32 : i32
      %dma_wait3A_836 = arith.constant 0 : i32
      %dma_wait3A_837 = tpu.memref_slice %arg3[%sub3A_363, %dma_wait3A_835, %dma_wait3A_836] : memref<511x64x512xf32, #tpu.memory_space<hbm>> -> memref<1x32x512xf32, #tpu.memory_space<hbm>>
      %dma_wait3A_838 = tpu.memref_squeeze %dma_wait3A_837 : memref<1x32x512xf32, #tpu.memory_space<hbm>> -> memref<32x512xf32, #tpu.memory_space<hbm>>
      %dma_wait3A_839 = arith.constant 128 : i32
      %dma_wait3A_840 = arith.constant 0 : i32
      %dma_wait3A_841 = tpu.memref_slice %arg4[%dma_wait3A_839, %dma_wait3A_840] : memref<192x512xf32, #tpu.memory_space<vmem>> -> memref<32x512xf32, #tpu.memory_space<vmem>>
      tpu.wait_dma2 semaphore(%arg15 : memref<!tpu.dma_semaphore, #tpu.memory_space<semaphore_mem>>) src(%dma_wait3A_841 : memref<32x512xf32, #tpu.memory_space<vmem>>) dst(%dma_wait3A_838 : memref<32x512xf32, #tpu.memory_space<hbm>>)
    } else {
    }
    %add3A_374 = arith.constant 10 : i32
    %add3A_375 = arith.addi %mul3A_2, %add3A_374 : i32
    %mul3A_376 = arith.constant 32 : i32
    %mul3A_377 = arith.muli %add3A_375, %mul3A_376 : i32
    %dma_start3A_378 = arith.constant 128 : i32
    %dma_start3A_379 = arith.constant 0 : i32
    %dma_start3A_380 = tpu.memref_slice %arg4[%dma_start3A_378, %dma_start3A_379] : memref<192x512xf32, #tpu.memory_space<vmem>> -> memref<32x512xf32, #tpu.memory_space<vmem>>
    %dma_start3A_381 = arith.constant 0 : i32
    %dma_start3A_382 = tpu.memref_slice %arg2[%mul3A_377, %dma_start3A_381] : memref<16384x512xf32, #tpu.memory_space<hbm>> -> memref<32x512xf32, #tpu.memory_space<hbm>>
    %dma_start3A_383 = arith.constant 128 : i32
    %dma_start3A_384 = arith.constant 0 : i32
    %dma_start3A_385 = tpu.memref_slice %arg4[%dma_start3A_383, %dma_start3A_384] : memref<192x512xf32, #tpu.memory_space<vmem>> -> memref<32x512xf32, #tpu.memory_space<vmem>>
    %dma_start3A_386 = arith.constant 0 : i32
    %dma_start3A_387 = tpu.memref_slice %arg2[%mul3A_377, %dma_start3A_386] : memref<16384x512xf32, #tpu.memory_space<hbm>> -> memref<32x512xf32, #tpu.memory_space<hbm>>
    tpu.enqueue_dma source(%dma_start3A_387 : memref<32x512xf32, #tpu.memory_space<hbm>>) target(%dma_start3A_385 : memref<32x512xf32, #tpu.memory_space<vmem>>) target_semaphore(%arg9 : memref<!tpu.dma_semaphore, #tpu.memory_space<semaphore_mem>>)
    %dma_wait3A_388 = arith.constant 32 : i32
    %dma_wait3A_389 = arith.constant 0 : i32
    %dma_wait3A_390 = tpu.memref_slice %arg4[%dma_wait3A_388, %dma_wait3A_389] : memref<192x512xf32, #tpu.memory_space<vmem>> -> memref<32x512xf32, #tpu.memory_space<vmem>>
    %dma_wait3A_391 = arith.constant 0 : i32
    %dma_wait3A_392 = tpu.memref_slice %arg2[%mul3A_221, %dma_wait3A_391] : memref<16384x512xf32, #tpu.memory_space<hbm>> -> memref<32x512xf32, #tpu.memory_space<hbm>>
    %dma_wait3A_393 = arith.constant 32 : i32
    %dma_wait3A_394 = arith.constant 0 : i32
    %dma_wait3A_395 = tpu.memref_slice %arg4[%dma_wait3A_393, %dma_wait3A_394] : memref<192x512xf32, #tpu.memory_space<vmem>> -> memref<32x512xf32, #tpu.memory_space<vmem>>
    %dma_wait3A_396 = arith.constant 0 : i32
    %dma_wait3A_397 = tpu.memref_slice %arg2[%mul3A_221, %dma_wait3A_396] : memref<16384x512xf32, #tpu.memory_space<hbm>> -> memref<32x512xf32, #tpu.memory_space<hbm>>
    tpu.wait_dma2 semaphore(%arg6 : memref<!tpu.dma_semaphore, #tpu.memory_space<semaphore_mem>>) src(%dma_wait3A_397 : memref<32x512xf32, #tpu.memory_space<hbm>>) dst(%dma_wait3A_395 : memref<32x512xf32, #tpu.memory_space<vmem>>)
    %add3A_398 = arith.constant 7 : i32
    %add3A_399 = arith.addi %mul3A_2, %add3A_398 : i32
    %sub3A_400 = arith.constant 1 : i32
    %sub3A_401 = arith.subi %add3A_399, %sub3A_400 : i32
    %lt3A_402 = arith.constant 511 : i32
    %lt3A_403 = arith.cmpi slt, %add3A_399, %lt3A_402 : i32
    %convert_element_type3A_404 = arith.extui %lt3A_403 : i1 to i32
    %cond3A_405 = arith.constant 0 : i32
    %cond3A_406 = arith.cmpi ne, %convert_element_type3A_404, %cond3A_405 : i32
    scf.if %cond3A_406 {
      %dma_start3A_828 = arith.constant 32 : i32
      %dma_start3A_829 = arith.constant 0 : i32
      %dma_start3A_830 = tpu.memref_slice %arg4[%dma_start3A_828, %dma_start3A_829] : memref<192x512xf32, #tpu.memory_space<vmem>> -> memref<32x512xf32, #tpu.memory_space<vmem>>
      %dma_start3A_831 = arith.constant 0 : i32
      %dma_start3A_832 = arith.constant 0 : i32
      %dma_start3A_833 = tpu.memref_slice %arg3[%add3A_399, %dma_start3A_831, %dma_start3A_832] : memref<511x64x512xf32, #tpu.memory_space<hbm>> -> memref<1x32x512xf32, #tpu.memory_space<hbm>>
      %dma_start3A_834 = tpu.memref_squeeze %dma_start3A_833 : memref<1x32x512xf32, #tpu.memory_space<hbm>> -> memref<32x512xf32, #tpu.memory_space<hbm>>
      %dma_start3A_835 = arith.constant 0 : i32
      %dma_start3A_836 = arith.constant 0 : i32
      %dma_start3A_837 = tpu.memref_slice %arg3[%add3A_399, %dma_start3A_835, %dma_start3A_836] : memref<511x64x512xf32, #tpu.memory_space<hbm>> -> memref<1x32x512xf32, #tpu.memory_space<hbm>>
      %dma_start3A_838 = tpu.memref_squeeze %dma_start3A_837 : memref<1x32x512xf32, #tpu.memory_space<hbm>> -> memref<32x512xf32, #tpu.memory_space<hbm>>
      %dma_start3A_839 = arith.constant 32 : i32
      %dma_start3A_840 = arith.constant 0 : i32
      %dma_start3A_841 = tpu.memref_slice %arg4[%dma_start3A_839, %dma_start3A_840] : memref<192x512xf32, #tpu.memory_space<vmem>> -> memref<32x512xf32, #tpu.memory_space<vmem>>
      tpu.enqueue_dma source(%dma_start3A_841 : memref<32x512xf32, #tpu.memory_space<vmem>>) target(%dma_start3A_838 : memref<32x512xf32, #tpu.memory_space<hbm>>) target_semaphore(%arg12 : memref<!tpu.dma_semaphore, #tpu.memory_space<semaphore_mem>>)
    } else {
    }
    %gt3A_407 = arith.constant 0 : i32
    %gt3A_408 = arith.cmpi sgt, %add3A_399, %gt3A_407 : i32
    %convert_element_type3A_409 = arith.extui %gt3A_408 : i1 to i32
    %cond3A_410 = arith.constant 0 : i32
    %cond3A_411 = arith.cmpi ne, %convert_element_type3A_409, %cond3A_410 : i32
    scf.if %cond3A_411 {
      %dma_start3A_828 = arith.constant 32 : i32
      %dma_start3A_829 = arith.constant 0 : i32
      %dma_start3A_830 = tpu.memref_slice %arg4[%dma_start3A_828, %dma_start3A_829] : memref<192x512xf32, #tpu.memory_space<vmem>> -> memref<32x512xf32, #tpu.memory_space<vmem>>
      %dma_start3A_831 = arith.constant 32 : i32
      %dma_start3A_832 = arith.constant 0 : i32
      %dma_start3A_833 = tpu.memref_slice %arg3[%sub3A_401, %dma_start3A_831, %dma_start3A_832] : memref<511x64x512xf32, #tpu.memory_space<hbm>> -> memref<1x32x512xf32, #tpu.memory_space<hbm>>
      %dma_start3A_834 = tpu.memref_squeeze %dma_start3A_833 : memref<1x32x512xf32, #tpu.memory_space<hbm>> -> memref<32x512xf32, #tpu.memory_space<hbm>>
      %dma_start3A_835 = arith.constant 32 : i32
      %dma_start3A_836 = arith.constant 0 : i32
      %dma_start3A_837 = tpu.memref_slice %arg3[%sub3A_401, %dma_start3A_835, %dma_start3A_836] : memref<511x64x512xf32, #tpu.memory_space<hbm>> -> memref<1x32x512xf32, #tpu.memory_space<hbm>>
      %dma_start3A_838 = tpu.memref_squeeze %dma_start3A_837 : memref<1x32x512xf32, #tpu.memory_space<hbm>> -> memref<32x512xf32, #tpu.memory_space<hbm>>
      %dma_start3A_839 = arith.constant 32 : i32
      %dma_start3A_840 = arith.constant 0 : i32
      %dma_start3A_841 = tpu.memref_slice %arg4[%dma_start3A_839, %dma_start3A_840] : memref<192x512xf32, #tpu.memory_space<vmem>> -> memref<32x512xf32, #tpu.memory_space<vmem>>
      tpu.enqueue_dma source(%dma_start3A_841 : memref<32x512xf32, #tpu.memory_space<vmem>>) target(%dma_start3A_838 : memref<32x512xf32, #tpu.memory_space<hbm>>) target_semaphore(%arg12 : memref<!tpu.dma_semaphore, #tpu.memory_space<semaphore_mem>>)
    } else {
    }
    %add3A_412 = arith.constant 5 : i32
    %add3A_413 = arith.addi %mul3A_2, %add3A_412 : i32
    %sub3A_414 = arith.constant 1 : i32
    %sub3A_415 = arith.subi %add3A_413, %sub3A_414 : i32
    %lt3A_416 = arith.constant 511 : i32
    %lt3A_417 = arith.cmpi slt, %add3A_413, %lt3A_416 : i32
    %convert_element_type3A_418 = arith.extui %lt3A_417 : i1 to i32
    %cond3A_419 = arith.constant 0 : i32
    %cond3A_420 = arith.cmpi ne, %convert_element_type3A_418, %cond3A_419 : i32
    scf.if %cond3A_420 {
      %dma_wait3A_828 = arith.constant 160 : i32
      %dma_wait3A_829 = arith.constant 0 : i32
      %dma_wait3A_830 = tpu.memref_slice %arg4[%dma_wait3A_828, %dma_wait3A_829] : memref<192x512xf32, #tpu.memory_space<vmem>> -> memref<32x512xf32, #tpu.memory_space<vmem>>
      %dma_wait3A_831 = arith.constant 0 : i32
      %dma_wait3A_832 = arith.constant 0 : i32
      %dma_wait3A_833 = tpu.memref_slice %arg3[%add3A_413, %dma_wait3A_831, %dma_wait3A_832] : memref<511x64x512xf32, #tpu.memory_space<hbm>> -> memref<1x32x512xf32, #tpu.memory_space<hbm>>
      %dma_wait3A_834 = tpu.memref_squeeze %dma_wait3A_833 : memref<1x32x512xf32, #tpu.memory_space<hbm>> -> memref<32x512xf32, #tpu.memory_space<hbm>>
      %dma_wait3A_835 = arith.constant 0 : i32
      %dma_wait3A_836 = arith.constant 0 : i32
      %dma_wait3A_837 = tpu.memref_slice %arg3[%add3A_413, %dma_wait3A_835, %dma_wait3A_836] : memref<511x64x512xf32, #tpu.memory_space<hbm>> -> memref<1x32x512xf32, #tpu.memory_space<hbm>>
      %dma_wait3A_838 = tpu.memref_squeeze %dma_wait3A_837 : memref<1x32x512xf32, #tpu.memory_space<hbm>> -> memref<32x512xf32, #tpu.memory_space<hbm>>
      %dma_wait3A_839 = arith.constant 160 : i32
      %dma_wait3A_840 = arith.constant 0 : i32
      %dma_wait3A_841 = tpu.memref_slice %arg4[%dma_wait3A_839, %dma_wait3A_840] : memref<192x512xf32, #tpu.memory_space<vmem>> -> memref<32x512xf32, #tpu.memory_space<vmem>>
      tpu.wait_dma2 semaphore(%arg16 : memref<!tpu.dma_semaphore, #tpu.memory_space<semaphore_mem>>) src(%dma_wait3A_841 : memref<32x512xf32, #tpu.memory_space<vmem>>) dst(%dma_wait3A_838 : memref<32x512xf32, #tpu.memory_space<hbm>>)
    } else {
    }
    %gt3A_421 = arith.constant 0 : i32
    %gt3A_422 = arith.cmpi sgt, %add3A_413, %gt3A_421 : i32
    %convert_element_type3A_423 = arith.extui %gt3A_422 : i1 to i32
    %cond3A_424 = arith.constant 0 : i32
    %cond3A_425 = arith.cmpi ne, %convert_element_type3A_423, %cond3A_424 : i32
    scf.if %cond3A_425 {
      %dma_wait3A_828 = arith.constant 160 : i32
      %dma_wait3A_829 = arith.constant 0 : i32
      %dma_wait3A_830 = tpu.memref_slice %arg4[%dma_wait3A_828, %dma_wait3A_829] : memref<192x512xf32, #tpu.memory_space<vmem>> -> memref<32x512xf32, #tpu.memory_space<vmem>>
      %dma_wait3A_831 = arith.constant 32 : i32
      %dma_wait3A_832 = arith.constant 0 : i32
      %dma_wait3A_833 = tpu.memref_slice %arg3[%sub3A_415, %dma_wait3A_831, %dma_wait3A_832] : memref<511x64x512xf32, #tpu.memory_space<hbm>> -> memref<1x32x512xf32, #tpu.memory_space<hbm>>
      %dma_wait3A_834 = tpu.memref_squeeze %dma_wait3A_833 : memref<1x32x512xf32, #tpu.memory_space<hbm>> -> memref<32x512xf32, #tpu.memory_space<hbm>>
      %dma_wait3A_835 = arith.constant 32 : i32
      %dma_wait3A_836 = arith.constant 0 : i32
      %dma_wait3A_837 = tpu.memref_slice %arg3[%sub3A_415, %dma_wait3A_835, %dma_wait3A_836] : memref<511x64x512xf32, #tpu.memory_space<hbm>> -> memref<1x32x512xf32, #tpu.memory_space<hbm>>
      %dma_wait3A_838 = tpu.memref_squeeze %dma_wait3A_837 : memref<1x32x512xf32, #tpu.memory_space<hbm>> -> memref<32x512xf32, #tpu.memory_space<hbm>>
      %dma_wait3A_839 = arith.constant 160 : i32
      %dma_wait3A_840 = arith.constant 0 : i32
      %dma_wait3A_841 = tpu.memref_slice %arg4[%dma_wait3A_839, %dma_wait3A_840] : memref<192x512xf32, #tpu.memory_space<vmem>> -> memref<32x512xf32, #tpu.memory_space<vmem>>
      tpu.wait_dma2 semaphore(%arg16 : memref<!tpu.dma_semaphore, #tpu.memory_space<semaphore_mem>>) src(%dma_wait3A_841 : memref<32x512xf32, #tpu.memory_space<vmem>>) dst(%dma_wait3A_838 : memref<32x512xf32, #tpu.memory_space<hbm>>)
    } else {
    }
    %add3A_426 = arith.constant 11 : i32
    %add3A_427 = arith.addi %mul3A_2, %add3A_426 : i32
    %mul3A_428 = arith.constant 32 : i32
    %mul3A_429 = arith.muli %add3A_427, %mul3A_428 : i32
    %dma_start3A_430 = arith.constant 160 : i32
    %dma_start3A_431 = arith.constant 0 : i32
    %dma_start3A_432 = tpu.memref_slice %arg4[%dma_start3A_430, %dma_start3A_431] : memref<192x512xf32, #tpu.memory_space<vmem>> -> memref<32x512xf32, #tpu.memory_space<vmem>>
    %dma_start3A_433 = arith.constant 0 : i32
    %dma_start3A_434 = tpu.memref_slice %arg2[%mul3A_429, %dma_start3A_433] : memref<16384x512xf32, #tpu.memory_space<hbm>> -> memref<32x512xf32, #tpu.memory_space<hbm>>
    %dma_start3A_435 = arith.constant 160 : i32
    %dma_start3A_436 = arith.constant 0 : i32
    %dma_start3A_437 = tpu.memref_slice %arg4[%dma_start3A_435, %dma_start3A_436] : memref<192x512xf32, #tpu.memory_space<vmem>> -> memref<32x512xf32, #tpu.memory_space<vmem>>
    %dma_start3A_438 = arith.constant 0 : i32
    %dma_start3A_439 = tpu.memref_slice %arg2[%mul3A_429, %dma_start3A_438] : memref<16384x512xf32, #tpu.memory_space<hbm>> -> memref<32x512xf32, #tpu.memory_space<hbm>>
    tpu.enqueue_dma source(%dma_start3A_439 : memref<32x512xf32, #tpu.memory_space<hbm>>) target(%dma_start3A_437 : memref<32x512xf32, #tpu.memory_space<vmem>>) target_semaphore(%arg10 : memref<!tpu.dma_semaphore, #tpu.memory_space<semaphore_mem>>)
    %dma_wait3A_440 = arith.constant 64 : i32
    %dma_wait3A_441 = arith.constant 0 : i32
    %dma_wait3A_442 = tpu.memref_slice %arg4[%dma_wait3A_440, %dma_wait3A_441] : memref<192x512xf32, #tpu.memory_space<vmem>> -> memref<32x512xf32, #tpu.memory_space<vmem>>
    %dma_wait3A_443 = arith.constant 0 : i32
    %dma_wait3A_444 = tpu.memref_slice %arg2[%mul3A_273, %dma_wait3A_443] : memref<16384x512xf32, #tpu.memory_space<hbm>> -> memref<32x512xf32, #tpu.memory_space<hbm>>
    %dma_wait3A_445 = arith.constant 64 : i32
    %dma_wait3A_446 = arith.constant 0 : i32
    %dma_wait3A_447 = tpu.memref_slice %arg4[%dma_wait3A_445, %dma_wait3A_446] : memref<192x512xf32, #tpu.memory_space<vmem>> -> memref<32x512xf32, #tpu.memory_space<vmem>>
    %dma_wait3A_448 = arith.constant 0 : i32
    %dma_wait3A_449 = tpu.memref_slice %arg2[%mul3A_273, %dma_wait3A_448] : memref<16384x512xf32, #tpu.memory_space<hbm>> -> memref<32x512xf32, #tpu.memory_space<hbm>>
    tpu.wait_dma2 semaphore(%arg7 : memref<!tpu.dma_semaphore, #tpu.memory_space<semaphore_mem>>) src(%dma_wait3A_449 : memref<32x512xf32, #tpu.memory_space<hbm>>) dst(%dma_wait3A_447 : memref<32x512xf32, #tpu.memory_space<vmem>>)
    %add3A_450 = arith.constant 8 : i32
    %add3A_451 = arith.addi %mul3A_2, %add3A_450 : i32
    %sub3A_452 = arith.constant 1 : i32
    %sub3A_453 = arith.subi %add3A_451, %sub3A_452 : i32
    %lt3A_454 = arith.constant 511 : i32
    %lt3A_455 = arith.cmpi slt, %add3A_451, %lt3A_454 : i32
    %convert_element_type3A_456 = arith.extui %lt3A_455 : i1 to i32
    %cond3A_457 = arith.constant 0 : i32
    %cond3A_458 = arith.cmpi ne, %convert_element_type3A_456, %cond3A_457 : i32
    scf.if %cond3A_458 {
      %dma_start3A_828 = arith.constant 64 : i32
      %dma_start3A_829 = arith.constant 0 : i32
      %dma_start3A_830 = tpu.memref_slice %arg4[%dma_start3A_828, %dma_start3A_829] : memref<192x512xf32, #tpu.memory_space<vmem>> -> memref<32x512xf32, #tpu.memory_space<vmem>>
      %dma_start3A_831 = arith.constant 0 : i32
      %dma_start3A_832 = arith.constant 0 : i32
      %dma_start3A_833 = tpu.memref_slice %arg3[%add3A_451, %dma_start3A_831, %dma_start3A_832] : memref<511x64x512xf32, #tpu.memory_space<hbm>> -> memref<1x32x512xf32, #tpu.memory_space<hbm>>
      %dma_start3A_834 = tpu.memref_squeeze %dma_start3A_833 : memref<1x32x512xf32, #tpu.memory_space<hbm>> -> memref<32x512xf32, #tpu.memory_space<hbm>>
      %dma_start3A_835 = arith.constant 0 : i32
      %dma_start3A_836 = arith.constant 0 : i32
      %dma_start3A_837 = tpu.memref_slice %arg3[%add3A_451, %dma_start3A_835, %dma_start3A_836] : memref<511x64x512xf32, #tpu.memory_space<hbm>> -> memref<1x32x512xf32, #tpu.memory_space<hbm>>
      %dma_start3A_838 = tpu.memref_squeeze %dma_start3A_837 : memref<1x32x512xf32, #tpu.memory_space<hbm>> -> memref<32x512xf32, #tpu.memory_space<hbm>>
      %dma_start3A_839 = arith.constant 64 : i32
      %dma_start3A_840 = arith.constant 0 : i32
      %dma_start3A_841 = tpu.memref_slice %arg4[%dma_start3A_839, %dma_start3A_840] : memref<192x512xf32, #tpu.memory_space<vmem>> -> memref<32x512xf32, #tpu.memory_space<vmem>>
      tpu.enqueue_dma source(%dma_start3A_841 : memref<32x512xf32, #tpu.memory_space<vmem>>) target(%dma_start3A_838 : memref<32x512xf32, #tpu.memory_space<hbm>>) target_semaphore(%arg13 : memref<!tpu.dma_semaphore, #tpu.memory_space<semaphore_mem>>)
    } else {
    }
    %gt3A_459 = arith.constant 0 : i32
    %gt3A_460 = arith.cmpi sgt, %add3A_451, %gt3A_459 : i32
    %convert_element_type3A_461 = arith.extui %gt3A_460 : i1 to i32
    %cond3A_462 = arith.constant 0 : i32
    %cond3A_463 = arith.cmpi ne, %convert_element_type3A_461, %cond3A_462 : i32
    scf.if %cond3A_463 {
      %dma_start3A_828 = arith.constant 64 : i32
      %dma_start3A_829 = arith.constant 0 : i32
      %dma_start3A_830 = tpu.memref_slice %arg4[%dma_start3A_828, %dma_start3A_829] : memref<192x512xf32, #tpu.memory_space<vmem>> -> memref<32x512xf32, #tpu.memory_space<vmem>>
      %dma_start3A_831 = arith.constant 32 : i32
      %dma_start3A_832 = arith.constant 0 : i32
      %dma_start3A_833 = tpu.memref_slice %arg3[%sub3A_453, %dma_start3A_831, %dma_start3A_832] : memref<511x64x512xf32, #tpu.memory_space<hbm>> -> memref<1x32x512xf32, #tpu.memory_space<hbm>>
      %dma_start3A_834 = tpu.memref_squeeze %dma_start3A_833 : memref<1x32x512xf32, #tpu.memory_space<hbm>> -> memref<32x512xf32, #tpu.memory_space<hbm>>
      %dma_start3A_835 = arith.constant 32 : i32
      %dma_start3A_836 = arith.constant 0 : i32
      %dma_start3A_837 = tpu.memref_slice %arg3[%sub3A_453, %dma_start3A_835, %dma_start3A_836] : memref<511x64x512xf32, #tpu.memory_space<hbm>> -> memref<1x32x512xf32, #tpu.memory_space<hbm>>
      %dma_start3A_838 = tpu.memref_squeeze %dma_start3A_837 : memref<1x32x512xf32, #tpu.memory_space<hbm>> -> memref<32x512xf32, #tpu.memory_space<hbm>>
      %dma_start3A_839 = arith.constant 64 : i32
      %dma_start3A_840 = arith.constant 0 : i32
      %dma_start3A_841 = tpu.memref_slice %arg4[%dma_start3A_839, %dma_start3A_840] : memref<192x512xf32, #tpu.memory_space<vmem>> -> memref<32x512xf32, #tpu.memory_space<vmem>>
      tpu.enqueue_dma source(%dma_start3A_841 : memref<32x512xf32, #tpu.memory_space<vmem>>) target(%dma_start3A_838 : memref<32x512xf32, #tpu.memory_space<hbm>>) target_semaphore(%arg13 : memref<!tpu.dma_semaphore, #tpu.memory_space<semaphore_mem>>)
    } else {
    }
    %add3A_464 = arith.constant 6 : i32
    %add3A_465 = arith.addi %mul3A_2, %add3A_464 : i32
    %sub3A_466 = arith.constant 1 : i32
    %sub3A_467 = arith.subi %add3A_465, %sub3A_466 : i32
    %lt3A_468 = arith.constant 511 : i32
    %lt3A_469 = arith.cmpi slt, %add3A_465, %lt3A_468 : i32
    %convert_element_type3A_470 = arith.extui %lt3A_469 : i1 to i32
    %cond3A_471 = arith.constant 0 : i32
    %cond3A_472 = arith.cmpi ne, %convert_element_type3A_470, %cond3A_471 : i32
    scf.if %cond3A_472 {
      %dma_wait3A_828 = arith.constant 0 : i32
      %dma_wait3A_829 = arith.constant 0 : i32
      %dma_wait3A_830 = tpu.memref_slice %arg4[%dma_wait3A_828, %dma_wait3A_829] : memref<192x512xf32, #tpu.memory_space<vmem>> -> memref<32x512xf32, #tpu.memory_space<vmem>>
      %dma_wait3A_831 = arith.constant 0 : i32
      %dma_wait3A_832 = arith.constant 0 : i32
      %dma_wait3A_833 = tpu.memref_slice %arg3[%add3A_465, %dma_wait3A_831, %dma_wait3A_832] : memref<511x64x512xf32, #tpu.memory_space<hbm>> -> memref<1x32x512xf32, #tpu.memory_space<hbm>>
      %dma_wait3A_834 = tpu.memref_squeeze %dma_wait3A_833 : memref<1x32x512xf32, #tpu.memory_space<hbm>> -> memref<32x512xf32, #tpu.memory_space<hbm>>
      %dma_wait3A_835 = arith.constant 0 : i32
      %dma_wait3A_836 = arith.constant 0 : i32
      %dma_wait3A_837 = tpu.memref_slice %arg3[%add3A_465, %dma_wait3A_835, %dma_wait3A_836] : memref<511x64x512xf32, #tpu.memory_space<hbm>> -> memref<1x32x512xf32, #tpu.memory_space<hbm>>
      %dma_wait3A_838 = tpu.memref_squeeze %dma_wait3A_837 : memref<1x32x512xf32, #tpu.memory_space<hbm>> -> memref<32x512xf32, #tpu.memory_space<hbm>>
      %dma_wait3A_839 = arith.constant 0 : i32
      %dma_wait3A_840 = arith.constant 0 : i32
      %dma_wait3A_841 = tpu.memref_slice %arg4[%dma_wait3A_839, %dma_wait3A_840] : memref<192x512xf32, #tpu.memory_space<vmem>> -> memref<32x512xf32, #tpu.memory_space<vmem>>
      tpu.wait_dma2 semaphore(%arg11 : memref<!tpu.dma_semaphore, #tpu.memory_space<semaphore_mem>>) src(%dma_wait3A_841 : memref<32x512xf32, #tpu.memory_space<vmem>>) dst(%dma_wait3A_838 : memref<32x512xf32, #tpu.memory_space<hbm>>)
    } else {
    }
    %gt3A_473 = arith.constant 0 : i32
    %gt3A_474 = arith.cmpi sgt, %add3A_465, %gt3A_473 : i32
    %convert_element_type3A_475 = arith.extui %gt3A_474 : i1 to i32
    %cond3A_476 = arith.constant 0 : i32
    %cond3A_477 = arith.cmpi ne, %convert_element_type3A_475, %cond3A_476 : i32
    scf.if %cond3A_477 {
      %dma_wait3A_828 = arith.constant 0 : i32
      %dma_wait3A_829 = arith.constant 0 : i32
      %dma_wait3A_830 = tpu.memref_slice %arg4[%dma_wait3A_828, %dma_wait3A_829] : memref<192x512xf32, #tpu.memory_space<vmem>> -> memref<32x512xf32, #tpu.memory_space<vmem>>
      %dma_wait3A_831 = arith.constant 32 : i32
      %dma_wait3A_832 = arith.constant 0 : i32
      %dma_wait3A_833 = tpu.memref_slice %arg3[%sub3A_467, %dma_wait3A_831, %dma_wait3A_832] : memref<511x64x512xf32, #tpu.memory_space<hbm>> -> memref<1x32x512xf32, #tpu.memory_space<hbm>>
      %dma_wait3A_834 = tpu.memref_squeeze %dma_wait3A_833 : memref<1x32x512xf32, #tpu.memory_space<hbm>> -> memref<32x512xf32, #tpu.memory_space<hbm>>
      %dma_wait3A_835 = arith.constant 32 : i32
      %dma_wait3A_836 = arith.constant 0 : i32
      %dma_wait3A_837 = tpu.memref_slice %arg3[%sub3A_467, %dma_wait3A_835, %dma_wait3A_836] : memref<511x64x512xf32, #tpu.memory_space<hbm>> -> memref<1x32x512xf32, #tpu.memory_space<hbm>>
      %dma_wait3A_838 = tpu.memref_squeeze %dma_wait3A_837 : memref<1x32x512xf32, #tpu.memory_space<hbm>> -> memref<32x512xf32, #tpu.memory_space<hbm>>
      %dma_wait3A_839 = arith.constant 0 : i32
      %dma_wait3A_840 = arith.constant 0 : i32
      %dma_wait3A_841 = tpu.memref_slice %arg4[%dma_wait3A_839, %dma_wait3A_840] : memref<192x512xf32, #tpu.memory_space<vmem>> -> memref<32x512xf32, #tpu.memory_space<vmem>>
      tpu.wait_dma2 semaphore(%arg11 : memref<!tpu.dma_semaphore, #tpu.memory_space<semaphore_mem>>) src(%dma_wait3A_841 : memref<32x512xf32, #tpu.memory_space<vmem>>) dst(%dma_wait3A_838 : memref<32x512xf32, #tpu.memory_space<hbm>>)
    } else {
    }
    %add3A_478 = arith.constant 12 : i32
    %add3A_479 = arith.addi %mul3A_2, %add3A_478 : i32
    %mul3A_480 = arith.constant 32 : i32
    %mul3A_481 = arith.muli %add3A_479, %mul3A_480 : i32
    %dma_start3A_482 = arith.constant 0 : i32
    %dma_start3A_483 = arith.constant 0 : i32
    %dma_start3A_484 = tpu.memref_slice %arg4[%dma_start3A_482, %dma_start3A_483] : memref<192x512xf32, #tpu.memory_space<vmem>> -> memref<32x512xf32, #tpu.memory_space<vmem>>
    %dma_start3A_485 = arith.constant 0 : i32
    %dma_start3A_486 = tpu.memref_slice %arg2[%mul3A_481, %dma_start3A_485] : memref<16384x512xf32, #tpu.memory_space<hbm>> -> memref<32x512xf32, #tpu.memory_space<hbm>>
    %dma_start3A_487 = arith.constant 0 : i32
    %dma_start3A_488 = arith.constant 0 : i32
    %dma_start3A_489 = tpu.memref_slice %arg4[%dma_start3A_487, %dma_start3A_488] : memref<192x512xf32, #tpu.memory_space<vmem>> -> memref<32x512xf32, #tpu.memory_space<vmem>>
    %dma_start3A_490 = arith.constant 0 : i32
    %dma_start3A_491 = tpu.memref_slice %arg2[%mul3A_481, %dma_start3A_490] : memref<16384x512xf32, #tpu.memory_space<hbm>> -> memref<32x512xf32, #tpu.memory_space<hbm>>
    tpu.enqueue_dma source(%dma_start3A_491 : memref<32x512xf32, #tpu.memory_space<hbm>>) target(%dma_start3A_489 : memref<32x512xf32, #tpu.memory_space<vmem>>) target_semaphore(%arg5 : memref<!tpu.dma_semaphore, #tpu.memory_space<semaphore_mem>>)
    %dma_wait3A_492 = arith.constant 96 : i32
    %dma_wait3A_493 = arith.constant 0 : i32
    %dma_wait3A_494 = tpu.memref_slice %arg4[%dma_wait3A_492, %dma_wait3A_493] : memref<192x512xf32, #tpu.memory_space<vmem>> -> memref<32x512xf32, #tpu.memory_space<vmem>>
    %dma_wait3A_495 = arith.constant 0 : i32
    %dma_wait3A_496 = tpu.memref_slice %arg2[%mul3A_325, %dma_wait3A_495] : memref<16384x512xf32, #tpu.memory_space<hbm>> -> memref<32x512xf32, #tpu.memory_space<hbm>>
    %dma_wait3A_497 = arith.constant 96 : i32
    %dma_wait3A_498 = arith.constant 0 : i32
    %dma_wait3A_499 = tpu.memref_slice %arg4[%dma_wait3A_497, %dma_wait3A_498] : memref<192x512xf32, #tpu.memory_space<vmem>> -> memref<32x512xf32, #tpu.memory_space<vmem>>
    %dma_wait3A_500 = arith.constant 0 : i32
    %dma_wait3A_501 = tpu.memref_slice %arg2[%mul3A_325, %dma_wait3A_500] : memref<16384x512xf32, #tpu.memory_space<hbm>> -> memref<32x512xf32, #tpu.memory_space<hbm>>
    tpu.wait_dma2 semaphore(%arg8 : memref<!tpu.dma_semaphore, #tpu.memory_space<semaphore_mem>>) src(%dma_wait3A_501 : memref<32x512xf32, #tpu.memory_space<hbm>>) dst(%dma_wait3A_499 : memref<32x512xf32, #tpu.memory_space<vmem>>)
    %add3A_502 = arith.constant 9 : i32
    %add3A_503 = arith.addi %mul3A_2, %add3A_502 : i32
    %sub3A_504 = arith.constant 1 : i32
    %sub3A_505 = arith.subi %add3A_503, %sub3A_504 : i32
    %lt3A_506 = arith.constant 511 : i32
    %lt3A_507 = arith.cmpi slt, %add3A_503, %lt3A_506 : i32
    %convert_element_type3A_508 = arith.extui %lt3A_507 : i1 to i32
    %cond3A_509 = arith.constant 0 : i32
    %cond3A_510 = arith.cmpi ne, %convert_element_type3A_508, %cond3A_509 : i32
    scf.if %cond3A_510 {
      %dma_start3A_828 = arith.constant 96 : i32
      %dma_start3A_829 = arith.constant 0 : i32
      %dma_start3A_830 = tpu.memref_slice %arg4[%dma_start3A_828, %dma_start3A_829] : memref<192x512xf32, #tpu.memory_space<vmem>> -> memref<32x512xf32, #tpu.memory_space<vmem>>
      %dma_start3A_831 = arith.constant 0 : i32
      %dma_start3A_832 = arith.constant 0 : i32
      %dma_start3A_833 = tpu.memref_slice %arg3[%add3A_503, %dma_start3A_831, %dma_start3A_832] : memref<511x64x512xf32, #tpu.memory_space<hbm>> -> memref<1x32x512xf32, #tpu.memory_space<hbm>>
      %dma_start3A_834 = tpu.memref_squeeze %dma_start3A_833 : memref<1x32x512xf32, #tpu.memory_space<hbm>> -> memref<32x512xf32, #tpu.memory_space<hbm>>
      %dma_start3A_835 = arith.constant 0 : i32
      %dma_start3A_836 = arith.constant 0 : i32
      %dma_start3A_837 = tpu.memref_slice %arg3[%add3A_503, %dma_start3A_835, %dma_start3A_836] : memref<511x64x512xf32, #tpu.memory_space<hbm>> -> memref<1x32x512xf32, #tpu.memory_space<hbm>>
      %dma_start3A_838 = tpu.memref_squeeze %dma_start3A_837 : memref<1x32x512xf32, #tpu.memory_space<hbm>> -> memref<32x512xf32, #tpu.memory_space<hbm>>
      %dma_start3A_839 = arith.constant 96 : i32
      %dma_start3A_840 = arith.constant 0 : i32
      %dma_start3A_841 = tpu.memref_slice %arg4[%dma_start3A_839, %dma_start3A_840] : memref<192x512xf32, #tpu.memory_space<vmem>> -> memref<32x512xf32, #tpu.memory_space<vmem>>
      tpu.enqueue_dma source(%dma_start3A_841 : memref<32x512xf32, #tpu.memory_space<vmem>>) target(%dma_start3A_838 : memref<32x512xf32, #tpu.memory_space<hbm>>) target_semaphore(%arg14 : memref<!tpu.dma_semaphore, #tpu.memory_space<semaphore_mem>>)
    } else {
    }
    %gt3A_511 = arith.constant 0 : i32
    %gt3A_512 = arith.cmpi sgt, %add3A_503, %gt3A_511 : i32
    %convert_element_type3A_513 = arith.extui %gt3A_512 : i1 to i32
    %cond3A_514 = arith.constant 0 : i32
    %cond3A_515 = arith.cmpi ne, %convert_element_type3A_513, %cond3A_514 : i32
    scf.if %cond3A_515 {
      %dma_start3A_828 = arith.constant 96 : i32
      %dma_start3A_829 = arith.constant 0 : i32
      %dma_start3A_830 = tpu.memref_slice %arg4[%dma_start3A_828, %dma_start3A_829] : memref<192x512xf32, #tpu.memory_space<vmem>> -> memref<32x512xf32, #tpu.memory_space<vmem>>
      %dma_start3A_831 = arith.constant 32 : i32
      %dma_start3A_832 = arith.constant 0 : i32
      %dma_start3A_833 = tpu.memref_slice %arg3[%sub3A_505, %dma_start3A_831, %dma_start3A_832] : memref<511x64x512xf32, #tpu.memory_space<hbm>> -> memref<1x32x512xf32, #tpu.memory_space<hbm>>
      %dma_start3A_834 = tpu.memref_squeeze %dma_start3A_833 : memref<1x32x512xf32, #tpu.memory_space<hbm>> -> memref<32x512xf32, #tpu.memory_space<hbm>>
      %dma_start3A_835 = arith.constant 32 : i32
      %dma_start3A_836 = arith.constant 0 : i32
      %dma_start3A_837 = tpu.memref_slice %arg3[%sub3A_505, %dma_start3A_835, %dma_start3A_836] : memref<511x64x512xf32, #tpu.memory_space<hbm>> -> memref<1x32x512xf32, #tpu.memory_space<hbm>>
      %dma_start3A_838 = tpu.memref_squeeze %dma_start3A_837 : memref<1x32x512xf32, #tpu.memory_space<hbm>> -> memref<32x512xf32, #tpu.memory_space<hbm>>
      %dma_start3A_839 = arith.constant 96 : i32
      %dma_start3A_840 = arith.constant 0 : i32
      %dma_start3A_841 = tpu.memref_slice %arg4[%dma_start3A_839, %dma_start3A_840] : memref<192x512xf32, #tpu.memory_space<vmem>> -> memref<32x512xf32, #tpu.memory_space<vmem>>
      tpu.enqueue_dma source(%dma_start3A_841 : memref<32x512xf32, #tpu.memory_space<vmem>>) target(%dma_start3A_838 : memref<32x512xf32, #tpu.memory_space<hbm>>) target_semaphore(%arg14 : memref<!tpu.dma_semaphore, #tpu.memory_space<semaphore_mem>>)
    } else {
    }
    %add3A_516 = arith.constant 7 : i32
    %add3A_517 = arith.addi %mul3A_2, %add3A_516 : i32
    %sub3A_518 = arith.constant 1 : i32
    %sub3A_519 = arith.subi %add3A_517, %sub3A_518 : i32
    %lt3A_520 = arith.constant 511 : i32
    %lt3A_521 = arith.cmpi slt, %add3A_517, %lt3A_520 : i32
    %convert_element_type3A_522 = arith.extui %lt3A_521 : i1 to i32
    %cond3A_523 = arith.constant 0 : i32
    %cond3A_524 = arith.cmpi ne, %convert_element_type3A_522, %cond3A_523 : i32
    scf.if %cond3A_524 {
      %dma_wait3A_828 = arith.constant 32 : i32
      %dma_wait3A_829 = arith.constant 0 : i32
      %dma_wait3A_830 = tpu.memref_slice %arg4[%dma_wait3A_828, %dma_wait3A_829] : memref<192x512xf32, #tpu.memory_space<vmem>> -> memref<32x512xf32, #tpu.memory_space<vmem>>
      %dma_wait3A_831 = arith.constant 0 : i32
      %dma_wait3A_832 = arith.constant 0 : i32
      %dma_wait3A_833 = tpu.memref_slice %arg3[%add3A_517, %dma_wait3A_831, %dma_wait3A_832] : memref<511x64x512xf32, #tpu.memory_space<hbm>> -> memref<1x32x512xf32, #tpu.memory_space<hbm>>
      %dma_wait3A_834 = tpu.memref_squeeze %dma_wait3A_833 : memref<1x32x512xf32, #tpu.memory_space<hbm>> -> memref<32x512xf32, #tpu.memory_space<hbm>>
      %dma_wait3A_835 = arith.constant 0 : i32
      %dma_wait3A_836 = arith.constant 0 : i32
      %dma_wait3A_837 = tpu.memref_slice %arg3[%add3A_517, %dma_wait3A_835, %dma_wait3A_836] : memref<511x64x512xf32, #tpu.memory_space<hbm>> -> memref<1x32x512xf32, #tpu.memory_space<hbm>>
      %dma_wait3A_838 = tpu.memref_squeeze %dma_wait3A_837 : memref<1x32x512xf32, #tpu.memory_space<hbm>> -> memref<32x512xf32, #tpu.memory_space<hbm>>
      %dma_wait3A_839 = arith.constant 32 : i32
      %dma_wait3A_840 = arith.constant 0 : i32
      %dma_wait3A_841 = tpu.memref_slice %arg4[%dma_wait3A_839, %dma_wait3A_840] : memref<192x512xf32, #tpu.memory_space<vmem>> -> memref<32x512xf32, #tpu.memory_space<vmem>>
      tpu.wait_dma2 semaphore(%arg12 : memref<!tpu.dma_semaphore, #tpu.memory_space<semaphore_mem>>) src(%dma_wait3A_841 : memref<32x512xf32, #tpu.memory_space<vmem>>) dst(%dma_wait3A_838 : memref<32x512xf32, #tpu.memory_space<hbm>>)
    } else {
    }
    %gt3A_525 = arith.constant 0 : i32
    %gt3A_526 = arith.cmpi sgt, %add3A_517, %gt3A_525 : i32
    %convert_element_type3A_527 = arith.extui %gt3A_526 : i1 to i32
    %cond3A_528 = arith.constant 0 : i32
    %cond3A_529 = arith.cmpi ne, %convert_element_type3A_527, %cond3A_528 : i32
    scf.if %cond3A_529 {
      %dma_wait3A_828 = arith.constant 32 : i32
      %dma_wait3A_829 = arith.constant 0 : i32
      %dma_wait3A_830 = tpu.memref_slice %arg4[%dma_wait3A_828, %dma_wait3A_829] : memref<192x512xf32, #tpu.memory_space<vmem>> -> memref<32x512xf32, #tpu.memory_space<vmem>>
      %dma_wait3A_831 = arith.constant 32 : i32
      %dma_wait3A_832 = arith.constant 0 : i32
      %dma_wait3A_833 = tpu.memref_slice %arg3[%sub3A_519, %dma_wait3A_831, %dma_wait3A_832] : memref<511x64x512xf32, #tpu.memory_space<hbm>> -> memref<1x32x512xf32, #tpu.memory_space<hbm>>
      %dma_wait3A_834 = tpu.memref_squeeze %dma_wait3A_833 : memref<1x32x512xf32, #tpu.memory_space<hbm>> -> memref<32x512xf32, #tpu.memory_space<hbm>>
      %dma_wait3A_835 = arith.constant 32 : i32
      %dma_wait3A_836 = arith.constant 0 : i32
      %dma_wait3A_837 = tpu.memref_slice %arg3[%sub3A_519, %dma_wait3A_835, %dma_wait3A_836] : memref<511x64x512xf32, #tpu.memory_space<hbm>> -> memref<1x32x512xf32, #tpu.memory_space<hbm>>
      %dma_wait3A_838 = tpu.memref_squeeze %dma_wait3A_837 : memref<1x32x512xf32, #tpu.memory_space<hbm>> -> memref<32x512xf32, #tpu.memory_space<hbm>>
      %dma_wait3A_839 = arith.constant 32 : i32
      %dma_wait3A_840 = arith.constant 0 : i32
      %dma_wait3A_841 = tpu.memref_slice %arg4[%dma_wait3A_839, %dma_wait3A_840] : memref<192x512xf32, #tpu.memory_space<vmem>> -> memref<32x512xf32, #tpu.memory_space<vmem>>
      tpu.wait_dma2 semaphore(%arg12 : memref<!tpu.dma_semaphore, #tpu.memory_space<semaphore_mem>>) src(%dma_wait3A_841 : memref<32x512xf32, #tpu.memory_space<vmem>>) dst(%dma_wait3A_838 : memref<32x512xf32, #tpu.memory_space<hbm>>)
    } else {
    }
    %add3A_530 = arith.constant 13 : i32
    %add3A_531 = arith.addi %mul3A_2, %add3A_530 : i32
    %mul3A_532 = arith.constant 32 : i32
    %mul3A_533 = arith.muli %add3A_531, %mul3A_532 : i32
    %dma_start3A_534 = arith.constant 32 : i32
    %dma_start3A_535 = arith.constant 0 : i32
    %dma_start3A_536 = tpu.memref_slice %arg4[%dma_start3A_534, %dma_start3A_535] : memref<192x512xf32, #tpu.memory_space<vmem>> -> memref<32x512xf32, #tpu.memory_space<vmem>>
    %dma_start3A_537 = arith.constant 0 : i32
    %dma_start3A_538 = tpu.memref_slice %arg2[%mul3A_533, %dma_start3A_537] : memref<16384x512xf32, #tpu.memory_space<hbm>> -> memref<32x512xf32, #tpu.memory_space<hbm>>
    %dma_start3A_539 = arith.constant 32 : i32
    %dma_start3A_540 = arith.constant 0 : i32
    %dma_start3A_541 = tpu.memref_slice %arg4[%dma_start3A_539, %dma_start3A_540] : memref<192x512xf32, #tpu.memory_space<vmem>> -> memref<32x512xf32, #tpu.memory_space<vmem>>
    %dma_start3A_542 = arith.constant 0 : i32
    %dma_start3A_543 = tpu.memref_slice %arg2[%mul3A_533, %dma_start3A_542] : memref<16384x512xf32, #tpu.memory_space<hbm>> -> memref<32x512xf32, #tpu.memory_space<hbm>>
    tpu.enqueue_dma source(%dma_start3A_543 : memref<32x512xf32, #tpu.memory_space<hbm>>) target(%dma_start3A_541 : memref<32x512xf32, #tpu.memory_space<vmem>>) target_semaphore(%arg6 : memref<!tpu.dma_semaphore, #tpu.memory_space<semaphore_mem>>)
    %dma_wait3A_544 = arith.constant 128 : i32
    %dma_wait3A_545 = arith.constant 0 : i32
    %dma_wait3A_546 = tpu.memref_slice %arg4[%dma_wait3A_544, %dma_wait3A_545] : memref<192x512xf32, #tpu.memory_space<vmem>> -> memref<32x512xf32, #tpu.memory_space<vmem>>
    %dma_wait3A_547 = arith.constant 0 : i32
    %dma_wait3A_548 = tpu.memref_slice %arg2[%mul3A_377, %dma_wait3A_547] : memref<16384x512xf32, #tpu.memory_space<hbm>> -> memref<32x512xf32, #tpu.memory_space<hbm>>
    %dma_wait3A_549 = arith.constant 128 : i32
    %dma_wait3A_550 = arith.constant 0 : i32
    %dma_wait3A_551 = tpu.memref_slice %arg4[%dma_wait3A_549, %dma_wait3A_550] : memref<192x512xf32, #tpu.memory_space<vmem>> -> memref<32x512xf32, #tpu.memory_space<vmem>>
    %dma_wait3A_552 = arith.constant 0 : i32
    %dma_wait3A_553 = tpu.memref_slice %arg2[%mul3A_377, %dma_wait3A_552] : memref<16384x512xf32, #tpu.memory_space<hbm>> -> memref<32x512xf32, #tpu.memory_space<hbm>>
    tpu.wait_dma2 semaphore(%arg9 : memref<!tpu.dma_semaphore, #tpu.memory_space<semaphore_mem>>) src(%dma_wait3A_553 : memref<32x512xf32, #tpu.memory_space<hbm>>) dst(%dma_wait3A_551 : memref<32x512xf32, #tpu.memory_space<vmem>>)
    %add3A_554 = arith.constant 10 : i32
    %add3A_555 = arith.addi %mul3A_2, %add3A_554 : i32
    %sub3A_556 = arith.constant 1 : i32
    %sub3A_557 = arith.subi %add3A_555, %sub3A_556 : i32
    %lt3A_558 = arith.constant 511 : i32
    %lt3A_559 = arith.cmpi slt, %add3A_555, %lt3A_558 : i32
    %convert_element_type3A_560 = arith.extui %lt3A_559 : i1 to i32
    %cond3A_561 = arith.constant 0 : i32
    %cond3A_562 = arith.cmpi ne, %convert_element_type3A_560, %cond3A_561 : i32
    scf.if %cond3A_562 {
      %dma_start3A_828 = arith.constant 128 : i32
      %dma_start3A_829 = arith.constant 0 : i32
      %dma_start3A_830 = tpu.memref_slice %arg4[%dma_start3A_828, %dma_start3A_829] : memref<192x512xf32, #tpu.memory_space<vmem>> -> memref<32x512xf32, #tpu.memory_space<vmem>>
      %dma_start3A_831 = arith.constant 0 : i32
      %dma_start3A_832 = arith.constant 0 : i32
      %dma_start3A_833 = tpu.memref_slice %arg3[%add3A_555, %dma_start3A_831, %dma_start3A_832] : memref<511x64x512xf32, #tpu.memory_space<hbm>> -> memref<1x32x512xf32, #tpu.memory_space<hbm>>
      %dma_start3A_834 = tpu.memref_squeeze %dma_start3A_833 : memref<1x32x512xf32, #tpu.memory_space<hbm>> -> memref<32x512xf32, #tpu.memory_space<hbm>>
      %dma_start3A_835 = arith.constant 0 : i32
      %dma_start3A_836 = arith.constant 0 : i32
      %dma_start3A_837 = tpu.memref_slice %arg3[%add3A_555, %dma_start3A_835, %dma_start3A_836] : memref<511x64x512xf32, #tpu.memory_space<hbm>> -> memref<1x32x512xf32, #tpu.memory_space<hbm>>
      %dma_start3A_838 = tpu.memref_squeeze %dma_start3A_837 : memref<1x32x512xf32, #tpu.memory_space<hbm>> -> memref<32x512xf32, #tpu.memory_space<hbm>>
      %dma_start3A_839 = arith.constant 128 : i32
      %dma_start3A_840 = arith.constant 0 : i32
      %dma_start3A_841 = tpu.memref_slice %arg4[%dma_start3A_839, %dma_start3A_840] : memref<192x512xf32, #tpu.memory_space<vmem>> -> memref<32x512xf32, #tpu.memory_space<vmem>>
      tpu.enqueue_dma source(%dma_start3A_841 : memref<32x512xf32, #tpu.memory_space<vmem>>) target(%dma_start3A_838 : memref<32x512xf32, #tpu.memory_space<hbm>>) target_semaphore(%arg15 : memref<!tpu.dma_semaphore, #tpu.memory_space<semaphore_mem>>)
    } else {
    }
    %gt3A_563 = arith.constant 0 : i32
    %gt3A_564 = arith.cmpi sgt, %add3A_555, %gt3A_563 : i32
    %convert_element_type3A_565 = arith.extui %gt3A_564 : i1 to i32
    %cond3A_566 = arith.constant 0 : i32
    %cond3A_567 = arith.cmpi ne, %convert_element_type3A_565, %cond3A_566 : i32
    scf.if %cond3A_567 {
      %dma_start3A_828 = arith.constant 128 : i32
      %dma_start3A_829 = arith.constant 0 : i32
      %dma_start3A_830 = tpu.memref_slice %arg4[%dma_start3A_828, %dma_start3A_829] : memref<192x512xf32, #tpu.memory_space<vmem>> -> memref<32x512xf32, #tpu.memory_space<vmem>>
      %dma_start3A_831 = arith.constant 32 : i32
      %dma_start3A_832 = arith.constant 0 : i32
      %dma_start3A_833 = tpu.memref_slice %arg3[%sub3A_557, %dma_start3A_831, %dma_start3A_832] : memref<511x64x512xf32, #tpu.memory_space<hbm>> -> memref<1x32x512xf32, #tpu.memory_space<hbm>>
      %dma_start3A_834 = tpu.memref_squeeze %dma_start3A_833 : memref<1x32x512xf32, #tpu.memory_space<hbm>> -> memref<32x512xf32, #tpu.memory_space<hbm>>
      %dma_start3A_835 = arith.constant 32 : i32
      %dma_start3A_836 = arith.constant 0 : i32
      %dma_start3A_837 = tpu.memref_slice %arg3[%sub3A_557, %dma_start3A_835, %dma_start3A_836] : memref<511x64x512xf32, #tpu.memory_space<hbm>> -> memref<1x32x512xf32, #tpu.memory_space<hbm>>
      %dma_start3A_838 = tpu.memref_squeeze %dma_start3A_837 : memref<1x32x512xf32, #tpu.memory_space<hbm>> -> memref<32x512xf32, #tpu.memory_space<hbm>>
      %dma_start3A_839 = arith.constant 128 : i32
      %dma_start3A_840 = arith.constant 0 : i32
      %dma_start3A_841 = tpu.memref_slice %arg4[%dma_start3A_839, %dma_start3A_840] : memref<192x512xf32, #tpu.memory_space<vmem>> -> memref<32x512xf32, #tpu.memory_space<vmem>>
      tpu.enqueue_dma source(%dma_start3A_841 : memref<32x512xf32, #tpu.memory_space<vmem>>) target(%dma_start3A_838 : memref<32x512xf32, #tpu.memory_space<hbm>>) target_semaphore(%arg15 : memref<!tpu.dma_semaphore, #tpu.memory_space<semaphore_mem>>)
    } else {
    }
    %add3A_568 = arith.constant 8 : i32
    %add3A_569 = arith.addi %mul3A_2, %add3A_568 : i32
    %sub3A_570 = arith.constant 1 : i32
    %sub3A_571 = arith.subi %add3A_569, %sub3A_570 : i32
    %lt3A_572 = arith.constant 511 : i32
    %lt3A_573 = arith.cmpi slt, %add3A_569, %lt3A_572 : i32
    %convert_element_type3A_574 = arith.extui %lt3A_573 : i1 to i32
    %cond3A_575 = arith.constant 0 : i32
    %cond3A_576 = arith.cmpi ne, %convert_element_type3A_574, %cond3A_575 : i32
    scf.if %cond3A_576 {
      %dma_wait3A_828 = arith.constant 64 : i32
      %dma_wait3A_829 = arith.constant 0 : i32
      %dma_wait3A_830 = tpu.memref_slice %arg4[%dma_wait3A_828, %dma_wait3A_829] : memref<192x512xf32, #tpu.memory_space<vmem>> -> memref<32x512xf32, #tpu.memory_space<vmem>>
      %dma_wait3A_831 = arith.constant 0 : i32
      %dma_wait3A_832 = arith.constant 0 : i32
      %dma_wait3A_833 = tpu.memref_slice %arg3[%add3A_569, %dma_wait3A_831, %dma_wait3A_832] : memref<511x64x512xf32, #tpu.memory_space<hbm>> -> memref<1x32x512xf32, #tpu.memory_space<hbm>>
      %dma_wait3A_834 = tpu.memref_squeeze %dma_wait3A_833 : memref<1x32x512xf32, #tpu.memory_space<hbm>> -> memref<32x512xf32, #tpu.memory_space<hbm>>
      %dma_wait3A_835 = arith.constant 0 : i32
      %dma_wait3A_836 = arith.constant 0 : i32
      %dma_wait3A_837 = tpu.memref_slice %arg3[%add3A_569, %dma_wait3A_835, %dma_wait3A_836] : memref<511x64x512xf32, #tpu.memory_space<hbm>> -> memref<1x32x512xf32, #tpu.memory_space<hbm>>
      %dma_wait3A_838 = tpu.memref_squeeze %dma_wait3A_837 : memref<1x32x512xf32, #tpu.memory_space<hbm>> -> memref<32x512xf32, #tpu.memory_space<hbm>>
      %dma_wait3A_839 = arith.constant 64 : i32
      %dma_wait3A_840 = arith.constant 0 : i32
      %dma_wait3A_841 = tpu.memref_slice %arg4[%dma_wait3A_839, %dma_wait3A_840] : memref<192x512xf32, #tpu.memory_space<vmem>> -> memref<32x512xf32, #tpu.memory_space<vmem>>
      tpu.wait_dma2 semaphore(%arg13 : memref<!tpu.dma_semaphore, #tpu.memory_space<semaphore_mem>>) src(%dma_wait3A_841 : memref<32x512xf32, #tpu.memory_space<vmem>>) dst(%dma_wait3A_838 : memref<32x512xf32, #tpu.memory_space<hbm>>)
    } else {
    }
    %gt3A_577 = arith.constant 0 : i32
    %gt3A_578 = arith.cmpi sgt, %add3A_569, %gt3A_577 : i32
    %convert_element_type3A_579 = arith.extui %gt3A_578 : i1 to i32
    %cond3A_580 = arith.constant 0 : i32
    %cond3A_581 = arith.cmpi ne, %convert_element_type3A_579, %cond3A_580 : i32
    scf.if %cond3A_581 {
      %dma_wait3A_828 = arith.constant 64 : i32
      %dma_wait3A_829 = arith.constant 0 : i32
      %dma_wait3A_830 = tpu.memref_slice %arg4[%dma_wait3A_828, %dma_wait3A_829] : memref<192x512xf32, #tpu.memory_space<vmem>> -> memref<32x512xf32, #tpu.memory_space<vmem>>
      %dma_wait3A_831 = arith.constant 32 : i32
      %dma_wait3A_832 = arith.constant 0 : i32
      %dma_wait3A_833 = tpu.memref_slice %arg3[%sub3A_571, %dma_wait3A_831, %dma_wait3A_832] : memref<511x64x512xf32, #tpu.memory_space<hbm>> -> memref<1x32x512xf32, #tpu.memory_space<hbm>>
      %dma_wait3A_834 = tpu.memref_squeeze %dma_wait3A_833 : memref<1x32x512xf32, #tpu.memory_space<hbm>> -> memref<32x512xf32, #tpu.memory_space<hbm>>
      %dma_wait3A_835 = arith.constant 32 : i32
      %dma_wait3A_836 = arith.constant 0 : i32
      %dma_wait3A_837 = tpu.memref_slice %arg3[%sub3A_571, %dma_wait3A_835, %dma_wait3A_836] : memref<511x64x512xf32, #tpu.memory_space<hbm>> -> memref<1x32x512xf32, #tpu.memory_space<hbm>>
      %dma_wait3A_838 = tpu.memref_squeeze %dma_wait3A_837 : memref<1x32x512xf32, #tpu.memory_space<hbm>> -> memref<32x512xf32, #tpu.memory_space<hbm>>
      %dma_wait3A_839 = arith.constant 64 : i32
      %dma_wait3A_840 = arith.constant 0 : i32
      %dma_wait3A_841 = tpu.memref_slice %arg4[%dma_wait3A_839, %dma_wait3A_840] : memref<192x512xf32, #tpu.memory_space<vmem>> -> memref<32x512xf32, #tpu.memory_space<vmem>>
      tpu.wait_dma2 semaphore(%arg13 : memref<!tpu.dma_semaphore, #tpu.memory_space<semaphore_mem>>) src(%dma_wait3A_841 : memref<32x512xf32, #tpu.memory_space<vmem>>) dst(%dma_wait3A_838 : memref<32x512xf32, #tpu.memory_space<hbm>>)
    } else {
    }
    %add3A_582 = arith.constant 14 : i32
    %add3A_583 = arith.addi %mul3A_2, %add3A_582 : i32
    %mul3A_584 = arith.constant 32 : i32
    %mul3A_585 = arith.muli %add3A_583, %mul3A_584 : i32
    %dma_start3A_586 = arith.constant 64 : i32
    %dma_start3A_587 = arith.constant 0 : i32
    %dma_start3A_588 = tpu.memref_slice %arg4[%dma_start3A_586, %dma_start3A_587] : memref<192x512xf32, #tpu.memory_space<vmem>> -> memref<32x512xf32, #tpu.memory_space<vmem>>
    %dma_start3A_589 = arith.constant 0 : i32
    %dma_start3A_590 = tpu.memref_slice %arg2[%mul3A_585, %dma_start3A_589] : memref<16384x512xf32, #tpu.memory_space<hbm>> -> memref<32x512xf32, #tpu.memory_space<hbm>>
    %dma_start3A_591 = arith.constant 64 : i32
    %dma_start3A_592 = arith.constant 0 : i32
    %dma_start3A_593 = tpu.memref_slice %arg4[%dma_start3A_591, %dma_start3A_592] : memref<192x512xf32, #tpu.memory_space<vmem>> -> memref<32x512xf32, #tpu.memory_space<vmem>>
    %dma_start3A_594 = arith.constant 0 : i32
    %dma_start3A_595 = tpu.memref_slice %arg2[%mul3A_585, %dma_start3A_594] : memref<16384x512xf32, #tpu.memory_space<hbm>> -> memref<32x512xf32, #tpu.memory_space<hbm>>
    tpu.enqueue_dma source(%dma_start3A_595 : memref<32x512xf32, #tpu.memory_space<hbm>>) target(%dma_start3A_593 : memref<32x512xf32, #tpu.memory_space<vmem>>) target_semaphore(%arg7 : memref<!tpu.dma_semaphore, #tpu.memory_space<semaphore_mem>>)
    %dma_wait3A_596 = arith.constant 160 : i32
    %dma_wait3A_597 = arith.constant 0 : i32
    %dma_wait3A_598 = tpu.memref_slice %arg4[%dma_wait3A_596, %dma_wait3A_597] : memref<192x512xf32, #tpu.memory_space<vmem>> -> memref<32x512xf32, #tpu.memory_space<vmem>>
    %dma_wait3A_599 = arith.constant 0 : i32
    %dma_wait3A_600 = tpu.memref_slice %arg2[%mul3A_429, %dma_wait3A_599] : memref<16384x512xf32, #tpu.memory_space<hbm>> -> memref<32x512xf32, #tpu.memory_space<hbm>>
    %dma_wait3A_601 = arith.constant 160 : i32
    %dma_wait3A_602 = arith.constant 0 : i32
    %dma_wait3A_603 = tpu.memref_slice %arg4[%dma_wait3A_601, %dma_wait3A_602] : memref<192x512xf32, #tpu.memory_space<vmem>> -> memref<32x512xf32, #tpu.memory_space<vmem>>
    %dma_wait3A_604 = arith.constant 0 : i32
    %dma_wait3A_605 = tpu.memref_slice %arg2[%mul3A_429, %dma_wait3A_604] : memref<16384x512xf32, #tpu.memory_space<hbm>> -> memref<32x512xf32, #tpu.memory_space<hbm>>
    tpu.wait_dma2 semaphore(%arg10 : memref<!tpu.dma_semaphore, #tpu.memory_space<semaphore_mem>>) src(%dma_wait3A_605 : memref<32x512xf32, #tpu.memory_space<hbm>>) dst(%dma_wait3A_603 : memref<32x512xf32, #tpu.memory_space<vmem>>)
    %add3A_606 = arith.constant 11 : i32
    %add3A_607 = arith.addi %mul3A_2, %add3A_606 : i32
    %sub3A_608 = arith.constant 1 : i32
    %sub3A_609 = arith.subi %add3A_607, %sub3A_608 : i32
    %lt3A_610 = arith.constant 511 : i32
    %lt3A_611 = arith.cmpi slt, %add3A_607, %lt3A_610 : i32
    %convert_element_type3A_612 = arith.extui %lt3A_611 : i1 to i32
    %cond3A_613 = arith.constant 0 : i32
    %cond3A_614 = arith.cmpi ne, %convert_element_type3A_612, %cond3A_613 : i32
    scf.if %cond3A_614 {
      %dma_start3A_828 = arith.constant 160 : i32
      %dma_start3A_829 = arith.constant 0 : i32
      %dma_start3A_830 = tpu.memref_slice %arg4[%dma_start3A_828, %dma_start3A_829] : memref<192x512xf32, #tpu.memory_space<vmem>> -> memref<32x512xf32, #tpu.memory_space<vmem>>
      %dma_start3A_831 = arith.constant 0 : i32
      %dma_start3A_832 = arith.constant 0 : i32
      %dma_start3A_833 = tpu.memref_slice %arg3[%add3A_607, %dma_start3A_831, %dma_start3A_832] : memref<511x64x512xf32, #tpu.memory_space<hbm>> -> memref<1x32x512xf32, #tpu.memory_space<hbm>>
      %dma_start3A_834 = tpu.memref_squeeze %dma_start3A_833 : memref<1x32x512xf32, #tpu.memory_space<hbm>> -> memref<32x512xf32, #tpu.memory_space<hbm>>
      %dma_start3A_835 = arith.constant 0 : i32
      %dma_start3A_836 = arith.constant 0 : i32
      %dma_start3A_837 = tpu.memref_slice %arg3[%add3A_607, %dma_start3A_835, %dma_start3A_836] : memref<511x64x512xf32, #tpu.memory_space<hbm>> -> memref<1x32x512xf32, #tpu.memory_space<hbm>>
      %dma_start3A_838 = tpu.memref_squeeze %dma_start3A_837 : memref<1x32x512xf32, #tpu.memory_space<hbm>> -> memref<32x512xf32, #tpu.memory_space<hbm>>
      %dma_start3A_839 = arith.constant 160 : i32
      %dma_start3A_840 = arith.constant 0 : i32
      %dma_start3A_841 = tpu.memref_slice %arg4[%dma_start3A_839, %dma_start3A_840] : memref<192x512xf32, #tpu.memory_space<vmem>> -> memref<32x512xf32, #tpu.memory_space<vmem>>
      tpu.enqueue_dma source(%dma_start3A_841 : memref<32x512xf32, #tpu.memory_space<vmem>>) target(%dma_start3A_838 : memref<32x512xf32, #tpu.memory_space<hbm>>) target_semaphore(%arg16 : memref<!tpu.dma_semaphore, #tpu.memory_space<semaphore_mem>>)
    } else {
    }
    %gt3A_615 = arith.constant 0 : i32
    %gt3A_616 = arith.cmpi sgt, %add3A_607, %gt3A_615 : i32
    %convert_element_type3A_617 = arith.extui %gt3A_616 : i1 to i32
    %cond3A_618 = arith.constant 0 : i32
    %cond3A_619 = arith.cmpi ne, %convert_element_type3A_617, %cond3A_618 : i32
    scf.if %cond3A_619 {
      %dma_start3A_828 = arith.constant 160 : i32
      %dma_start3A_829 = arith.constant 0 : i32
      %dma_start3A_830 = tpu.memref_slice %arg4[%dma_start3A_828, %dma_start3A_829] : memref<192x512xf32, #tpu.memory_space<vmem>> -> memref<32x512xf32, #tpu.memory_space<vmem>>
      %dma_start3A_831 = arith.constant 32 : i32
      %dma_start3A_832 = arith.constant 0 : i32
      %dma_start3A_833 = tpu.memref_slice %arg3[%sub3A_609, %dma_start3A_831, %dma_start3A_832] : memref<511x64x512xf32, #tpu.memory_space<hbm>> -> memref<1x32x512xf32, #tpu.memory_space<hbm>>
      %dma_start3A_834 = tpu.memref_squeeze %dma_start3A_833 : memref<1x32x512xf32, #tpu.memory_space<hbm>> -> memref<32x512xf32, #tpu.memory_space<hbm>>
      %dma_start3A_835 = arith.constant 32 : i32
      %dma_start3A_836 = arith.constant 0 : i32
      %dma_start3A_837 = tpu.memref_slice %arg3[%sub3A_609, %dma_start3A_835, %dma_start3A_836] : memref<511x64x512xf32, #tpu.memory_space<hbm>> -> memref<1x32x512xf32, #tpu.memory_space<hbm>>
      %dma_start3A_838 = tpu.memref_squeeze %dma_start3A_837 : memref<1x32x512xf32, #tpu.memory_space<hbm>> -> memref<32x512xf32, #tpu.memory_space<hbm>>
      %dma_start3A_839 = arith.constant 160 : i32
      %dma_start3A_840 = arith.constant 0 : i32
      %dma_start3A_841 = tpu.memref_slice %arg4[%dma_start3A_839, %dma_start3A_840] : memref<192x512xf32, #tpu.memory_space<vmem>> -> memref<32x512xf32, #tpu.memory_space<vmem>>
      tpu.enqueue_dma source(%dma_start3A_841 : memref<32x512xf32, #tpu.memory_space<vmem>>) target(%dma_start3A_838 : memref<32x512xf32, #tpu.memory_space<hbm>>) target_semaphore(%arg16 : memref<!tpu.dma_semaphore, #tpu.memory_space<semaphore_mem>>)
    } else {
    }
    %add3A_620 = arith.constant 9 : i32
    %add3A_621 = arith.addi %mul3A_2, %add3A_620 : i32
    %sub3A_622 = arith.constant 1 : i32
    %sub3A_623 = arith.subi %add3A_621, %sub3A_622 : i32
    %lt3A_624 = arith.constant 511 : i32
    %lt3A_625 = arith.cmpi slt, %add3A_621, %lt3A_624 : i32
    %convert_element_type3A_626 = arith.extui %lt3A_625 : i1 to i32
    %cond3A_627 = arith.constant 0 : i32
    %cond3A_628 = arith.cmpi ne, %convert_element_type3A_626, %cond3A_627 : i32
    scf.if %cond3A_628 {
      %dma_wait3A_828 = arith.constant 96 : i32
      %dma_wait3A_829 = arith.constant 0 : i32
      %dma_wait3A_830 = tpu.memref_slice %arg4[%dma_wait3A_828, %dma_wait3A_829] : memref<192x512xf32, #tpu.memory_space<vmem>> -> memref<32x512xf32, #tpu.memory_space<vmem>>
      %dma_wait3A_831 = arith.constant 0 : i32
      %dma_wait3A_832 = arith.constant 0 : i32
      %dma_wait3A_833 = tpu.memref_slice %arg3[%add3A_621, %dma_wait3A_831, %dma_wait3A_832] : memref<511x64x512xf32, #tpu.memory_space<hbm>> -> memref<1x32x512xf32, #tpu.memory_space<hbm>>
      %dma_wait3A_834 = tpu.memref_squeeze %dma_wait3A_833 : memref<1x32x512xf32, #tpu.memory_space<hbm>> -> memref<32x512xf32, #tpu.memory_space<hbm>>
      %dma_wait3A_835 = arith.constant 0 : i32
      %dma_wait3A_836 = arith.constant 0 : i32
      %dma_wait3A_837 = tpu.memref_slice %arg3[%add3A_621, %dma_wait3A_835, %dma_wait3A_836] : memref<511x64x512xf32, #tpu.memory_space<hbm>> -> memref<1x32x512xf32, #tpu.memory_space<hbm>>
      %dma_wait3A_838 = tpu.memref_squeeze %dma_wait3A_837 : memref<1x32x512xf32, #tpu.memory_space<hbm>> -> memref<32x512xf32, #tpu.memory_space<hbm>>
      %dma_wait3A_839 = arith.constant 96 : i32
      %dma_wait3A_840 = arith.constant 0 : i32
      %dma_wait3A_841 = tpu.memref_slice %arg4[%dma_wait3A_839, %dma_wait3A_840] : memref<192x512xf32, #tpu.memory_space<vmem>> -> memref<32x512xf32, #tpu.memory_space<vmem>>
      tpu.wait_dma2 semaphore(%arg14 : memref<!tpu.dma_semaphore, #tpu.memory_space<semaphore_mem>>) src(%dma_wait3A_841 : memref<32x512xf32, #tpu.memory_space<vmem>>) dst(%dma_wait3A_838 : memref<32x512xf32, #tpu.memory_space<hbm>>)
    } else {
    }
    %gt3A_629 = arith.constant 0 : i32
    %gt3A_630 = arith.cmpi sgt, %add3A_621, %gt3A_629 : i32
    %convert_element_type3A_631 = arith.extui %gt3A_630 : i1 to i32
    %cond3A_632 = arith.constant 0 : i32
    %cond3A_633 = arith.cmpi ne, %convert_element_type3A_631, %cond3A_632 : i32
    scf.if %cond3A_633 {
      %dma_wait3A_828 = arith.constant 96 : i32
      %dma_wait3A_829 = arith.constant 0 : i32
      %dma_wait3A_830 = tpu.memref_slice %arg4[%dma_wait3A_828, %dma_wait3A_829] : memref<192x512xf32, #tpu.memory_space<vmem>> -> memref<32x512xf32, #tpu.memory_space<vmem>>
      %dma_wait3A_831 = arith.constant 32 : i32
      %dma_wait3A_832 = arith.constant 0 : i32
      %dma_wait3A_833 = tpu.memref_slice %arg3[%sub3A_623, %dma_wait3A_831, %dma_wait3A_832] : memref<511x64x512xf32, #tpu.memory_space<hbm>> -> memref<1x32x512xf32, #tpu.memory_space<hbm>>
      %dma_wait3A_834 = tpu.memref_squeeze %dma_wait3A_833 : memref<1x32x512xf32, #tpu.memory_space<hbm>> -> memref<32x512xf32, #tpu.memory_space<hbm>>
      %dma_wait3A_835 = arith.constant 32 : i32
      %dma_wait3A_836 = arith.constant 0 : i32
      %dma_wait3A_837 = tpu.memref_slice %arg3[%sub3A_623, %dma_wait3A_835, %dma_wait3A_836] : memref<511x64x512xf32, #tpu.memory_space<hbm>> -> memref<1x32x512xf32, #tpu.memory_space<hbm>>
      %dma_wait3A_838 = tpu.memref_squeeze %dma_wait3A_837 : memref<1x32x512xf32, #tpu.memory_space<hbm>> -> memref<32x512xf32, #tpu.memory_space<hbm>>
      %dma_wait3A_839 = arith.constant 96 : i32
      %dma_wait3A_840 = arith.constant 0 : i32
      %dma_wait3A_841 = tpu.memref_slice %arg4[%dma_wait3A_839, %dma_wait3A_840] : memref<192x512xf32, #tpu.memory_space<vmem>> -> memref<32x512xf32, #tpu.memory_space<vmem>>
      tpu.wait_dma2 semaphore(%arg14 : memref<!tpu.dma_semaphore, #tpu.memory_space<semaphore_mem>>) src(%dma_wait3A_841 : memref<32x512xf32, #tpu.memory_space<vmem>>) dst(%dma_wait3A_838 : memref<32x512xf32, #tpu.memory_space<hbm>>)
    } else {
    }
    %add3A_634 = arith.constant 15 : i32
    %add3A_635 = arith.addi %mul3A_2, %add3A_634 : i32
    %mul3A_636 = arith.constant 32 : i32
    %mul3A_637 = arith.muli %add3A_635, %mul3A_636 : i32
    %dma_start3A_638 = arith.constant 96 : i32
    %dma_start3A_639 = arith.constant 0 : i32
    %dma_start3A_640 = tpu.memref_slice %arg4[%dma_start3A_638, %dma_start3A_639] : memref<192x512xf32, #tpu.memory_space<vmem>> -> memref<32x512xf32, #tpu.memory_space<vmem>>
    %dma_start3A_641 = arith.constant 0 : i32
    %dma_start3A_642 = tpu.memref_slice %arg2[%mul3A_637, %dma_start3A_641] : memref<16384x512xf32, #tpu.memory_space<hbm>> -> memref<32x512xf32, #tpu.memory_space<hbm>>
    %dma_start3A_643 = arith.constant 96 : i32
    %dma_start3A_644 = arith.constant 0 : i32
    %dma_start3A_645 = tpu.memref_slice %arg4[%dma_start3A_643, %dma_start3A_644] : memref<192x512xf32, #tpu.memory_space<vmem>> -> memref<32x512xf32, #tpu.memory_space<vmem>>
    %dma_start3A_646 = arith.constant 0 : i32
    %dma_start3A_647 = tpu.memref_slice %arg2[%mul3A_637, %dma_start3A_646] : memref<16384x512xf32, #tpu.memory_space<hbm>> -> memref<32x512xf32, #tpu.memory_space<hbm>>
    tpu.enqueue_dma source(%dma_start3A_647 : memref<32x512xf32, #tpu.memory_space<hbm>>) target(%dma_start3A_645 : memref<32x512xf32, #tpu.memory_space<vmem>>) target_semaphore(%arg8 : memref<!tpu.dma_semaphore, #tpu.memory_space<semaphore_mem>>)
    %dma_wait3A_648 = arith.constant 0 : i32
    %dma_wait3A_649 = arith.constant 0 : i32
    %dma_wait3A_650 = tpu.memref_slice %arg4[%dma_wait3A_648, %dma_wait3A_649] : memref<192x512xf32, #tpu.memory_space<vmem>> -> memref<32x512xf32, #tpu.memory_space<vmem>>
    %dma_wait3A_651 = arith.constant 0 : i32
    %dma_wait3A_652 = tpu.memref_slice %arg2[%mul3A_481, %dma_wait3A_651] : memref<16384x512xf32, #tpu.memory_space<hbm>> -> memref<32x512xf32, #tpu.memory_space<hbm>>
    %dma_wait3A_653 = arith.constant 0 : i32
    %dma_wait3A_654 = arith.constant 0 : i32
    %dma_wait3A_655 = tpu.memref_slice %arg4[%dma_wait3A_653, %dma_wait3A_654] : memref<192x512xf32, #tpu.memory_space<vmem>> -> memref<32x512xf32, #tpu.memory_space<vmem>>
    %dma_wait3A_656 = arith.constant 0 : i32
    %dma_wait3A_657 = tpu.memref_slice %arg2[%mul3A_481, %dma_wait3A_656] : memref<16384x512xf32, #tpu.memory_space<hbm>> -> memref<32x512xf32, #tpu.memory_space<hbm>>
    tpu.wait_dma2 semaphore(%arg5 : memref<!tpu.dma_semaphore, #tpu.memory_space<semaphore_mem>>) src(%dma_wait3A_657 : memref<32x512xf32, #tpu.memory_space<hbm>>) dst(%dma_wait3A_655 : memref<32x512xf32, #tpu.memory_space<vmem>>)
    %add3A_658 = arith.constant 12 : i32
    %add3A_659 = arith.addi %mul3A_2, %add3A_658 : i32
    %sub3A_660 = arith.constant 1 : i32
    %sub3A_661 = arith.subi %add3A_659, %sub3A_660 : i32
    %lt3A_662 = arith.constant 511 : i32
    %lt3A_663 = arith.cmpi slt, %add3A_659, %lt3A_662 : i32
    %convert_element_type3A_664 = arith.extui %lt3A_663 : i1 to i32
    %cond3A_665 = arith.constant 0 : i32
    %cond3A_666 = arith.cmpi ne, %convert_element_type3A_664, %cond3A_665 : i32
    scf.if %cond3A_666 {
      %dma_start3A_828 = arith.constant 0 : i32
      %dma_start3A_829 = arith.constant 0 : i32
      %dma_start3A_830 = tpu.memref_slice %arg4[%dma_start3A_828, %dma_start3A_829] : memref<192x512xf32, #tpu.memory_space<vmem>> -> memref<32x512xf32, #tpu.memory_space<vmem>>
      %dma_start3A_831 = arith.constant 0 : i32
      %dma_start3A_832 = arith.constant 0 : i32
      %dma_start3A_833 = tpu.memref_slice %arg3[%add3A_659, %dma_start3A_831, %dma_start3A_832] : memref<511x64x512xf32, #tpu.memory_space<hbm>> -> memref<1x32x512xf32, #tpu.memory_space<hbm>>
      %dma_start3A_834 = tpu.memref_squeeze %dma_start3A_833 : memref<1x32x512xf32, #tpu.memory_space<hbm>> -> memref<32x512xf32, #tpu.memory_space<hbm>>
      %dma_start3A_835 = arith.constant 0 : i32
      %dma_start3A_836 = arith.constant 0 : i32
      %dma_start3A_837 = tpu.memref_slice %arg3[%add3A_659, %dma_start3A_835, %dma_start3A_836] : memref<511x64x512xf32, #tpu.memory_space<hbm>> -> memref<1x32x512xf32, #tpu.memory_space<hbm>>
      %dma_start3A_838 = tpu.memref_squeeze %dma_start3A_837 : memref<1x32x512xf32, #tpu.memory_space<hbm>> -> memref<32x512xf32, #tpu.memory_space<hbm>>
      %dma_start3A_839 = arith.constant 0 : i32
      %dma_start3A_840 = arith.constant 0 : i32
      %dma_start3A_841 = tpu.memref_slice %arg4[%dma_start3A_839, %dma_start3A_840] : memref<192x512xf32, #tpu.memory_space<vmem>> -> memref<32x512xf32, #tpu.memory_space<vmem>>
      tpu.enqueue_dma source(%dma_start3A_841 : memref<32x512xf32, #tpu.memory_space<vmem>>) target(%dma_start3A_838 : memref<32x512xf32, #tpu.memory_space<hbm>>) target_semaphore(%arg11 : memref<!tpu.dma_semaphore, #tpu.memory_space<semaphore_mem>>)
    } else {
    }
    %gt3A_667 = arith.constant 0 : i32
    %gt3A_668 = arith.cmpi sgt, %add3A_659, %gt3A_667 : i32
    %convert_element_type3A_669 = arith.extui %gt3A_668 : i1 to i32
    %cond3A_670 = arith.constant 0 : i32
    %cond3A_671 = arith.cmpi ne, %convert_element_type3A_669, %cond3A_670 : i32
    scf.if %cond3A_671 {
      %dma_start3A_828 = arith.constant 0 : i32
      %dma_start3A_829 = arith.constant 0 : i32
      %dma_start3A_830 = tpu.memref_slice %arg4[%dma_start3A_828, %dma_start3A_829] : memref<192x512xf32, #tpu.memory_space<vmem>> -> memref<32x512xf32, #tpu.memory_space<vmem>>
      %dma_start3A_831 = arith.constant 32 : i32
      %dma_start3A_832 = arith.constant 0 : i32
      %dma_start3A_833 = tpu.memref_slice %arg3[%sub3A_661, %dma_start3A_831, %dma_start3A_832] : memref<511x64x512xf32, #tpu.memory_space<hbm>> -> memref<1x32x512xf32, #tpu.memory_space<hbm>>
      %dma_start3A_834 = tpu.memref_squeeze %dma_start3A_833 : memref<1x32x512xf32, #tpu.memory_space<hbm>> -> memref<32x512xf32, #tpu.memory_space<hbm>>
      %dma_start3A_835 = arith.constant 32 : i32
      %dma_start3A_836 = arith.constant 0 : i32
      %dma_start3A_837 = tpu.memref_slice %arg3[%sub3A_661, %dma_start3A_835, %dma_start3A_836] : memref<511x64x512xf32, #tpu.memory_space<hbm>> -> memref<1x32x512xf32, #tpu.memory_space<hbm>>
      %dma_start3A_838 = tpu.memref_squeeze %dma_start3A_837 : memref<1x32x512xf32, #tpu.memory_space<hbm>> -> memref<32x512xf32, #tpu.memory_space<hbm>>
      %dma_start3A_839 = arith.constant 0 : i32
      %dma_start3A_840 = arith.constant 0 : i32
      %dma_start3A_841 = tpu.memref_slice %arg4[%dma_start3A_839, %dma_start3A_840] : memref<192x512xf32, #tpu.memory_space<vmem>> -> memref<32x512xf32, #tpu.memory_space<vmem>>
      tpu.enqueue_dma source(%dma_start3A_841 : memref<32x512xf32, #tpu.memory_space<vmem>>) target(%dma_start3A_838 : memref<32x512xf32, #tpu.memory_space<hbm>>) target_semaphore(%arg11 : memref<!tpu.dma_semaphore, #tpu.memory_space<semaphore_mem>>)
    } else {
    }
    %dma_wait3A_672 = arith.constant 32 : i32
    %dma_wait3A_673 = arith.constant 0 : i32
    %dma_wait3A_674 = tpu.memref_slice %arg4[%dma_wait3A_672, %dma_wait3A_673] : memref<192x512xf32, #tpu.memory_space<vmem>> -> memref<32x512xf32, #tpu.memory_space<vmem>>
    %dma_wait3A_675 = arith.constant 0 : i32
    %dma_wait3A_676 = tpu.memref_slice %arg2[%mul3A_533, %dma_wait3A_675] : memref<16384x512xf32, #tpu.memory_space<hbm>> -> memref<32x512xf32, #tpu.memory_space<hbm>>
    %dma_wait3A_677 = arith.constant 32 : i32
    %dma_wait3A_678 = arith.constant 0 : i32
    %dma_wait3A_679 = tpu.memref_slice %arg4[%dma_wait3A_677, %dma_wait3A_678] : memref<192x512xf32, #tpu.memory_space<vmem>> -> memref<32x512xf32, #tpu.memory_space<vmem>>
    %dma_wait3A_680 = arith.constant 0 : i32
    %dma_wait3A_681 = tpu.memref_slice %arg2[%mul3A_533, %dma_wait3A_680] : memref<16384x512xf32, #tpu.memory_space<hbm>> -> memref<32x512xf32, #tpu.memory_space<hbm>>
    tpu.wait_dma2 semaphore(%arg6 : memref<!tpu.dma_semaphore, #tpu.memory_space<semaphore_mem>>) src(%dma_wait3A_681 : memref<32x512xf32, #tpu.memory_space<hbm>>) dst(%dma_wait3A_679 : memref<32x512xf32, #tpu.memory_space<vmem>>)
    %add3A_682 = arith.constant 13 : i32
    %add3A_683 = arith.addi %mul3A_2, %add3A_682 : i32
    %sub3A_684 = arith.constant 1 : i32
    %sub3A_685 = arith.subi %add3A_683, %sub3A_684 : i32
    %lt3A_686 = arith.constant 511 : i32
    %lt3A_687 = arith.cmpi slt, %add3A_683, %lt3A_686 : i32
    %convert_element_type3A_688 = arith.extui %lt3A_687 : i1 to i32
    %cond3A_689 = arith.constant 0 : i32
    %cond3A_690 = arith.cmpi ne, %convert_element_type3A_688, %cond3A_689 : i32
    scf.if %cond3A_690 {
      %dma_start3A_828 = arith.constant 32 : i32
      %dma_start3A_829 = arith.constant 0 : i32
      %dma_start3A_830 = tpu.memref_slice %arg4[%dma_start3A_828, %dma_start3A_829] : memref<192x512xf32, #tpu.memory_space<vmem>> -> memref<32x512xf32, #tpu.memory_space<vmem>>
      %dma_start3A_831 = arith.constant 0 : i32
      %dma_start3A_832 = arith.constant 0 : i32
      %dma_start3A_833 = tpu.memref_slice %arg3[%add3A_683, %dma_start3A_831, %dma_start3A_832] : memref<511x64x512xf32, #tpu.memory_space<hbm>> -> memref<1x32x512xf32, #tpu.memory_space<hbm>>
      %dma_start3A_834 = tpu.memref_squeeze %dma_start3A_833 : memref<1x32x512xf32, #tpu.memory_space<hbm>> -> memref<32x512xf32, #tpu.memory_space<hbm>>
      %dma_start3A_835 = arith.constant 0 : i32
      %dma_start3A_836 = arith.constant 0 : i32
      %dma_start3A_837 = tpu.memref_slice %arg3[%add3A_683, %dma_start3A_835, %dma_start3A_836] : memref<511x64x512xf32, #tpu.memory_space<hbm>> -> memref<1x32x512xf32, #tpu.memory_space<hbm>>
      %dma_start3A_838 = tpu.memref_squeeze %dma_start3A_837 : memref<1x32x512xf32, #tpu.memory_space<hbm>> -> memref<32x512xf32, #tpu.memory_space<hbm>>
      %dma_start3A_839 = arith.constant 32 : i32
      %dma_start3A_840 = arith.constant 0 : i32
      %dma_start3A_841 = tpu.memref_slice %arg4[%dma_start3A_839, %dma_start3A_840] : memref<192x512xf32, #tpu.memory_space<vmem>> -> memref<32x512xf32, #tpu.memory_space<vmem>>
      tpu.enqueue_dma source(%dma_start3A_841 : memref<32x512xf32, #tpu.memory_space<vmem>>) target(%dma_start3A_838 : memref<32x512xf32, #tpu.memory_space<hbm>>) target_semaphore(%arg12 : memref<!tpu.dma_semaphore, #tpu.memory_space<semaphore_mem>>)
    } else {
    }
    %gt3A_691 = arith.constant 0 : i32
    %gt3A_692 = arith.cmpi sgt, %add3A_683, %gt3A_691 : i32
    %convert_element_type3A_693 = arith.extui %gt3A_692 : i1 to i32
    %cond3A_694 = arith.constant 0 : i32
    %cond3A_695 = arith.cmpi ne, %convert_element_type3A_693, %cond3A_694 : i32
    scf.if %cond3A_695 {
      %dma_start3A_828 = arith.constant 32 : i32
      %dma_start3A_829 = arith.constant 0 : i32
      %dma_start3A_830 = tpu.memref_slice %arg4[%dma_start3A_828, %dma_start3A_829] : memref<192x512xf32, #tpu.memory_space<vmem>> -> memref<32x512xf32, #tpu.memory_space<vmem>>
      %dma_start3A_831 = arith.constant 32 : i32
      %dma_start3A_832 = arith.constant 0 : i32
      %dma_start3A_833 = tpu.memref_slice %arg3[%sub3A_685, %dma_start3A_831, %dma_start3A_832] : memref<511x64x512xf32, #tpu.memory_space<hbm>> -> memref<1x32x512xf32, #tpu.memory_space<hbm>>
      %dma_start3A_834 = tpu.memref_squeeze %dma_start3A_833 : memref<1x32x512xf32, #tpu.memory_space<hbm>> -> memref<32x512xf32, #tpu.memory_space<hbm>>
      %dma_start3A_835 = arith.constant 32 : i32
      %dma_start3A_836 = arith.constant 0 : i32
      %dma_start3A_837 = tpu.memref_slice %arg3[%sub3A_685, %dma_start3A_835, %dma_start3A_836] : memref<511x64x512xf32, #tpu.memory_space<hbm>> -> memref<1x32x512xf32, #tpu.memory_space<hbm>>
      %dma_start3A_838 = tpu.memref_squeeze %dma_start3A_837 : memref<1x32x512xf32, #tpu.memory_space<hbm>> -> memref<32x512xf32, #tpu.memory_space<hbm>>
      %dma_start3A_839 = arith.constant 32 : i32
      %dma_start3A_840 = arith.constant 0 : i32
      %dma_start3A_841 = tpu.memref_slice %arg4[%dma_start3A_839, %dma_start3A_840] : memref<192x512xf32, #tpu.memory_space<vmem>> -> memref<32x512xf32, #tpu.memory_space<vmem>>
      tpu.enqueue_dma source(%dma_start3A_841 : memref<32x512xf32, #tpu.memory_space<vmem>>) target(%dma_start3A_838 : memref<32x512xf32, #tpu.memory_space<hbm>>) target_semaphore(%arg12 : memref<!tpu.dma_semaphore, #tpu.memory_space<semaphore_mem>>)
    } else {
    }
    %dma_wait3A_696 = arith.constant 64 : i32
    %dma_wait3A_697 = arith.constant 0 : i32
    %dma_wait3A_698 = tpu.memref_slice %arg4[%dma_wait3A_696, %dma_wait3A_697] : memref<192x512xf32, #tpu.memory_space<vmem>> -> memref<32x512xf32, #tpu.memory_space<vmem>>
    %dma_wait3A_699 = arith.constant 0 : i32
    %dma_wait3A_700 = tpu.memref_slice %arg2[%mul3A_585, %dma_wait3A_699] : memref<16384x512xf32, #tpu.memory_space<hbm>> -> memref<32x512xf32, #tpu.memory_space<hbm>>
    %dma_wait3A_701 = arith.constant 64 : i32
    %dma_wait3A_702 = arith.constant 0 : i32
    %dma_wait3A_703 = tpu.memref_slice %arg4[%dma_wait3A_701, %dma_wait3A_702] : memref<192x512xf32, #tpu.memory_space<vmem>> -> memref<32x512xf32, #tpu.memory_space<vmem>>
    %dma_wait3A_704 = arith.constant 0 : i32
    %dma_wait3A_705 = tpu.memref_slice %arg2[%mul3A_585, %dma_wait3A_704] : memref<16384x512xf32, #tpu.memory_space<hbm>> -> memref<32x512xf32, #tpu.memory_space<hbm>>
    tpu.wait_dma2 semaphore(%arg7 : memref<!tpu.dma_semaphore, #tpu.memory_space<semaphore_mem>>) src(%dma_wait3A_705 : memref<32x512xf32, #tpu.memory_space<hbm>>) dst(%dma_wait3A_703 : memref<32x512xf32, #tpu.memory_space<vmem>>)
    %add3A_706 = arith.constant 14 : i32
    %add3A_707 = arith.addi %mul3A_2, %add3A_706 : i32
    %sub3A_708 = arith.constant 1 : i32
    %sub3A_709 = arith.subi %add3A_707, %sub3A_708 : i32
    %lt3A_710 = arith.constant 511 : i32
    %lt3A_711 = arith.cmpi slt, %add3A_707, %lt3A_710 : i32
    %convert_element_type3A_712 = arith.extui %lt3A_711 : i1 to i32
    %cond3A_713 = arith.constant 0 : i32
    %cond3A_714 = arith.cmpi ne, %convert_element_type3A_712, %cond3A_713 : i32
    scf.if %cond3A_714 {
      %dma_start3A_828 = arith.constant 64 : i32
      %dma_start3A_829 = arith.constant 0 : i32
      %dma_start3A_830 = tpu.memref_slice %arg4[%dma_start3A_828, %dma_start3A_829] : memref<192x512xf32, #tpu.memory_space<vmem>> -> memref<32x512xf32, #tpu.memory_space<vmem>>
      %dma_start3A_831 = arith.constant 0 : i32
      %dma_start3A_832 = arith.constant 0 : i32
      %dma_start3A_833 = tpu.memref_slice %arg3[%add3A_707, %dma_start3A_831, %dma_start3A_832] : memref<511x64x512xf32, #tpu.memory_space<hbm>> -> memref<1x32x512xf32, #tpu.memory_space<hbm>>
      %dma_start3A_834 = tpu.memref_squeeze %dma_start3A_833 : memref<1x32x512xf32, #tpu.memory_space<hbm>> -> memref<32x512xf32, #tpu.memory_space<hbm>>
      %dma_start3A_835 = arith.constant 0 : i32
      %dma_start3A_836 = arith.constant 0 : i32
      %dma_start3A_837 = tpu.memref_slice %arg3[%add3A_707, %dma_start3A_835, %dma_start3A_836] : memref<511x64x512xf32, #tpu.memory_space<hbm>> -> memref<1x32x512xf32, #tpu.memory_space<hbm>>
      %dma_start3A_838 = tpu.memref_squeeze %dma_start3A_837 : memref<1x32x512xf32, #tpu.memory_space<hbm>> -> memref<32x512xf32, #tpu.memory_space<hbm>>
      %dma_start3A_839 = arith.constant 64 : i32
      %dma_start3A_840 = arith.constant 0 : i32
      %dma_start3A_841 = tpu.memref_slice %arg4[%dma_start3A_839, %dma_start3A_840] : memref<192x512xf32, #tpu.memory_space<vmem>> -> memref<32x512xf32, #tpu.memory_space<vmem>>
      tpu.enqueue_dma source(%dma_start3A_841 : memref<32x512xf32, #tpu.memory_space<vmem>>) target(%dma_start3A_838 : memref<32x512xf32, #tpu.memory_space<hbm>>) target_semaphore(%arg13 : memref<!tpu.dma_semaphore, #tpu.memory_space<semaphore_mem>>)
    } else {
    }
    %gt3A_715 = arith.constant 0 : i32
    %gt3A_716 = arith.cmpi sgt, %add3A_707, %gt3A_715 : i32
    %convert_element_type3A_717 = arith.extui %gt3A_716 : i1 to i32
    %cond3A_718 = arith.constant 0 : i32
    %cond3A_719 = arith.cmpi ne, %convert_element_type3A_717, %cond3A_718 : i32
    scf.if %cond3A_719 {
      %dma_start3A_828 = arith.constant 64 : i32
      %dma_start3A_829 = arith.constant 0 : i32
      %dma_start3A_830 = tpu.memref_slice %arg4[%dma_start3A_828, %dma_start3A_829] : memref<192x512xf32, #tpu.memory_space<vmem>> -> memref<32x512xf32, #tpu.memory_space<vmem>>
      %dma_start3A_831 = arith.constant 32 : i32
      %dma_start3A_832 = arith.constant 0 : i32
      %dma_start3A_833 = tpu.memref_slice %arg3[%sub3A_709, %dma_start3A_831, %dma_start3A_832] : memref<511x64x512xf32, #tpu.memory_space<hbm>> -> memref<1x32x512xf32, #tpu.memory_space<hbm>>
      %dma_start3A_834 = tpu.memref_squeeze %dma_start3A_833 : memref<1x32x512xf32, #tpu.memory_space<hbm>> -> memref<32x512xf32, #tpu.memory_space<hbm>>
      %dma_start3A_835 = arith.constant 32 : i32
      %dma_start3A_836 = arith.constant 0 : i32
      %dma_start3A_837 = tpu.memref_slice %arg3[%sub3A_709, %dma_start3A_835, %dma_start3A_836] : memref<511x64x512xf32, #tpu.memory_space<hbm>> -> memref<1x32x512xf32, #tpu.memory_space<hbm>>
      %dma_start3A_838 = tpu.memref_squeeze %dma_start3A_837 : memref<1x32x512xf32, #tpu.memory_space<hbm>> -> memref<32x512xf32, #tpu.memory_space<hbm>>
      %dma_start3A_839 = arith.constant 64 : i32
      %dma_start3A_840 = arith.constant 0 : i32
      %dma_start3A_841 = tpu.memref_slice %arg4[%dma_start3A_839, %dma_start3A_840] : memref<192x512xf32, #tpu.memory_space<vmem>> -> memref<32x512xf32, #tpu.memory_space<vmem>>
      tpu.enqueue_dma source(%dma_start3A_841 : memref<32x512xf32, #tpu.memory_space<vmem>>) target(%dma_start3A_838 : memref<32x512xf32, #tpu.memory_space<hbm>>) target_semaphore(%arg13 : memref<!tpu.dma_semaphore, #tpu.memory_space<semaphore_mem>>)
    } else {
    }
    %dma_wait3A_720 = arith.constant 96 : i32
    %dma_wait3A_721 = arith.constant 0 : i32
    %dma_wait3A_722 = tpu.memref_slice %arg4[%dma_wait3A_720, %dma_wait3A_721] : memref<192x512xf32, #tpu.memory_space<vmem>> -> memref<32x512xf32, #tpu.memory_space<vmem>>
    %dma_wait3A_723 = arith.constant 0 : i32
    %dma_wait3A_724 = tpu.memref_slice %arg2[%mul3A_637, %dma_wait3A_723] : memref<16384x512xf32, #tpu.memory_space<hbm>> -> memref<32x512xf32, #tpu.memory_space<hbm>>
    %dma_wait3A_725 = arith.constant 96 : i32
    %dma_wait3A_726 = arith.constant 0 : i32
    %dma_wait3A_727 = tpu.memref_slice %arg4[%dma_wait3A_725, %dma_wait3A_726] : memref<192x512xf32, #tpu.memory_space<vmem>> -> memref<32x512xf32, #tpu.memory_space<vmem>>
    %dma_wait3A_728 = arith.constant 0 : i32
    %dma_wait3A_729 = tpu.memref_slice %arg2[%mul3A_637, %dma_wait3A_728] : memref<16384x512xf32, #tpu.memory_space<hbm>> -> memref<32x512xf32, #tpu.memory_space<hbm>>
    tpu.wait_dma2 semaphore(%arg8 : memref<!tpu.dma_semaphore, #tpu.memory_space<semaphore_mem>>) src(%dma_wait3A_729 : memref<32x512xf32, #tpu.memory_space<hbm>>) dst(%dma_wait3A_727 : memref<32x512xf32, #tpu.memory_space<vmem>>)
    %add3A_730 = arith.constant 15 : i32
    %add3A_731 = arith.addi %mul3A_2, %add3A_730 : i32
    %sub3A_732 = arith.constant 1 : i32
    %sub3A_733 = arith.subi %add3A_731, %sub3A_732 : i32
    %lt3A_734 = arith.constant 511 : i32
    %lt3A_735 = arith.cmpi slt, %add3A_731, %lt3A_734 : i32
    %convert_element_type3A_736 = arith.extui %lt3A_735 : i1 to i32
    %cond3A_737 = arith.constant 0 : i32
    %cond3A_738 = arith.cmpi ne, %convert_element_type3A_736, %cond3A_737 : i32
    scf.if %cond3A_738 {
      %dma_start3A_828 = arith.constant 96 : i32
      %dma_start3A_829 = arith.constant 0 : i32
      %dma_start3A_830 = tpu.memref_slice %arg4[%dma_start3A_828, %dma_start3A_829] : memref<192x512xf32, #tpu.memory_space<vmem>> -> memref<32x512xf32, #tpu.memory_space<vmem>>
      %dma_start3A_831 = arith.constant 0 : i32
      %dma_start3A_832 = arith.constant 0 : i32
      %dma_start3A_833 = tpu.memref_slice %arg3[%add3A_731, %dma_start3A_831, %dma_start3A_832] : memref<511x64x512xf32, #tpu.memory_space<hbm>> -> memref<1x32x512xf32, #tpu.memory_space<hbm>>
      %dma_start3A_834 = tpu.memref_squeeze %dma_start3A_833 : memref<1x32x512xf32, #tpu.memory_space<hbm>> -> memref<32x512xf32, #tpu.memory_space<hbm>>
      %dma_start3A_835 = arith.constant 0 : i32
      %dma_start3A_836 = arith.constant 0 : i32
      %dma_start3A_837 = tpu.memref_slice %arg3[%add3A_731, %dma_start3A_835, %dma_start3A_836] : memref<511x64x512xf32, #tpu.memory_space<hbm>> -> memref<1x32x512xf32, #tpu.memory_space<hbm>>
      %dma_start3A_838 = tpu.memref_squeeze %dma_start3A_837 : memref<1x32x512xf32, #tpu.memory_space<hbm>> -> memref<32x512xf32, #tpu.memory_space<hbm>>
      %dma_start3A_839 = arith.constant 96 : i32
      %dma_start3A_840 = arith.constant 0 : i32
      %dma_start3A_841 = tpu.memref_slice %arg4[%dma_start3A_839, %dma_start3A_840] : memref<192x512xf32, #tpu.memory_space<vmem>> -> memref<32x512xf32, #tpu.memory_space<vmem>>
      tpu.enqueue_dma source(%dma_start3A_841 : memref<32x512xf32, #tpu.memory_space<vmem>>) target(%dma_start3A_838 : memref<32x512xf32, #tpu.memory_space<hbm>>) target_semaphore(%arg14 : memref<!tpu.dma_semaphore, #tpu.memory_space<semaphore_mem>>)
    } else {
    }
    %gt3A_739 = arith.constant 0 : i32
    %gt3A_740 = arith.cmpi sgt, %add3A_731, %gt3A_739 : i32
    %convert_element_type3A_741 = arith.extui %gt3A_740 : i1 to i32
    %cond3A_742 = arith.constant 0 : i32
    %cond3A_743 = arith.cmpi ne, %convert_element_type3A_741, %cond3A_742 : i32
    scf.if %cond3A_743 {
      %dma_start3A_828 = arith.constant 96 : i32
      %dma_start3A_829 = arith.constant 0 : i32
      %dma_start3A_830 = tpu.memref_slice %arg4[%dma_start3A_828, %dma_start3A_829] : memref<192x512xf32, #tpu.memory_space<vmem>> -> memref<32x512xf32, #tpu.memory_space<vmem>>
      %dma_start3A_831 = arith.constant 32 : i32
      %dma_start3A_832 = arith.constant 0 : i32
      %dma_start3A_833 = tpu.memref_slice %arg3[%sub3A_733, %dma_start3A_831, %dma_start3A_832] : memref<511x64x512xf32, #tpu.memory_space<hbm>> -> memref<1x32x512xf32, #tpu.memory_space<hbm>>
      %dma_start3A_834 = tpu.memref_squeeze %dma_start3A_833 : memref<1x32x512xf32, #tpu.memory_space<hbm>> -> memref<32x512xf32, #tpu.memory_space<hbm>>
      %dma_start3A_835 = arith.constant 32 : i32
      %dma_start3A_836 = arith.constant 0 : i32
      %dma_start3A_837 = tpu.memref_slice %arg3[%sub3A_733, %dma_start3A_835, %dma_start3A_836] : memref<511x64x512xf32, #tpu.memory_space<hbm>> -> memref<1x32x512xf32, #tpu.memory_space<hbm>>
      %dma_start3A_838 = tpu.memref_squeeze %dma_start3A_837 : memref<1x32x512xf32, #tpu.memory_space<hbm>> -> memref<32x512xf32, #tpu.memory_space<hbm>>
      %dma_start3A_839 = arith.constant 96 : i32
      %dma_start3A_840 = arith.constant 0 : i32
      %dma_start3A_841 = tpu.memref_slice %arg4[%dma_start3A_839, %dma_start3A_840] : memref<192x512xf32, #tpu.memory_space<vmem>> -> memref<32x512xf32, #tpu.memory_space<vmem>>
      tpu.enqueue_dma source(%dma_start3A_841 : memref<32x512xf32, #tpu.memory_space<vmem>>) target(%dma_start3A_838 : memref<32x512xf32, #tpu.memory_space<hbm>>) target_semaphore(%arg14 : memref<!tpu.dma_semaphore, #tpu.memory_space<semaphore_mem>>)
    } else {
    }
    %add3A_744 = arith.constant 10 : i32
    %add3A_745 = arith.addi %mul3A_2, %add3A_744 : i32
    %sub3A_746 = arith.constant 1 : i32
    %sub3A_747 = arith.subi %add3A_745, %sub3A_746 : i32
    %lt3A_748 = arith.constant 511 : i32
    %lt3A_749 = arith.cmpi slt, %add3A_745, %lt3A_748 : i32
    %convert_element_type3A_750 = arith.extui %lt3A_749 : i1 to i32
    %cond3A_751 = arith.constant 0 : i32
    %cond3A_752 = arith.cmpi ne, %convert_element_type3A_750, %cond3A_751 : i32
    scf.if %cond3A_752 {
      %dma_wait3A_828 = arith.constant 128 : i32
      %dma_wait3A_829 = arith.constant 0 : i32
      %dma_wait3A_830 = tpu.memref_slice %arg4[%dma_wait3A_828, %dma_wait3A_829] : memref<192x512xf32, #tpu.memory_space<vmem>> -> memref<32x512xf32, #tpu.memory_space<vmem>>
      %dma_wait3A_831 = arith.constant 0 : i32
      %dma_wait3A_832 = arith.constant 0 : i32
      %dma_wait3A_833 = tpu.memref_slice %arg3[%add3A_745, %dma_wait3A_831, %dma_wait3A_832] : memref<511x64x512xf32, #tpu.memory_space<hbm>> -> memref<1x32x512xf32, #tpu.memory_space<hbm>>
      %dma_wait3A_834 = tpu.memref_squeeze %dma_wait3A_833 : memref<1x32x512xf32, #tpu.memory_space<hbm>> -> memref<32x512xf32, #tpu.memory_space<hbm>>
      %dma_wait3A_835 = arith.constant 0 : i32
      %dma_wait3A_836 = arith.constant 0 : i32
      %dma_wait3A_837 = tpu.memref_slice %arg3[%add3A_745, %dma_wait3A_835, %dma_wait3A_836] : memref<511x64x512xf32, #tpu.memory_space<hbm>> -> memref<1x32x512xf32, #tpu.memory_space<hbm>>
      %dma_wait3A_838 = tpu.memref_squeeze %dma_wait3A_837 : memref<1x32x512xf32, #tpu.memory_space<hbm>> -> memref<32x512xf32, #tpu.memory_space<hbm>>
      %dma_wait3A_839 = arith.constant 128 : i32
      %dma_wait3A_840 = arith.constant 0 : i32
      %dma_wait3A_841 = tpu.memref_slice %arg4[%dma_wait3A_839, %dma_wait3A_840] : memref<192x512xf32, #tpu.memory_space<vmem>> -> memref<32x512xf32, #tpu.memory_space<vmem>>
      tpu.wait_dma2 semaphore(%arg15 : memref<!tpu.dma_semaphore, #tpu.memory_space<semaphore_mem>>) src(%dma_wait3A_841 : memref<32x512xf32, #tpu.memory_space<vmem>>) dst(%dma_wait3A_838 : memref<32x512xf32, #tpu.memory_space<hbm>>)
    } else {
    }
    %gt3A_753 = arith.constant 0 : i32
    %gt3A_754 = arith.cmpi sgt, %add3A_745, %gt3A_753 : i32
    %convert_element_type3A_755 = arith.extui %gt3A_754 : i1 to i32
    %cond3A_756 = arith.constant 0 : i32
    %cond3A_757 = arith.cmpi ne, %convert_element_type3A_755, %cond3A_756 : i32
    scf.if %cond3A_757 {
      %dma_wait3A_828 = arith.constant 128 : i32
      %dma_wait3A_829 = arith.constant 0 : i32
      %dma_wait3A_830 = tpu.memref_slice %arg4[%dma_wait3A_828, %dma_wait3A_829] : memref<192x512xf32, #tpu.memory_space<vmem>> -> memref<32x512xf32, #tpu.memory_space<vmem>>
      %dma_wait3A_831 = arith.constant 32 : i32
      %dma_wait3A_832 = arith.constant 0 : i32
      %dma_wait3A_833 = tpu.memref_slice %arg3[%sub3A_747, %dma_wait3A_831, %dma_wait3A_832] : memref<511x64x512xf32, #tpu.memory_space<hbm>> -> memref<1x32x512xf32, #tpu.memory_space<hbm>>
      %dma_wait3A_834 = tpu.memref_squeeze %dma_wait3A_833 : memref<1x32x512xf32, #tpu.memory_space<hbm>> -> memref<32x512xf32, #tpu.memory_space<hbm>>
      %dma_wait3A_835 = arith.constant 32 : i32
      %dma_wait3A_836 = arith.constant 0 : i32
      %dma_wait3A_837 = tpu.memref_slice %arg3[%sub3A_747, %dma_wait3A_835, %dma_wait3A_836] : memref<511x64x512xf32, #tpu.memory_space<hbm>> -> memref<1x32x512xf32, #tpu.memory_space<hbm>>
      %dma_wait3A_838 = tpu.memref_squeeze %dma_wait3A_837 : memref<1x32x512xf32, #tpu.memory_space<hbm>> -> memref<32x512xf32, #tpu.memory_space<hbm>>
      %dma_wait3A_839 = arith.constant 128 : i32
      %dma_wait3A_840 = arith.constant 0 : i32
      %dma_wait3A_841 = tpu.memref_slice %arg4[%dma_wait3A_839, %dma_wait3A_840] : memref<192x512xf32, #tpu.memory_space<vmem>> -> memref<32x512xf32, #tpu.memory_space<vmem>>
      tpu.wait_dma2 semaphore(%arg15 : memref<!tpu.dma_semaphore, #tpu.memory_space<semaphore_mem>>) src(%dma_wait3A_841 : memref<32x512xf32, #tpu.memory_space<vmem>>) dst(%dma_wait3A_838 : memref<32x512xf32, #tpu.memory_space<hbm>>)
    } else {
    }
    %add3A_758 = arith.constant 11 : i32
    %add3A_759 = arith.addi %mul3A_2, %add3A_758 : i32
    %sub3A_760 = arith.constant 1 : i32
    %sub3A_761 = arith.subi %add3A_759, %sub3A_760 : i32
    %lt3A_762 = arith.constant 511 : i32
    %lt3A_763 = arith.cmpi slt, %add3A_759, %lt3A_762 : i32
    %convert_element_type3A_764 = arith.extui %lt3A_763 : i1 to i32
    %cond3A_765 = arith.constant 0 : i32
    %cond3A_766 = arith.cmpi ne, %convert_element_type3A_764, %cond3A_765 : i32
    scf.if %cond3A_766 {
      %dma_wait3A_828 = arith.constant 160 : i32
      %dma_wait3A_829 = arith.constant 0 : i32
      %dma_wait3A_830 = tpu.memref_slice %arg4[%dma_wait3A_828, %dma_wait3A_829] : memref<192x512xf32, #tpu.memory_space<vmem>> -> memref<32x512xf32, #tpu.memory_space<vmem>>
      %dma_wait3A_831 = arith.constant 0 : i32
      %dma_wait3A_832 = arith.constant 0 : i32
      %dma_wait3A_833 = tpu.memref_slice %arg3[%add3A_759, %dma_wait3A_831, %dma_wait3A_832] : memref<511x64x512xf32, #tpu.memory_space<hbm>> -> memref<1x32x512xf32, #tpu.memory_space<hbm>>
      %dma_wait3A_834 = tpu.memref_squeeze %dma_wait3A_833 : memref<1x32x512xf32, #tpu.memory_space<hbm>> -> memref<32x512xf32, #tpu.memory_space<hbm>>
      %dma_wait3A_835 = arith.constant 0 : i32
      %dma_wait3A_836 = arith.constant 0 : i32
      %dma_wait3A_837 = tpu.memref_slice %arg3[%add3A_759, %dma_wait3A_835, %dma_wait3A_836] : memref<511x64x512xf32, #tpu.memory_space<hbm>> -> memref<1x32x512xf32, #tpu.memory_space<hbm>>
      %dma_wait3A_838 = tpu.memref_squeeze %dma_wait3A_837 : memref<1x32x512xf32, #tpu.memory_space<hbm>> -> memref<32x512xf32, #tpu.memory_space<hbm>>
      %dma_wait3A_839 = arith.constant 160 : i32
      %dma_wait3A_840 = arith.constant 0 : i32
      %dma_wait3A_841 = tpu.memref_slice %arg4[%dma_wait3A_839, %dma_wait3A_840] : memref<192x512xf32, #tpu.memory_space<vmem>> -> memref<32x512xf32, #tpu.memory_space<vmem>>
      tpu.wait_dma2 semaphore(%arg16 : memref<!tpu.dma_semaphore, #tpu.memory_space<semaphore_mem>>) src(%dma_wait3A_841 : memref<32x512xf32, #tpu.memory_space<vmem>>) dst(%dma_wait3A_838 : memref<32x512xf32, #tpu.memory_space<hbm>>)
    } else {
    }
    %gt3A_767 = arith.constant 0 : i32
    %gt3A_768 = arith.cmpi sgt, %add3A_759, %gt3A_767 : i32
    %convert_element_type3A_769 = arith.extui %gt3A_768 : i1 to i32
    %cond3A_770 = arith.constant 0 : i32
    %cond3A_771 = arith.cmpi ne, %convert_element_type3A_769, %cond3A_770 : i32
    scf.if %cond3A_771 {
      %dma_wait3A_828 = arith.constant 160 : i32
      %dma_wait3A_829 = arith.constant 0 : i32
      %dma_wait3A_830 = tpu.memref_slice %arg4[%dma_wait3A_828, %dma_wait3A_829] : memref<192x512xf32, #tpu.memory_space<vmem>> -> memref<32x512xf32, #tpu.memory_space<vmem>>
      %dma_wait3A_831 = arith.constant 32 : i32
      %dma_wait3A_832 = arith.constant 0 : i32
      %dma_wait3A_833 = tpu.memref_slice %arg3[%sub3A_761, %dma_wait3A_831, %dma_wait3A_832] : memref<511x64x512xf32, #tpu.memory_space<hbm>> -> memref<1x32x512xf32, #tpu.memory_space<hbm>>
      %dma_wait3A_834 = tpu.memref_squeeze %dma_wait3A_833 : memref<1x32x512xf32, #tpu.memory_space<hbm>> -> memref<32x512xf32, #tpu.memory_space<hbm>>
      %dma_wait3A_835 = arith.constant 32 : i32
      %dma_wait3A_836 = arith.constant 0 : i32
      %dma_wait3A_837 = tpu.memref_slice %arg3[%sub3A_761, %dma_wait3A_835, %dma_wait3A_836] : memref<511x64x512xf32, #tpu.memory_space<hbm>> -> memref<1x32x512xf32, #tpu.memory_space<hbm>>
      %dma_wait3A_838 = tpu.memref_squeeze %dma_wait3A_837 : memref<1x32x512xf32, #tpu.memory_space<hbm>> -> memref<32x512xf32, #tpu.memory_space<hbm>>
      %dma_wait3A_839 = arith.constant 160 : i32
      %dma_wait3A_840 = arith.constant 0 : i32
      %dma_wait3A_841 = tpu.memref_slice %arg4[%dma_wait3A_839, %dma_wait3A_840] : memref<192x512xf32, #tpu.memory_space<vmem>> -> memref<32x512xf32, #tpu.memory_space<vmem>>
      tpu.wait_dma2 semaphore(%arg16 : memref<!tpu.dma_semaphore, #tpu.memory_space<semaphore_mem>>) src(%dma_wait3A_841 : memref<32x512xf32, #tpu.memory_space<vmem>>) dst(%dma_wait3A_838 : memref<32x512xf32, #tpu.memory_space<hbm>>)
    } else {
    }
    %add3A_772 = arith.constant 12 : i32
    %add3A_773 = arith.addi %mul3A_2, %add3A_772 : i32
    %sub3A_774 = arith.constant 1 : i32
    %sub3A_775 = arith.subi %add3A_773, %sub3A_774 : i32
    %lt3A_776 = arith.constant 511 : i32
    %lt3A_777 = arith.cmpi slt, %add3A_773, %lt3A_776 : i32
    %convert_element_type3A_778 = arith.extui %lt3A_777 : i1 to i32
    %cond3A_779 = arith.constant 0 : i32
    %cond3A_780 = arith.cmpi ne, %convert_element_type3A_778, %cond3A_779 : i32
    scf.if %cond3A_780 {
      %dma_wait3A_828 = arith.constant 0 : i32
      %dma_wait3A_829 = arith.constant 0 : i32
      %dma_wait3A_830 = tpu.memref_slice %arg4[%dma_wait3A_828, %dma_wait3A_829] : memref<192x512xf32, #tpu.memory_space<vmem>> -> memref<32x512xf32, #tpu.memory_space<vmem>>
      %dma_wait3A_831 = arith.constant 0 : i32
      %dma_wait3A_832 = arith.constant 0 : i32
      %dma_wait3A_833 = tpu.memref_slice %arg3[%add3A_773, %dma_wait3A_831, %dma_wait3A_832] : memref<511x64x512xf32, #tpu.memory_space<hbm>> -> memref<1x32x512xf32, #tpu.memory_space<hbm>>
      %dma_wait3A_834 = tpu.memref_squeeze %dma_wait3A_833 : memref<1x32x512xf32, #tpu.memory_space<hbm>> -> memref<32x512xf32, #tpu.memory_space<hbm>>
      %dma_wait3A_835 = arith.constant 0 : i32
      %dma_wait3A_836 = arith.constant 0 : i32
      %dma_wait3A_837 = tpu.memref_slice %arg3[%add3A_773, %dma_wait3A_835, %dma_wait3A_836] : memref<511x64x512xf32, #tpu.memory_space<hbm>> -> memref<1x32x512xf32, #tpu.memory_space<hbm>>
      %dma_wait3A_838 = tpu.memref_squeeze %dma_wait3A_837 : memref<1x32x512xf32, #tpu.memory_space<hbm>> -> memref<32x512xf32, #tpu.memory_space<hbm>>
      %dma_wait3A_839 = arith.constant 0 : i32
      %dma_wait3A_840 = arith.constant 0 : i32
      %dma_wait3A_841 = tpu.memref_slice %arg4[%dma_wait3A_839, %dma_wait3A_840] : memref<192x512xf32, #tpu.memory_space<vmem>> -> memref<32x512xf32, #tpu.memory_space<vmem>>
      tpu.wait_dma2 semaphore(%arg11 : memref<!tpu.dma_semaphore, #tpu.memory_space<semaphore_mem>>) src(%dma_wait3A_841 : memref<32x512xf32, #tpu.memory_space<vmem>>) dst(%dma_wait3A_838 : memref<32x512xf32, #tpu.memory_space<hbm>>)
    } else {
    }
    %gt3A_781 = arith.constant 0 : i32
    %gt3A_782 = arith.cmpi sgt, %add3A_773, %gt3A_781 : i32
    %convert_element_type3A_783 = arith.extui %gt3A_782 : i1 to i32
    %cond3A_784 = arith.constant 0 : i32
    %cond3A_785 = arith.cmpi ne, %convert_element_type3A_783, %cond3A_784 : i32
    scf.if %cond3A_785 {
      %dma_wait3A_828 = arith.constant 0 : i32
      %dma_wait3A_829 = arith.constant 0 : i32
      %dma_wait3A_830 = tpu.memref_slice %arg4[%dma_wait3A_828, %dma_wait3A_829] : memref<192x512xf32, #tpu.memory_space<vmem>> -> memref<32x512xf32, #tpu.memory_space<vmem>>
      %dma_wait3A_831 = arith.constant 32 : i32
      %dma_wait3A_832 = arith.constant 0 : i32
      %dma_wait3A_833 = tpu.memref_slice %arg3[%sub3A_775, %dma_wait3A_831, %dma_wait3A_832] : memref<511x64x512xf32, #tpu.memory_space<hbm>> -> memref<1x32x512xf32, #tpu.memory_space<hbm>>
      %dma_wait3A_834 = tpu.memref_squeeze %dma_wait3A_833 : memref<1x32x512xf32, #tpu.memory_space<hbm>> -> memref<32x512xf32, #tpu.memory_space<hbm>>
      %dma_wait3A_835 = arith.constant 32 : i32
      %dma_wait3A_836 = arith.constant 0 : i32
      %dma_wait3A_837 = tpu.memref_slice %arg3[%sub3A_775, %dma_wait3A_835, %dma_wait3A_836] : memref<511x64x512xf32, #tpu.memory_space<hbm>> -> memref<1x32x512xf32, #tpu.memory_space<hbm>>
      %dma_wait3A_838 = tpu.memref_squeeze %dma_wait3A_837 : memref<1x32x512xf32, #tpu.memory_space<hbm>> -> memref<32x512xf32, #tpu.memory_space<hbm>>
      %dma_wait3A_839 = arith.constant 0 : i32
      %dma_wait3A_840 = arith.constant 0 : i32
      %dma_wait3A_841 = tpu.memref_slice %arg4[%dma_wait3A_839, %dma_wait3A_840] : memref<192x512xf32, #tpu.memory_space<vmem>> -> memref<32x512xf32, #tpu.memory_space<vmem>>
      tpu.wait_dma2 semaphore(%arg11 : memref<!tpu.dma_semaphore, #tpu.memory_space<semaphore_mem>>) src(%dma_wait3A_841 : memref<32x512xf32, #tpu.memory_space<vmem>>) dst(%dma_wait3A_838 : memref<32x512xf32, #tpu.memory_space<hbm>>)
    } else {
    }
    %add3A_786 = arith.constant 13 : i32
    %add3A_787 = arith.addi %mul3A_2, %add3A_786 : i32
    %sub3A_788 = arith.constant 1 : i32
    %sub3A_789 = arith.subi %add3A_787, %sub3A_788 : i32
    %lt3A_790 = arith.constant 511 : i32
    %lt3A_791 = arith.cmpi slt, %add3A_787, %lt3A_790 : i32
    %convert_element_type3A_792 = arith.extui %lt3A_791 : i1 to i32
    %cond3A_793 = arith.constant 0 : i32
    %cond3A_794 = arith.cmpi ne, %convert_element_type3A_792, %cond3A_793 : i32
    scf.if %cond3A_794 {
      %dma_wait3A_828 = arith.constant 32 : i32
      %dma_wait3A_829 = arith.constant 0 : i32
      %dma_wait3A_830 = tpu.memref_slice %arg4[%dma_wait3A_828, %dma_wait3A_829] : memref<192x512xf32, #tpu.memory_space<vmem>> -> memref<32x512xf32, #tpu.memory_space<vmem>>
      %dma_wait3A_831 = arith.constant 0 : i32
      %dma_wait3A_832 = arith.constant 0 : i32
      %dma_wait3A_833 = tpu.memref_slice %arg3[%add3A_787, %dma_wait3A_831, %dma_wait3A_832] : memref<511x64x512xf32, #tpu.memory_space<hbm>> -> memref<1x32x512xf32, #tpu.memory_space<hbm>>
      %dma_wait3A_834 = tpu.memref_squeeze %dma_wait3A_833 : memref<1x32x512xf32, #tpu.memory_space<hbm>> -> memref<32x512xf32, #tpu.memory_space<hbm>>
      %dma_wait3A_835 = arith.constant 0 : i32
      %dma_wait3A_836 = arith.constant 0 : i32
      %dma_wait3A_837 = tpu.memref_slice %arg3[%add3A_787, %dma_wait3A_835, %dma_wait3A_836] : memref<511x64x512xf32, #tpu.memory_space<hbm>> -> memref<1x32x512xf32, #tpu.memory_space<hbm>>
      %dma_wait3A_838 = tpu.memref_squeeze %dma_wait3A_837 : memref<1x32x512xf32, #tpu.memory_space<hbm>> -> memref<32x512xf32, #tpu.memory_space<hbm>>
      %dma_wait3A_839 = arith.constant 32 : i32
      %dma_wait3A_840 = arith.constant 0 : i32
      %dma_wait3A_841 = tpu.memref_slice %arg4[%dma_wait3A_839, %dma_wait3A_840] : memref<192x512xf32, #tpu.memory_space<vmem>> -> memref<32x512xf32, #tpu.memory_space<vmem>>
      tpu.wait_dma2 semaphore(%arg12 : memref<!tpu.dma_semaphore, #tpu.memory_space<semaphore_mem>>) src(%dma_wait3A_841 : memref<32x512xf32, #tpu.memory_space<vmem>>) dst(%dma_wait3A_838 : memref<32x512xf32, #tpu.memory_space<hbm>>)
    } else {
    }
    %gt3A_795 = arith.constant 0 : i32
    %gt3A_796 = arith.cmpi sgt, %add3A_787, %gt3A_795 : i32
    %convert_element_type3A_797 = arith.extui %gt3A_796 : i1 to i32
    %cond3A_798 = arith.constant 0 : i32
    %cond3A_799 = arith.cmpi ne, %convert_element_type3A_797, %cond3A_798 : i32
    scf.if %cond3A_799 {
      %dma_wait3A_828 = arith.constant 32 : i32
      %dma_wait3A_829 = arith.constant 0 : i32
      %dma_wait3A_830 = tpu.memref_slice %arg4[%dma_wait3A_828, %dma_wait3A_829] : memref<192x512xf32, #tpu.memory_space<vmem>> -> memref<32x512xf32, #tpu.memory_space<vmem>>
      %dma_wait3A_831 = arith.constant 32 : i32
      %dma_wait3A_832 = arith.constant 0 : i32
      %dma_wait3A_833 = tpu.memref_slice %arg3[%sub3A_789, %dma_wait3A_831, %dma_wait3A_832] : memref<511x64x512xf32, #tpu.memory_space<hbm>> -> memref<1x32x512xf32, #tpu.memory_space<hbm>>
      %dma_wait3A_834 = tpu.memref_squeeze %dma_wait3A_833 : memref<1x32x512xf32, #tpu.memory_space<hbm>> -> memref<32x512xf32, #tpu.memory_space<hbm>>
      %dma_wait3A_835 = arith.constant 32 : i32
      %dma_wait3A_836 = arith.constant 0 : i32
      %dma_wait3A_837 = tpu.memref_slice %arg3[%sub3A_789, %dma_wait3A_835, %dma_wait3A_836] : memref<511x64x512xf32, #tpu.memory_space<hbm>> -> memref<1x32x512xf32, #tpu.memory_space<hbm>>
      %dma_wait3A_838 = tpu.memref_squeeze %dma_wait3A_837 : memref<1x32x512xf32, #tpu.memory_space<hbm>> -> memref<32x512xf32, #tpu.memory_space<hbm>>
      %dma_wait3A_839 = arith.constant 32 : i32
      %dma_wait3A_840 = arith.constant 0 : i32
      %dma_wait3A_841 = tpu.memref_slice %arg4[%dma_wait3A_839, %dma_wait3A_840] : memref<192x512xf32, #tpu.memory_space<vmem>> -> memref<32x512xf32, #tpu.memory_space<vmem>>
      tpu.wait_dma2 semaphore(%arg12 : memref<!tpu.dma_semaphore, #tpu.memory_space<semaphore_mem>>) src(%dma_wait3A_841 : memref<32x512xf32, #tpu.memory_space<vmem>>) dst(%dma_wait3A_838 : memref<32x512xf32, #tpu.memory_space<hbm>>)
    } else {
    }
    %add3A_800 = arith.constant 14 : i32
    %add3A_801 = arith.addi %mul3A_2, %add3A_800 : i32
    %sub3A_802 = arith.constant 1 : i32
    %sub3A_803 = arith.subi %add3A_801, %sub3A_802 : i32
    %lt3A_804 = arith.constant 511 : i32
    %lt3A_805 = arith.cmpi slt, %add3A_801, %lt3A_804 : i32
    %convert_element_type3A_806 = arith.extui %lt3A_805 : i1 to i32
    %cond3A_807 = arith.constant 0 : i32
    %cond3A_808 = arith.cmpi ne, %convert_element_type3A_806, %cond3A_807 : i32
    scf.if %cond3A_808 {
      %dma_wait3A_828 = arith.constant 64 : i32
      %dma_wait3A_829 = arith.constant 0 : i32
      %dma_wait3A_830 = tpu.memref_slice %arg4[%dma_wait3A_828, %dma_wait3A_829] : memref<192x512xf32, #tpu.memory_space<vmem>> -> memref<32x512xf32, #tpu.memory_space<vmem>>
      %dma_wait3A_831 = arith.constant 0 : i32
      %dma_wait3A_832 = arith.constant 0 : i32
      %dma_wait3A_833 = tpu.memref_slice %arg3[%add3A_801, %dma_wait3A_831, %dma_wait3A_832] : memref<511x64x512xf32, #tpu.memory_space<hbm>> -> memref<1x32x512xf32, #tpu.memory_space<hbm>>
      %dma_wait3A_834 = tpu.memref_squeeze %dma_wait3A_833 : memref<1x32x512xf32, #tpu.memory_space<hbm>> -> memref<32x512xf32, #tpu.memory_space<hbm>>
      %dma_wait3A_835 = arith.constant 0 : i32
      %dma_wait3A_836 = arith.constant 0 : i32
      %dma_wait3A_837 = tpu.memref_slice %arg3[%add3A_801, %dma_wait3A_835, %dma_wait3A_836] : memref<511x64x512xf32, #tpu.memory_space<hbm>> -> memref<1x32x512xf32, #tpu.memory_space<hbm>>
      %dma_wait3A_838 = tpu.memref_squeeze %dma_wait3A_837 : memref<1x32x512xf32, #tpu.memory_space<hbm>> -> memref<32x512xf32, #tpu.memory_space<hbm>>
      %dma_wait3A_839 = arith.constant 64 : i32
      %dma_wait3A_840 = arith.constant 0 : i32
      %dma_wait3A_841 = tpu.memref_slice %arg4[%dma_wait3A_839, %dma_wait3A_840] : memref<192x512xf32, #tpu.memory_space<vmem>> -> memref<32x512xf32, #tpu.memory_space<vmem>>
      tpu.wait_dma2 semaphore(%arg13 : memref<!tpu.dma_semaphore, #tpu.memory_space<semaphore_mem>>) src(%dma_wait3A_841 : memref<32x512xf32, #tpu.memory_space<vmem>>) dst(%dma_wait3A_838 : memref<32x512xf32, #tpu.memory_space<hbm>>)
    } else {
    }
    %gt3A_809 = arith.constant 0 : i32
    %gt3A_810 = arith.cmpi sgt, %add3A_801, %gt3A_809 : i32
    %convert_element_type3A_811 = arith.extui %gt3A_810 : i1 to i32
    %cond3A_812 = arith.constant 0 : i32
    %cond3A_813 = arith.cmpi ne, %convert_element_type3A_811, %cond3A_812 : i32
    scf.if %cond3A_813 {
      %dma_wait3A_828 = arith.constant 64 : i32
      %dma_wait3A_829 = arith.constant 0 : i32
      %dma_wait3A_830 = tpu.memref_slice %arg4[%dma_wait3A_828, %dma_wait3A_829] : memref<192x512xf32, #tpu.memory_space<vmem>> -> memref<32x512xf32, #tpu.memory_space<vmem>>
      %dma_wait3A_831 = arith.constant 32 : i32
      %dma_wait3A_832 = arith.constant 0 : i32
      %dma_wait3A_833 = tpu.memref_slice %arg3[%sub3A_803, %dma_wait3A_831, %dma_wait3A_832] : memref<511x64x512xf32, #tpu.memory_space<hbm>> -> memref<1x32x512xf32, #tpu.memory_space<hbm>>
      %dma_wait3A_834 = tpu.memref_squeeze %dma_wait3A_833 : memref<1x32x512xf32, #tpu.memory_space<hbm>> -> memref<32x512xf32, #tpu.memory_space<hbm>>
      %dma_wait3A_835 = arith.constant 32 : i32
      %dma_wait3A_836 = arith.constant 0 : i32
      %dma_wait3A_837 = tpu.memref_slice %arg3[%sub3A_803, %dma_wait3A_835, %dma_wait3A_836] : memref<511x64x512xf32, #tpu.memory_space<hbm>> -> memref<1x32x512xf32, #tpu.memory_space<hbm>>
      %dma_wait3A_838 = tpu.memref_squeeze %dma_wait3A_837 : memref<1x32x512xf32, #tpu.memory_space<hbm>> -> memref<32x512xf32, #tpu.memory_space<hbm>>
      %dma_wait3A_839 = arith.constant 64 : i32
      %dma_wait3A_840 = arith.constant 0 : i32
      %dma_wait3A_841 = tpu.memref_slice %arg4[%dma_wait3A_839, %dma_wait3A_840] : memref<192x512xf32, #tpu.memory_space<vmem>> -> memref<32x512xf32, #tpu.memory_space<vmem>>
      tpu.wait_dma2 semaphore(%arg13 : memref<!tpu.dma_semaphore, #tpu.memory_space<semaphore_mem>>) src(%dma_wait3A_841 : memref<32x512xf32, #tpu.memory_space<vmem>>) dst(%dma_wait3A_838 : memref<32x512xf32, #tpu.memory_space<hbm>>)
    } else {
    }
    %add3A_814 = arith.constant 15 : i32
    %add3A_815 = arith.addi %mul3A_2, %add3A_814 : i32
    %sub3A_816 = arith.constant 1 : i32
    %sub3A_817 = arith.subi %add3A_815, %sub3A_816 : i32
    %lt3A_818 = arith.constant 511 : i32
    %lt3A_819 = arith.cmpi slt, %add3A_815, %lt3A_818 : i32
    %convert_element_type3A_820 = arith.extui %lt3A_819 : i1 to i32
    %cond3A_821 = arith.constant 0 : i32
    %cond3A_822 = arith.cmpi ne, %convert_element_type3A_820, %cond3A_821 : i32
    scf.if %cond3A_822 {
      %dma_wait3A_828 = arith.constant 96 : i32
      %dma_wait3A_829 = arith.constant 0 : i32
      %dma_wait3A_830 = tpu.memref_slice %arg4[%dma_wait3A_828, %dma_wait3A_829] : memref<192x512xf32, #tpu.memory_space<vmem>> -> memref<32x512xf32, #tpu.memory_space<vmem>>
      %dma_wait3A_831 = arith.constant 0 : i32
      %dma_wait3A_832 = arith.constant 0 : i32
      %dma_wait3A_833 = tpu.memref_slice %arg3[%add3A_815, %dma_wait3A_831, %dma_wait3A_832] : memref<511x64x512xf32, #tpu.memory_space<hbm>> -> memref<1x32x512xf32, #tpu.memory_space<hbm>>
      %dma_wait3A_834 = tpu.memref_squeeze %dma_wait3A_833 : memref<1x32x512xf32, #tpu.memory_space<hbm>> -> memref<32x512xf32, #tpu.memory_space<hbm>>
      %dma_wait3A_835 = arith.constant 0 : i32
      %dma_wait3A_836 = arith.constant 0 : i32
      %dma_wait3A_837 = tpu.memref_slice %arg3[%add3A_815, %dma_wait3A_835, %dma_wait3A_836] : memref<511x64x512xf32, #tpu.memory_space<hbm>> -> memref<1x32x512xf32, #tpu.memory_space<hbm>>
      %dma_wait3A_838 = tpu.memref_squeeze %dma_wait3A_837 : memref<1x32x512xf32, #tpu.memory_space<hbm>> -> memref<32x512xf32, #tpu.memory_space<hbm>>
      %dma_wait3A_839 = arith.constant 96 : i32
      %dma_wait3A_840 = arith.constant 0 : i32
      %dma_wait3A_841 = tpu.memref_slice %arg4[%dma_wait3A_839, %dma_wait3A_840] : memref<192x512xf32, #tpu.memory_space<vmem>> -> memref<32x512xf32, #tpu.memory_space<vmem>>
      tpu.wait_dma2 semaphore(%arg14 : memref<!tpu.dma_semaphore, #tpu.memory_space<semaphore_mem>>) src(%dma_wait3A_841 : memref<32x512xf32, #tpu.memory_space<vmem>>) dst(%dma_wait3A_838 : memref<32x512xf32, #tpu.memory_space<hbm>>)
    } else {
    }
    %gt3A_823 = arith.constant 0 : i32
    %gt3A_824 = arith.cmpi sgt, %add3A_815, %gt3A_823 : i32
    %convert_element_type3A_825 = arith.extui %gt3A_824 : i1 to i32
    %cond3A_826 = arith.constant 0 : i32
    %cond3A_827 = arith.cmpi ne, %convert_element_type3A_825, %cond3A_826 : i32
    scf.if %cond3A_827 {
      %dma_wait3A_828 = arith.constant 96 : i32
      %dma_wait3A_829 = arith.constant 0 : i32
      %dma_wait3A_830 = tpu.memref_slice %arg4[%dma_wait3A_828, %dma_wait3A_829] : memref<192x512xf32, #tpu.memory_space<vmem>> -> memref<32x512xf32, #tpu.memory_space<vmem>>
      %dma_wait3A_831 = arith.constant 32 : i32
      %dma_wait3A_832 = arith.constant 0 : i32
      %dma_wait3A_833 = tpu.memref_slice %arg3[%sub3A_817, %dma_wait3A_831, %dma_wait3A_832] : memref<511x64x512xf32, #tpu.memory_space<hbm>> -> memref<1x32x512xf32, #tpu.memory_space<hbm>>
      %dma_wait3A_834 = tpu.memref_squeeze %dma_wait3A_833 : memref<1x32x512xf32, #tpu.memory_space<hbm>> -> memref<32x512xf32, #tpu.memory_space<hbm>>
      %dma_wait3A_835 = arith.constant 32 : i32
      %dma_wait3A_836 = arith.constant 0 : i32
      %dma_wait3A_837 = tpu.memref_slice %arg3[%sub3A_817, %dma_wait3A_835, %dma_wait3A_836] : memref<511x64x512xf32, #tpu.memory_space<hbm>> -> memref<1x32x512xf32, #tpu.memory_space<hbm>>
      %dma_wait3A_838 = tpu.memref_squeeze %dma_wait3A_837 : memref<1x32x512xf32, #tpu.memory_space<hbm>> -> memref<32x512xf32, #tpu.memory_space<hbm>>
      %dma_wait3A_839 = arith.constant 96 : i32
      %dma_wait3A_840 = arith.constant 0 : i32
      %dma_wait3A_841 = tpu.memref_slice %arg4[%dma_wait3A_839, %dma_wait3A_840] : memref<192x512xf32, #tpu.memory_space<vmem>> -> memref<32x512xf32, #tpu.memory_space<vmem>>
      tpu.wait_dma2 semaphore(%arg14 : memref<!tpu.dma_semaphore, #tpu.memory_space<semaphore_mem>>) src(%dma_wait3A_841 : memref<32x512xf32, #tpu.memory_space<vmem>>) dst(%dma_wait3A_838 : memref<32x512xf32, #tpu.memory_space<hbm>>)
    } else {
    }
    return
  }
}

</mosaic_0001>

<sc_bundles>
// kernel: kernel.3.cloned.1.call-start
scs
__scs_entry_jumppad:
0x0: {  	(pc) =	sbr.rel $0x88, $3  }
0x1: {  	(tag) =	ssettag $0x0;
	lr =	simm.s32 $0x1  }
0x2: {  	[smem:$0x3FA0] =	sst lr;
	_ =	strace $0xD0000000  }
0x3: {  	_ = 	snop  }
0x4: {  	_ = 	snop  }
0x5: {  	_ = 	snop  }
0x6: {  	_ = 	snop  }
0x7: {  	_ = 	snop  }
__scs_overlays_trampoline_lowered:
0x8: {  	[smem:$0x3FAF] =	sst s0  }
0x9: {  	[smem:$0x3FB0] =	sst s1  }
0xa: {  	[smem:$0x3FB1] =	sst s2  }
0xb: {  	[smem:$0x3FB2] =	sst s3  }
0xc: {  	[smem:$0x3FB3] =	sst s4  }
0xd: {  	[smem:$0x3FB4] =	sst s5  }
0xe: {  	[smem:$0x3FB5] =	sst s6  }
0xf: {  	[smem:$0x3FB6] =	sst s7  }
0x10: {  	[smem:$0x3FB7] =	sst s8  }
0x11: {  	[smem:$0x3FB8] =	sst s9;
	s0 =	simm.s32 @!p0 $0x0  }
0x12: {  	s1 =	sld [smem:$0x3F9E];
	s0 =	simm.s32 @p0 $0x1  }
0x13: {  	[smem:$0x3FB9] =	sst s0;
	s0 =	simm.s32 @!p1 $0x0  }
0x14: {  	s2 =	sld [smem:$0x3F9D];
	s0 =	simm.s32 @p1 $0x1  }
0x15: {  	[smem:$0x3FBA] =	sst s0;
	s0 =	simm.s32 @!p2 $0x0  }
0x16: {  	s3 =	sld [smem:$0x3FDB];
	s0 =	simm.s32 @p2 $0x1  }
0x17: {  	s4 =	simm.s32 $0x1BF5;
	[smem:$0x3FBC] =	sst s0  }
0x18: {  	s0 =	sld [smem:$0x3F9F];
	_ =	swait.ge [sflag:s4], $0x0  }
0x19: {  	s7 =	sld [smem:$0x3FA0]  }
0x1a: {  	s8 =	sadd.s32 $0xFFFFE003, lr  }
0x1b: {  	s9 =	sadd.s32 $0xFFFFFEF7, lr;
	s5 =	simm.s32 $0xFFFFFFFF;
	p2 =	slt.u32 s8, $0xFFFFF086  }
0x1c: {  	p1 =	slt.u32 s9, $0xF7A;
	s5 =	simm.s32 @!p2 $0x0  }
0x1d: {  	s5 =	simm.s32 @p1 $0x1;
	p0 =	seq.s32 s7, s2  }
0x1e: {  	s7 =	smul.u32 @!p0 $0xF7A, s2;
	p2 =	seq.s32 @!p0 s5, $0x0  }
0x1f: {  	s9 =	smul.u32 $0xF7A, s1;
	s8 =	simm.s32 @!p0 $0x1BF5;
	p2 =	por !p2, p0  }
0x20: {  	[sflag:s8] =	ssyncset.s32 @!p0 $0xFFFFF086;
	s6 =	sadd.s32 @!p0 s3, s7;
	s7 =	simm.s32 @!p0 $0x108  }
0x21: {  	s3 =	sadd.s32 s3, s9;
	s6 =	sadd.s32 @!p0 $0x88, s6;
	s7 =	simm.s32 @p2 $0x1082  }
0x22: {  	[simem:s7], [sflag:s8] =	dma.local @!p0 [hbm:s6], $0xF7A  }
0x23: {  	s9 =	sor.u32 $0xD0000000, s2;
	s6 =	simm.s32 $0x108;
	_ =	swait.ge @!p0 [sflag:s8], $0x0  }
0x24: {  	s3 =	sadd.s32 $0x88, s3;
	s6 =	simm.s32 @!p1 $0x1082;
	[sflag:s4] =	ssyncset.s32 $0xFFFFF086  }
0x25: {  	[simem:s6], [sflag:s4] =	dma.local [hbm:s3], $0xF7A  }
0x26: {  	[smem:$0x3FA0] =	sst s1;
	(tag) =	ssettag s2;
	_ =	strace s9  }
0x27: {  	s1 =	sld [smem:$0x3FB0]  }
0x28: {  	s2 =	sld [smem:$0x3FB1]  }
0x29: {  	s4 =	sld [smem:$0x3FB3]  }
0x2a: {  	p0 =	seq.s32 s5, $0x0;
	s5 =	sld [smem:$0x3FB4]  }
0x2b: {  	s6 =	sld [smem:$0x3FB5]  }
0x2c: {  	s7 =	sld [smem:$0x3FB6]  }
0x2d: {  	s3 =	simm.s32 $0x108;
	s8 =	sld [smem:$0x3FB7]  }
0x2e: {  	s3 =	simm.s32 @!p0 $0x1082;
	s9 =	sld [smem:$0x3FB8]  }
0x2f: {  	lr =	sadd.s32 s0, s3;
	s0 =	sld [smem:$0x3FAF]  }
0x30: {  	s3 =	sld [smem:$0x3FB2]  }
0x31: {  	[smem:$0x3FBB] =	sst s10  }
0x32: {  	s10 =	sld [smem:$0x3FB9];
	_ =	sdelay $0x3  }
0x33: {  	p0 =	seq.s32 s10, $0x1;
	s10 =	sld [smem:$0x3FBB];
	_ =	sdelay $0x3  }
0x34: {  	[smem:$0x3FBB] =	sst s10  }
0x35: {  	s10 =	sld [smem:$0x3FBA];
	_ =	sdelay $0x3  }
0x36: {  	p1 =	seq.s32 s10, $0x1;
	s10 =	sld [smem:$0x3FBB];
	_ =	sdelay $0x3  }
0x37: {  	[smem:$0x3FBB] =	sst s10  }
0x38: {  	s10 =	sld [smem:$0x3FBC]  }
0x39: {  	_ = 	snop;
	(pc) =	sbr.ind lr, $3  }
0x3a: {  	_ = 	snop  }
0x3b: {  	_ = 	snop  }
0x3c: {  	p2 =	seq.s32 s10, $0x1;
	s10 =	sld [smem:$0x3FBB]  }
0x3d: {  	_ =	shalt  }
0x3e: {  	_ =	shalt  }
0x3f: {  	_ =	shalt  }
0x40: {  	_ =	shalt  }
0x41: {  	_ =	shalt  }
0x42: {  	_ =	shalt  }
0x43: {  	_ =	shalt  }
0x44: {  	_ =	shalt  }
0x45: {  	_ =	shalt  }
0x46: {  	_ =	shalt  }
0x47: {  	_ =	shalt  }
0x48: {  	_ =	shalt  }
0x49: {  	_ =	shalt  }
0x4a: {  	_ =	shalt  }
0x4b: {  	_ =	shalt  }
0x4c: {  	_ =	shalt  }
0x4d: {  	_ =	shalt  }
0x4e: {  	_ =	shalt  }
0x4f: {  	_ =	shalt  }
0x50: {  	_ =	shalt  }
0x51: {  	_ =	shalt  }
0x52: {  	_ =	shalt  }
0x53: {  	_ =	shalt  }
0x54: {  	_ =	shalt  }
0x55: {  	_ =	shalt  }
0x56: {  	_ =	shalt  }
0x57: {  	_ =	shalt  }
0x58: {  	_ =	shalt  }
0x59: {  	_ =	shalt  }
0x5a: {  	_ =	shalt  }
0x5b: {  	_ =	shalt  }
0x5c: {  	_ =	shalt  }
0x5d: {  	_ =	shalt  }
0x5e: {  	_ =	shalt  }
0x5f: {  	_ =	shalt  }
0x60: {  	_ =	shalt  }
0x61: {  	_ =	shalt  }
0x62: {  	_ =	shalt  }
0x63: {  	_ =	shalt  }
0x64: {  	_ =	shalt  }
0x65: {  	_ =	shalt  }
0x66: {  	_ =	shalt  }
0x67: {  	_ =	shalt  }
0x68: {  	_ =	shalt  }
0x69: {  	_ =	shalt  }
0x6a: {  	_ =	shalt  }
0x6b: {  	_ =	shalt  }
0x6c: {  	_ =	shalt  }
0x6d: {  	_ =	shalt  }
0x6e: {  	_ =	shalt  }
0x6f: {  	_ =	shalt  }
0x70: {  	_ =	shalt  }
0x71: {  	_ =	shalt  }
0x72: {  	_ =	shalt  }
0x73: {  	_ =	shalt  }
0x74: {  	_ =	shalt  }
0x75: {  	_ =	shalt  }
0x76: {  	_ =	shalt  }
0x77: {  	_ =	shalt  }
0x78: {  	_ =	shalt  }
0x79: {  	_ =	shalt  }
0x7a: {  	_ =	shalt  }
0x7b: {  	_ =	shalt  }
0x7c: {  	_ =	shalt  }
0x7d: {  	_ =	shalt  }
0x7e: {  	_ =	shalt  }
0x7f: {  	_ =	shalt  }
0x80: {  	_ =	shalt  }
0x81: {  	_ =	shalt  }
0x82: {  	_ =	shalt  }
0x83: {  	_ =	shalt  }
0x84: {  	_ =	shalt  }
0x85: {  	_ =	shalt  }
0x86: {  	_ =	shalt  }
0x87: {  	_ =	shalt  }
.Lfunc_end0:
.L_simem_size_0:
called_computation_lowered:
.L_overlay_start_0:
0x88: {  	s2 =	sld [smem:$0x3FD9]  }
0x89: {  	s3 =	sld [smem:$0x3FFE];
	_ =	sdelay $0x1  }
0x8a: {  	s1 =	srdreg.scid  }
0x8b: {  	s0 =	sand.u32 $0x1, s1  }
0x8c: {  	s18 =	sshll.u32 s0, $0xA;
	s2 =	sadd.s32 s3, s2  }
0x8d: {  	s2 =	sadd.s32 s2, s18  }
0x8e: {  	[smem:$0x3FC7] =	sst s2  }
0x8f: {  	_ = 	snop  }
0x90: {  	s2 =	sld [smem:$0x3FC9]  }
0x91: {  	s19 =	sld [smem:$0x3FD0];
	(tm) =	ssettm $0x1  }
0x92: {  	s4 =	sld [smem:$0x3FFB];
	_ =	sdelay $0x3  }
0x93: {  	_ =	strace s4  }
0x94: {  	s4 =	sld [smem:$0x3FFC];
	_ =	sdelay $0x3  }
0x95: {  	_ =	strace s4  }
0x96: {  	s4 =	sld [smem:$0x3FFD];
	_ =	sdelay $0x3  }
0x97: {  	_ =	strace s4  }
0x98: {  	_ =	strace $0x8FFFFFFF  }
0x99: {  	s20 =	sld [smem:$0x3FDB];
	_ =	sdelay $0x1  }
0x9a: {  	s5 =	simm.s32 $_scs_section_size  }
0x9b: {  	s6 =	simm.s32 $_size__tile_overlayer_lowered;
	s7 =	simm.s32 $_tile_overlayer_lowered  }
0x9c: {  	s23 =	simm.s32 $0x1BFF;
	s22 =	sshll.u32 s7, $0x1;
	s4 =	sadd.s32 s5, s20  }
0x9d: {  	s8 =	simm.s32 $0x0;
	s21 =	sshll.u32 s6, $0x1;
	s6 =	sadd.s32 s22, s4  }
0x9e: {  	[timem:s8], [sflag:s23] =	dma.local [hbm:s6], s21  }
0x9f: {  	_ =	swait.ge [sflag:s23], s21  }
0xa0: {  	s5 =	ssub.s32 $0x0, s21;
	[sflag:s23] =	ssyncset.done $0x0  }
0xa1: {  	[sflag:s23] =	ssyncadd.s32 s5;
	_ =	sdelay $0x1  }
0xa2: {  	s24 =	simm.s32 $0x1B8B  }
0xa3: {  	_ =	swait.ge [sflag:s24], $0x1  }
0xa4: {  	[sflag:s24] =	ssyncset.done $0x0  }
0xa5: {  	s25 =	simm.s32 $0x1B8E;
	[sflag:s24] =	ssyncadd.s32 $0xFFFFFFFF  }
0xa6: {  	s26 =	simm.s32 $execute0_lowered;
	[smem:$0x3FD2] =	sst s25  }
0xa7: {  	s5 =	sshll.u32 s26, $0x1;
	_ =	strace $0x80000046;
	[dreg:$0x1] =	wrdreg $0xFFFFFFFF  }
0xa8: {  	s28 =	simm.s32 $_size_execute0_lowered;
	s4 =	sadd.s32 s4, s5;
	[dreg:$0x0] =	wrdreg $0x0  }
0xa9: {  	s5 =	sshll.u32 s28, $0x1;
	[dreg:$0x2] =	wrdreg s4  }
0xaa: {  	[dreg:$0x3] =	wrdreg s5  }
0xab: {  	[dreg:$0x4] =	wrdreg $0xC0  }
0xac: {  	_ =	task [dreg:s8], $0x5FFFF  }
0xad: {  	[dreg:$0x1] =	wrdreg $0xFFFFFFFF  }
0xae: {  	[dreg:$0x0] =	wrdreg $0x60  }
0xaf: {  	[dreg:$0x2] =	wrdreg s2  }
0xb0: {  	[dreg:$0x3] =	wrdreg s19  }
0xb1: {  	[dreg:$0x4] =	wrdreg $0x9  }
0xb2: {  	_ =	task.clear_ibuf [dreg:s8], $0x5FFFF;
	_ =	strace $0x90000046  }
0xb3: {  	s29 =	simm.s32 $0x9;
	_ =	strace $0x80000048  }
0xb4: {  	_ =	swait.ge [sflag:s29], $0x1  }
0xb5: {  	[sflag:s29] =	ssyncadd.s32 $0xFFFFFFFF  }
0xb6: {  	_ =	strace $0x90000048  }
0xb7: {  	_ =	sfence  }
0xb8: {  	s30 =	sld [smem:$0x0];
	_ =	sdelay $0x2  }
0xb9: {  	s31 =	sshll.u32 s1, $0xD;
	s1 =	sshrl.u32 s1, $0x2  }
0xba: {  	s3 =	sand.u32 $0x4000, s31;
	s1 =	sadd.s32 s1, s30  }
0xbb: {  	s0 =	sor.u32 s3, s0;
	s1 =	sshll.u32 s1, $0x11  }
0xbc: {  	s0 =	sor.u32 s1, s0  }
0xbd: {  	s0 =	sadd.s32 $0x8F2B, s0  }
0xbe: {  	[sflag:s0] =	ssyncadd.remote.s32 $0x1  }
0xbf: {  	_ =	sfence.sel $0xFFFF  }
0xc0: {  	[dreg:$0x0] =	wrdreg $0xFFFFFFFF;
	(pc) =	sbr.abs _section_cstart, $3  }
0xc1: {  	[dreg:$0x1] =	wrdreg $0xFFFFFFFF  }
0xc2: {  	_ =	task.clear_ibuf [dreg:s8], $0x2FFFF;
	_ =	strace $0x9FFFFFFF  }
0xc3: {  	(tm) =	ssettm $0x7FFFFFFF  }
tec
execute0_lowered:
.L_overlay_start_1:
0x0: {  	(tag) =	ssettag $0x1  }
0x1: {  	s3 =	rddreg [dreg:$0x0]  }
0x2: {  	s0 =	srdreg.scid;
	s1 =	rddreg [dreg:$0x1]  }
0x3: {  	s29 =	stileid.u32;
	s30 =	rddreg [dreg:$0x2];
	s2 =	simm.s32 $0x0  }
0x4: {  	s5 =	sand.u32 $0x1, s0;
	s20 =	sshll.u32 s29, $0x1;
	[smem:$0x7FF] =	sst s2  }
0x5: {  	p2 =	por $0x0, $0x0;
	s0 =	sor.u32 s5, s20;
	_ =	strace $0x80000047  }
0x6: {  	s4 =	sshll.u32 s0, $0x4;
	s6 =	sshll.u32 s0, $0xF;
	s25 =	sshll.u32 s0, $0x13  }
0x7: {  	s11 =	sshll.u32 s0, $0x10;
	p1 =	seq.s32 s0, $0x0;
	p0 =	seq.s32 s0, $0x1F  }
0x8: {  	s6 =	sadd.s32 s3, s6;
	s7 =	sor.u32 $0x1, s4;
	s8 =	sor.u32 $0x2, s4  }
0x9: {  	s10 =	sor.u32 $0x3, s4;
	s26 =	sadd.s32 $0xFFFFC000, s25;
	s31 =	sadd.s32 s1, s11  }
0xa: {  	s12 =	sor.u32 $0x4, s4;
	[dreg:$0x3] =	wrdreg s6;
	s21 =	sshll.u32 s7, $0xB  }
0xb: {  	s9 =	sshll.u32 s8, $0xB;
	s23 =	sshll.u32 s10, $0xB;
	[dreg:$0x7] =	wrdreg s31  }
0xc: {  	s13 =	sshll.u32 s12, $0xB;
	s6 =	sadd.s32 s3, s21;
	s28 =	rddreg [dreg:$0x3]  }
0xd: {  	s7 =	sshll.u32 s7, $0xC;
	s22 =	sadd.s32 s3, s9;
	[dreg:$0x4] =	wrdreg s6  }
0xe: {  	s8 =	sshll.u32 s8, $0xC;
	s24 =	sadd.s32 s3, s23;
	[dreg:$0x5] =	wrdreg s22  }
0xf: {  	s9 =	sadd.s32 s3, s13;
	s14 =	sadd.s32 s1, s7;
	[dreg:$0x6] =	wrdreg s24  }
0x10: {  	s13 =	sor.u32 $0x5, s4;
	s18 =	sadd.s32 s1, s8;
	[dreg:$0x9] =	wrdreg s9  }
0x11: {  	s21 =	sshll.u32 s10, $0xC;
	s10 =	sor.u32 $0x7, s4;
	[dreg:$0xa] =	wrdreg s14  }
0x12: {  	s6 =	sshrl.u32 s26, $0x3;
	s16 =	sshll.u32 s13, $0xB;
	[dreg:$0xd] =	wrdreg s18  }
0x13: {  	s22 =	sadd.s32 s1, s21;
	s24 =	sshll.u32 s10, $0xB;
	s26 =	sshll.u32 s12, $0xC  }
0x14: {  	s12 =	sor.u32 $0x8, s4;
	s6 =	sadd.s32 s1, s6;
	[dreg:$0x10] =	wrdreg s22  }
0x15: {  	s17 =	sadd.s32 s3, s16;
	s25 =	sadd.s32 s3, s24;
	[dreg:$0x8] =	wrdreg s6  }
0x16: {  	s31 =	sadd.s32 s1, s26;
	s14 =	sshll.u32 s12, $0xB;
	[dreg:$0xc] =	wrdreg s17  }
0x17: {  	s16 =	sshll.u32 s13, $0xC;
	s6 =	ssub.s32 $0x2, s5;
	[dreg:$0x12] =	wrdreg s25  }
0x18: {  	s5 =	sadd.s32 $0x800, s1;
	[dreg:$0x13] =	wrdreg s31;
	s17 =	sadd.s32 s1, s16  }
0x19: {  	s13 =	sor.u32 $0x9, s4;
	s15 =	sadd.s32 s11, s5;
	[dreg:$0x16] =	wrdreg s17  }
0x1a: {  	s11 =	sor.u32 $0x6, s4;
	s7 =	sadd.s32 s7, s5;
	[dreg:$0xb] =	wrdreg s15  }
0x1b: {  	s23 =	sadd.s32 s8, s5;
	s9 =	sadd.s32 s21, s5;
	[dreg:$0xe] =	wrdreg s7  }
0x1c: {  	s18 =	sadd.s32 s26, s5;
	s26 =	sshll.u32 s10, $0xC;
	[dreg:$0x11] =	wrdreg s23  }
0x1d: {  	s10 =	sor.u32 $0xB, s4;
	s17 =	sshll.u32 s12, $0xC;
	[dreg:$0x14] =	wrdreg s9  }
0x1e: {  	s12 =	sor.u32 $0xC, s4;
	s15 =	sadd.s32 s3, s14;
	[dreg:$0x17] =	wrdreg s18  }
0x1f: {  	s19 =	sshll.u32 s11, $0xB;
	s23 =	sadd.s32 s16, s5;
	[dreg:$0x15] =	wrdreg s15  }
0x20: {  	s21 =	sshll.u32 s11, $0xC;
	s31 =	sadd.s32 s1, s26;
	[dreg:$0x1a] =	wrdreg s23  }
0x21: {  	s11 =	sor.u32 $0xA, s4;
	s18 =	sadd.s32 s1, s17;
	[dreg:$0x1c] =	wrdreg s31  }
0x22: {  	s20 =	sadd.s32 s3, s19;
	s19 =	sshll.u32 s13, $0xB;
	[dreg:$0x1f] =	wrdreg s18  }
0x23: {  	s22 =	sadd.s32 s1, s21;
	s24 =	sshll.u32 s11, $0xB;
	[dreg:$0xf] =	wrdreg s20  }
0x24: {  	s14 =	sadd.s32 s21, s5;
	s15 =	sshll.u32 s10, $0xB;
	[dreg:$0x19] =	wrdreg s22  }
0x25: {  	s31 =	sshll.u32 s11, $0xC;
	s20 =	sadd.s32 s3, s19;
	[dreg:$0x1d] =	wrdreg s14  }
0x26: {  	s25 =	sadd.s32 s3, s24;
	s16 =	sadd.s32 s3, s15;
	[dreg:$0x18] =	wrdreg s20  }
0x27: {  	s19 =	sadd.s32 s26, s5;
	s22 =	sshll.u32 s13, $0xC;
	[dreg:$0x1b] =	wrdreg s25  }
0x28: {  	s13 =	sor.u32 $0xD, s4;
	s24 =	sadd.s32 s17, s5;
	[dreg:$0x1e] =	wrdreg s16  }
0x29: {  	s11 =	sadd.s32 s1, s31;
	s4 =	sor.u32 $0xE, s4;
	[smem:$0x7F2] =	sst s19  }
0x2a: {  	s17 =	sshll.u32 s10, $0xC;
	s20 =	sshll.u32 s12, $0xB;
	[smem:$0x7F5] =	sst s24  }
0x2b: {  	s23 =	sadd.s32 s1, s22;
	s25 =	sshll.u32 s13, $0xB;
	[smem:$0x7F7] =	sst s11  }
0x2c: {  	s14 =	sadd.s32 s22, s5;
	s15 =	sshll.u32 s4, $0xB;
	s18 =	sadd.s32 s1, s17  }
0x2d: {  	s19 =	sshllo.u32 s0, $0x4;
	s22 =	sshll.u32 s12, $0xC;
	s4 =	sshll.u32 s4, $0xC  }
0x2e: {  	s11 =	simm.s32 $0xC000;
	s21 =	sadd.s32 s3, s20;
	[smem:$0x7F4] =	sst s23  }
0x2f: {  	s26 =	sadd.s32 s3, s25;
	[smem:$0x7F8] =	sst s14;
	s16 =	sadd.s32 s3, s15  }
0x30: {  	[smem:$0x7FA] =	sst s18;
	s20 =	sadd.s32 s31, s5;
	s23 =	sshrl.u32 s6, $0x1  }
0x31: {  	s24 =	sadd.s32 s1, s22;
	s25 =	sshll.u32 s13, $0xC;
	s14 =	sadd.s32 s17, s5  }
0x32: {  	s13 =	sadd.s32 s22, s5;
	s9 =	sadd.s32 s1, s4;
	s8 =	sadd.s32 s4, s5  }
0x33: {  	s17 =	simm.s32 $0x4000;
	s15 =	simm.s32 $0x8000;
	[smem:$0x7F3] =	sst s21  }
0x34: {  	s22 =	simm.s32 $0x1;
	s4 =	simm.s32 $0x9;
	[smem:$0x7F6] =	sst s26  }
0x35: {  	s18 =	simm.s32 $0xB;
	[smem:$0x7F9] =	sst s16;
	s6 =	ssub.s32 s6, s23  }
0x36: {  	s21 =	sshll.u32 s19, $0xB;
	[smem:$0x7FB] =	sst s20;
	s31 =	smax.u32 s6, $0x1  }
0x37: {  	[smem:$0x7FD] =	sst s24;
	s12 =	sadd.s32 s1, s25;
	s0 =	sadd.s32 $0xFFFFFFFF, s31  }
0x38: {  	s26 =	sshll.u32 s19, $0xC;
	s10 =	sadd.s32 s25, s5;
	p3 =	sne.s32 s0, $0x0  }
.Ltmp0:
0x39: {  	s25 =	simm.s32 $0x10000;
	s23 =	simm.s32 $0x14000;
	(pc) =	sbr.rel @!p3 .LBB2_5-.Ltmp0, $4  }
0x3a: {  	s20 =	simm.s32 $0x3;
	s19 =	simm.s32 $0x4;
	s5 =	simm.s32 $0x8  }
0x3b: {  	s24 =	simm.s32 $0x6;
	s16 =	simm.s32 $0xC;
	s3 =	sadd.s32 s3, s21  }
0x3c: {  	s7 =	sadd.s32 s1, s26;
	s21 =	simm.s32 $0x2;
	s6 =	simm.s32 $0x7  }
0x3d: {  	s26 =	simm.s32 $0x5;
	[smem:$0x7FC] =	sst s3;
	s3 =	simm.s32 $0xA  }
0x3e: {  	[tilespmem:s2], [sflag:$0x1] =	stream.linear.gather [hbm4b:s28+s2], $0x4000, $0x38;
	[tilespmem:$0x18000] =	vst v63  }
0x3f: {  	s1 =	rddreg [dreg:$0x4]  }
0x40: {  	[tilespmem:s17], [sflag:$0x2] =	stream.linear.gather [hbm4b:s1+s2], $0x4000, $0x38;
	[tilespmem:$0x18000] =	vst v63  }
0x41: {  	s28 =	rddreg [dreg:$0x5]  }
0x42: {  	[tilespmem:s15], [sflag:$0x3] =	stream.linear.gather [hbm4b:s28+s2], $0x4000, $0x38;
	[tilespmem:$0x18000] =	vst v63  }
0x43: {  	s30 =	rddreg [dreg:$0x6]  }
0x44: {  	[tilespmem:s11], [sflag:$0x4] =	stream.linear.gather [hbm4b:s30+s2], $0x4000, $0x38;
	[tilespmem:$0x18000] =	vst v63  }
0x45: {  	_ =	swait.ge [sflag:s22], $0x4000  }
0x46: {  	[sflag:s22] =	ssyncset.done $0x0  }
0x47: {  	s31 =	rddreg [dreg:$0x7];
	[sflag:s22] =	ssyncadd.s32 $0xFFFFC000  }
0x48: {  	[hbm4b:s31+s2] =	stream.linear.scatter [tilespmem:s2], [sflag:$0x7], $0x4000, $0x38;
	[tilespmem:$0x18000] =	vst v63  }
0x49: {  	s29 =	simm.s32 @!p1 $0x0;
	s28 =	rddreg [dreg:$0x8]  }
0x4a: {  	[hbm4b:s28+s29] =	stream.linear.scatter @!p1 [tilespmem:s29], [sflag:$0x7], $0x4000, $0x38;
	[tilespmem:$0x18000] =	vst v63  }
0x4b: {  	s30 =	rddreg [dreg:$0x9]  }
0x4c: {  	[tilespmem:s25], [sflag:$0x5] =	stream.linear.gather [hbm4b:s30+s2], $0x4000, $0x38;
	[tilespmem:$0x18000] =	vst v63  }
0x4d: {  	_ =	swait.ge [sflag:s21], $0x4000  }
0x4e: {  	[sflag:s21] =	ssyncset.done $0x0  }
0x4f: {  	s31 =	rddreg [dreg:$0xa];
	[sflag:s21] =	ssyncadd.s32 $0xFFFFC000  }
0x50: {  	[hbm4b:s31+s2] =	stream.linear.scatter [tilespmem:s17], [sflag:$0x8], $0x4000, $0x38;
	[tilespmem:$0x18000] =	vst v63  }
0x51: {  	s28 =	rddreg [dreg:$0xb]  }
0x52: {  	[hbm4b:s28+s2] =	stream.linear.scatter [tilespmem:s17], [sflag:$0x8], $0x4000, $0x38;
	[tilespmem:$0x18000] =	vst v63  }
0x53: {  	s30 =	rddreg [dreg:$0xc]  }
0x54: {  	[tilespmem:s23], [sflag:$0x6] =	stream.linear.gather [hbm4b:s30+s2], $0x4000, $0x38;
	[tilespmem:$0x18000] =	vst v63  }
0x55: {  	_ =	swait.ge [sflag:s20], $0x4000  }
0x56: {  	[sflag:s20] =	ssyncset.done $0x0  }
0x57: {  	s31 =	rddreg [dreg:$0xd];
	[sflag:s20] =	ssyncadd.s32 $0xFFFFC000  }
0x58: {  	[hbm4b:s31+s2] =	stream.linear.scatter [tilespmem:s15], [sflag:$0x9], $0x4000, $0x38;
	[tilespmem:$0x18000] =	vst v63  }
0x59: {  	s28 =	rddreg [dreg:$0xe]  }
0x5a: {  	[hbm4b:s28+s2] =	stream.linear.scatter [tilespmem:s15], [sflag:$0x9], $0x4000, $0x38;
	[tilespmem:$0x18000] =	vst v63  }
0x5b: {  	_ =	swait.ge [sflag:s6], $0x4000  }
0x5c: {  	[sflag:s6] =	ssyncset.done $0x0  }
0x5d: {  	s29 =	simm.s32 @!p1 $0x7;
	[sflag:s6] =	ssyncadd.s32 $0xFFFFC000  }
0x5e: {  	_ =	swait.ge @!p1 [sflag:s29], $0x4000  }
0x5f: {  	[sflag:s29] =	ssyncset.done @!p1 $0x0  }
0x60: {  	s30 =	rddreg [dreg:$0xf];
	[sflag:s29] =	ssyncadd.s32 @!p1 $0xFFFFC000  }
0x61: {  	[tilespmem:s2], [sflag:$0x1] =	stream.linear.gather [hbm4b:s30+s2], $0x4000, $0x38;
	[tilespmem:$0x18000] =	vst v63  }
0x62: {  	_ =	swait.ge [sflag:s19], $0x4000  }
0x63: {  	[sflag:s19] =	ssyncset.done $0x0  }
0x64: {  	s31 =	rddreg [dreg:$0x10];
	[sflag:s19] =	ssyncadd.s32 $0xFFFFC000  }
0x65: {  	[hbm4b:s31+s2] =	stream.linear.scatter [tilespmem:s11], [sflag:$0xA], $0x4000, $0x38;
	[tilespmem:$0x18000] =	vst v63  }
0x66: {  	s28 =	rddreg [dreg:$0x11]  }
0x67: {  	[hbm4b:s28+s2] =	stream.linear.scatter [tilespmem:s11], [sflag:$0xA], $0x4000, $0x38;
	[tilespmem:$0x18000] =	vst v63  }
0x68: {  	_ =	swait.ge [sflag:s5], $0x4000  }
0x69: {  	[sflag:s5] =	ssyncset.done $0x0  }
0x6a: {  	[sflag:s5] =	ssyncadd.s32 $0xFFFFC000  }
0x6b: {  	_ =	swait.ge [sflag:s5], $0x4000  }
0x6c: {  	[sflag:s5] =	ssyncset.done $0x0  }
0x6d: {  	s30 =	rddreg [dreg:$0x12];
	[sflag:s5] =	ssyncadd.s32 $0xFFFFC000  }
0x6e: {  	[tilespmem:s17], [sflag:$0x2] =	stream.linear.gather [hbm4b:s30+s2], $0x4000, $0x38;
	[tilespmem:$0x18000] =	vst v63  }
0x6f: {  	_ =	swait.ge [sflag:s26], $0x4000  }
0x70: {  	[sflag:s26] =	ssyncset.done $0x0  }
0x71: {  	s31 =	rddreg [dreg:$0x13];
	[sflag:s26] =	ssyncadd.s32 $0xFFFFC000  }
0x72: {  	[hbm4b:s31+s2] =	stream.linear.scatter [tilespmem:s25], [sflag:$0xB], $0x4000, $0x38;
	[tilespmem:$0x18000] =	vst v63  }
0x73: {  	s28 =	rddreg [dreg:$0x14]  }
0x74: {  	[hbm4b:s28+s2] =	stream.linear.scatter [tilespmem:s25], [sflag:$0xB], $0x4000, $0x38;
	[tilespmem:$0x18000] =	vst v63  }
0x75: {  	_ =	swait.ge [sflag:s4], $0x4000  }
0x76: {  	[sflag:s4] =	ssyncset.done $0x0  }
0x77: {  	[sflag:s4] =	ssyncadd.s32 $0xFFFFC000  }
0x78: {  	_ =	swait.ge [sflag:s4], $0x4000  }
0x79: {  	[sflag:s4] =	ssyncset.done $0x0  }
0x7a: {  	s30 =	rddreg [dreg:$0x15];
	[sflag:s4] =	ssyncadd.s32 $0xFFFFC000  }
0x7b: {  	[tilespmem:s15], [sflag:$0x3] =	stream.linear.gather [hbm4b:s30+s2], $0x4000, $0x38;
	[tilespmem:$0x18000] =	vst v63  }
0x7c: {  	_ =	swait.ge [sflag:s24], $0x4000  }
0x7d: {  	[sflag:s24] =	ssyncset.done $0x0  }
0x7e: {  	s31 =	rddreg [dreg:$0x16];
	[sflag:s24] =	ssyncadd.s32 $0xFFFFC000  }
0x7f: {  	[hbm4b:s31+s2] =	stream.linear.scatter [tilespmem:s23], [sflag:$0xC], $0x4000, $0x38;
	[tilespmem:$0x18000] =	vst v63  }
0x80: {  	s28 =	rddreg [dreg:$0x17]  }
0x81: {  	[hbm4b:s28+s2] =	stream.linear.scatter [tilespmem:s23], [sflag:$0xC], $0x4000, $0x38;
	[tilespmem:$0x18000] =	vst v63  }
0x82: {  	_ =	swait.ge [sflag:s3], $0x4000  }
0x83: {  	[sflag:s3] =	ssyncset.done $0x0  }
0x84: {  	[sflag:s3] =	ssyncadd.s32 $0xFFFFC000  }
0x85: {  	_ =	swait.ge [sflag:s3], $0x4000  }
0x86: {  	[sflag:s3] =	ssyncset.done $0x0  }
0x87: {  	s30 =	rddreg [dreg:$0x18];
	[sflag:s3] =	ssyncadd.s32 $0xFFFFC000  }
0x88: {  	[tilespmem:s11], [sflag:$0x4] =	stream.linear.gather [hbm4b:s30+s2], $0x4000, $0x38;
	[tilespmem:$0x18000] =	vst v63  }
0x89: {  	_ =	swait.ge [sflag:s22], $0x4000  }
0x8a: {  	[sflag:s22] =	ssyncset.done $0x0  }
0x8b: {  	s31 =	rddreg [dreg:$0x19];
	[sflag:s22] =	ssyncadd.s32 $0xFFFFC000  }
0x8c: {  	[hbm4b:s31+s2] =	stream.linear.scatter [tilespmem:s2], [sflag:$0x7], $0x4000, $0x38;
	[tilespmem:$0x18000] =	vst v63  }
0x8d: {  	s28 =	rddreg [dreg:$0x1a]  }
0x8e: {  	[hbm4b:s28+s2] =	stream.linear.scatter [tilespmem:s2], [sflag:$0x7], $0x4000, $0x38;
	[tilespmem:$0x18000] =	vst v63  }
0x8f: {  	_ =	swait.ge [sflag:s18], $0x4000  }
0x90: {  	[sflag:s18] =	ssyncset.done $0x0  }
0x91: {  	[sflag:s18] =	ssyncadd.s32 $0xFFFFC000  }
0x92: {  	_ =	swait.ge [sflag:s18], $0x4000  }
0x93: {  	[sflag:s18] =	ssyncset.done $0x0  }
0x94: {  	s30 =	rddreg [dreg:$0x1b];
	[sflag:s18] =	ssyncadd.s32 $0xFFFFC000  }
0x95: {  	[tilespmem:s25], [sflag:$0x5] =	stream.linear.gather [hbm4b:s30+s2], $0x4000, $0x38;
	[tilespmem:$0x18000] =	vst v63  }
0x96: {  	_ =	swait.ge [sflag:s21], $0x4000  }
0x97: {  	[sflag:s21] =	ssyncset.done $0x0  }
0x98: {  	s31 =	rddreg [dreg:$0x1c];
	[sflag:s21] =	ssyncadd.s32 $0xFFFFC000  }
0x99: {  	[hbm4b:s31+s2] =	stream.linear.scatter [tilespmem:s17], [sflag:$0x8], $0x4000, $0x38;
	[tilespmem:$0x18000] =	vst v63  }
0x9a: {  	s28 =	rddreg [dreg:$0x1d]  }
0x9b: {  	[hbm4b:s28+s2] =	stream.linear.scatter [tilespmem:s17], [sflag:$0x8], $0x4000, $0x38;
	[tilespmem:$0x18000] =	vst v63  }
0x9c: {  	_ =	swait.ge [sflag:s16], $0x4000  }
0x9d: {  	[sflag:s16] =	ssyncset.done $0x0  }
0x9e: {  	[sflag:s16] =	ssyncadd.s32 $0xFFFFC000  }
0x9f: {  	_ =	swait.ge [sflag:s16], $0x4000  }
0xa0: {  	[sflag:s16] =	ssyncset.done $0x0  }
0xa1: {  	s30 =	rddreg [dreg:$0x1e];
	[sflag:s16] =	ssyncadd.s32 $0xFFFFC000  }
0xa2: {  	[tilespmem:s23], [sflag:$0x6] =	stream.linear.gather [hbm4b:s30+s2], $0x4000, $0x38;
	[tilespmem:$0x18000] =	vst v63  }
0xa3: {  	_ =	swait.ge [sflag:s20], $0x4000  }
0xa4: {  	s31 =	rddreg [dreg:$0x1f];
	[sflag:s20] =	ssyncset.done $0x0  }
0xa5: {  	s28 =	sld [smem:$0x7F2];
	[sflag:s20] =	ssyncadd.s32 $0xFFFFC000  }
0xa6: {  	[hbm4b:s31+s2] =	stream.linear.scatter [tilespmem:s15], [sflag:$0x9], $0x4000, $0x38;
	[tilespmem:$0x18000] =	vst v63  }
0xa7: {  	_ = 	snop  }
0xa8: {  	[hbm4b:s28+s2] =	stream.linear.scatter [tilespmem:s15], [sflag:$0x9], $0x4000, $0x38;
	[tilespmem:$0x18000] =	vst v63  }
0xa9: {  	_ =	swait.ge [sflag:s6], $0x4000  }
0xaa: {  	[sflag:s6] =	ssyncset.done $0x0  }
0xab: {  	[sflag:s6] =	ssyncadd.s32 $0xFFFFC000  }
0xac: {  	_ =	swait.ge [sflag:s6], $0x4000  }
0xad: {  	s30 =	sld [smem:$0x7F3]  }
0xae: {  	[sflag:s6] =	ssyncset.done $0x0  }
0xaf: {  	[sflag:s6] =	ssyncadd.s32 $0xFFFFC000  }
0xb0: {  	[tilespmem:s2], [sflag:$0x1] =	stream.linear.gather [hbm4b:s30+s2], $0x4000, $0x38;
	[tilespmem:$0x18000] =	vst v63  }
0xb1: {  	_ =	swait.ge [sflag:s19], $0x4000  }
0xb2: {  	s31 =	sld [smem:$0x7F4]  }
0xb3: {  	[sflag:s19] =	ssyncset.done $0x0  }
0xb4: {  	s28 =	sld [smem:$0x7F5];
	[sflag:s19] =	ssyncadd.s32 $0xFFFFC000  }
0xb5: {  	[hbm4b:s31+s2] =	stream.linear.scatter [tilespmem:s11], [sflag:$0xA], $0x4000, $0x38;
	[tilespmem:$0x18000] =	vst v63  }
0xb6: {  	_ = 	snop  }
0xb7: {  	[hbm4b:s28+s2] =	stream.linear.scatter [tilespmem:s11], [sflag:$0xA], $0x4000, $0x38;
	[tilespmem:$0x18000] =	vst v63  }
0xb8: {  	_ =	swait.ge [sflag:s5], $0x4000  }
0xb9: {  	[sflag:s5] =	ssyncset.done $0x0  }
0xba: {  	[sflag:s5] =	ssyncadd.s32 $0xFFFFC000  }
0xbb: {  	_ =	swait.ge [sflag:s5], $0x4000  }
0xbc: {  	s30 =	sld [smem:$0x7F6]  }
0xbd: {  	[sflag:s5] =	ssyncset.done $0x0  }
0xbe: {  	[sflag:s5] =	ssyncadd.s32 $0xFFFFC000  }
0xbf: {  	[tilespmem:s17], [sflag:$0x2] =	stream.linear.gather [hbm4b:s30+s2], $0x4000, $0x38;
	[tilespmem:$0x18000] =	vst v63  }
0xc0: {  	_ =	swait.ge [sflag:s26], $0x4000  }
0xc1: {  	s31 =	sld [smem:$0x7F7]  }
0xc2: {  	[sflag:s26] =	ssyncset.done $0x0  }
0xc3: {  	s28 =	sld [smem:$0x7F8];
	[sflag:s26] =	ssyncadd.s32 $0xFFFFC000  }
0xc4: {  	[hbm4b:s31+s2] =	stream.linear.scatter [tilespmem:s25], [sflag:$0xB], $0x4000, $0x38;
	[tilespmem:$0x18000] =	vst v63  }
0xc5: {  	_ = 	snop  }
0xc6: {  	[hbm4b:s28+s2] =	stream.linear.scatter [tilespmem:s25], [sflag:$0xB], $0x4000, $0x38;
	[tilespmem:$0x18000] =	vst v63  }
0xc7: {  	_ =	swait.ge [sflag:s4], $0x4000  }
0xc8: {  	[sflag:s4] =	ssyncset.done $0x0  }
0xc9: {  	[sflag:s4] =	ssyncadd.s32 $0xFFFFC000  }
0xca: {  	_ =	swait.ge [sflag:s4], $0x4000  }
0xcb: {  	s30 =	sld [smem:$0x7F9]  }
0xcc: {  	[sflag:s4] =	ssyncset.done $0x0  }
0xcd: {  	[sflag:s4] =	ssyncadd.s32 $0xFFFFC000  }
0xce: {  	[tilespmem:s15], [sflag:$0x3] =	stream.linear.gather [hbm4b:s30+s2], $0x4000, $0x38;
	[tilespmem:$0x18000] =	vst v63  }
0xcf: {  	_ =	swait.ge [sflag:s24], $0x4000  }
0xd0: {  	s31 =	sld [smem:$0x7FA]  }
0xd1: {  	[sflag:s24] =	ssyncset.done $0x0  }
0xd2: {  	s28 =	sld [smem:$0x7FB];
	[sflag:s24] =	ssyncadd.s32 $0xFFFFC000  }
0xd3: {  	[hbm4b:s31+s2] =	stream.linear.scatter [tilespmem:s23], [sflag:$0xC], $0x4000, $0x38;
	[tilespmem:$0x18000] =	vst v63  }
0xd4: {  	_ = 	snop  }
0xd5: {  	[hbm4b:s28+s2] =	stream.linear.scatter [tilespmem:s23], [sflag:$0xC], $0x4000, $0x38;
	[tilespmem:$0x18000] =	vst v63  }
0xd6: {  	_ =	swait.ge [sflag:s3], $0x4000  }
0xd7: {  	[sflag:s3] =	ssyncset.done $0x0  }
0xd8: {  	[sflag:s3] =	ssyncadd.s32 $0xFFFFC000  }
0xd9: {  	_ =	swait.ge [sflag:s3], $0x4000  }
0xda: {  	s30 =	sld [smem:$0x7FC]  }
0xdb: {  	[sflag:s3] =	ssyncset.done $0x0  }
0xdc: {  	[sflag:s3] =	ssyncadd.s32 $0xFFFFC000  }
0xdd: {  	[tilespmem:s11], [sflag:$0x4] =	stream.linear.gather [hbm4b:s30+s2], $0x4000, $0x38;
	[tilespmem:$0x18000] =	vst v63  }
0xde: {  	_ =	swait.ge [sflag:s22], $0x4000  }
0xdf: {  	s31 =	sld [smem:$0x7FD]  }
0xe0: {  	[sflag:s22] =	ssyncset.done $0x0  }
0xe1: {  	[sflag:s22] =	ssyncadd.s32 $0xFFFFC000  }
0xe2: {  	[hbm4b:s31+s2] =	stream.linear.scatter [tilespmem:s2], [sflag:$0x7], $0x4000, $0x38;
	[tilespmem:$0x18000] =	vst v63  }
0xe3: {  	_ = 	snop  }
0xe4: {  	[hbm4b:s14+s2] =	stream.linear.scatter [tilespmem:s2], [sflag:$0x7], $0x4000, $0x38;
	[tilespmem:$0x18000] =	vst v63  }
0xe5: {  	_ =	swait.ge [sflag:s21], $0x4000  }
0xe6: {  	[sflag:s21] =	ssyncset.done $0x0  }
0xe7: {  	[sflag:s21] =	ssyncadd.s32 $0xFFFFC000  }
0xe8: {  	[hbm4b:s12+s2] =	stream.linear.scatter [tilespmem:s17], [sflag:$0x8], $0x4000, $0x38;
	[tilespmem:$0x18000] =	vst v63  }
0xe9: {  	_ = 	snop  }
0xea: {  	[hbm4b:s13+s2] =	stream.linear.scatter [tilespmem:s17], [sflag:$0x8], $0x4000, $0x38;
	[tilespmem:$0x18000] =	vst v63  }
0xeb: {  	_ =	swait.ge [sflag:s20], $0x4000  }
0xec: {  	[sflag:s20] =	ssyncset.done $0x0  }
0xed: {  	[sflag:s20] =	ssyncadd.s32 $0xFFFFC000  }
0xee: {  	[hbm4b:s9+s2] =	stream.linear.scatter [tilespmem:s15], [sflag:$0x9], $0x4000, $0x38;
	[tilespmem:$0x18000] =	vst v63  }
0xef: {  	_ = 	snop  }
0xf0: {  	[hbm4b:s10+s2] =	stream.linear.scatter [tilespmem:s15], [sflag:$0x9], $0x4000, $0x38;
	[tilespmem:$0x18000] =	vst v63  }
0xf1: {  	_ =	swait.ge [sflag:s19], $0x4000  }
0xf2: {  	[sflag:s19] =	ssyncset.done $0x0  }
0xf3: {  	s1 =	simm.s32 @!p0 $0x0;
	s28 =	simm.s32 @!p0 $0xC000;
	[sflag:s19] =	ssyncadd.s32 $0xFFFFC000  }
0xf4: {  	[hbm4b:s7+s1] =	stream.linear.scatter @!p0 [tilespmem:s28], [sflag:$0xA], $0x4000, $0x38;
	[tilespmem:$0x18000] =	vst v63  }
0xf5: {  	_ = 	snop  }
0xf6: {  	[hbm4b:s8+s2] =	stream.linear.scatter [tilespmem:s11], [sflag:$0xA], $0x4000, $0x38;
	[tilespmem:$0x18000] =	vst v63  }
0xf7: {  	_ =	swait.ge [sflag:s18], $0x4000  }
0xf8: {  	[sflag:s18] =	ssyncset.done $0x0  }
0xf9: {  	[sflag:s18] =	ssyncadd.s32 $0xFFFFC000  }
0xfa: {  	_ =	swait.ge [sflag:s18], $0x4000  }
0xfb: {  	[sflag:s18] =	ssyncset.done $0x0  }
0xfc: {  	[sflag:s18] =	ssyncadd.s32 $0xFFFFC000  }
0xfd: {  	_ =	swait.ge [sflag:s16], $0x4000  }
0xfe: {  	[sflag:s16] =	ssyncset.done $0x0  }
0xff: {  	[sflag:s16] =	ssyncadd.s32 $0xFFFFC000  }
0x100: {  	_ =	swait.ge [sflag:s16], $0x4000  }
0x101: {  	[sflag:s16] =	ssyncset.done $0x0  }
0x102: {  	[sflag:s16] =	ssyncadd.s32 $0xFFFFC000  }
0x103: {  	_ =	swait.ge [sflag:s6], $0x4000  }
0x104: {  	[sflag:s6] =	ssyncset.done $0x0  }
0x105: {  	[sflag:s6] =	ssyncadd.s32 $0xFFFFC000  }
0x106: {  	_ =	swait.ge [sflag:s6], $0x4000  }
0x107: {  	[sflag:s6] =	ssyncset.done $0x0  }
0x108: {  	[sflag:s6] =	ssyncadd.s32 $0xFFFFC000  }
0x109: {  	_ =	swait.ge [sflag:s5], $0x4000  }
0x10a: {  	[sflag:s5] =	ssyncset.done $0x0  }
0x10b: {  	[sflag:s5] =	ssyncadd.s32 $0xFFFFC000  }
0x10c: {  	_ =	swait.ge [sflag:s5], $0x4000  }
0x10d: {  	[sflag:s5] =	ssyncset.done $0x0  }
0x10e: {  	[sflag:s5] =	ssyncadd.s32 $0xFFFFC000  }
0x10f: {  	_ =	swait.ge [sflag:s4], $0x4000  }
0x110: {  	[sflag:s4] =	ssyncset.done $0x0  }
0x111: {  	[sflag:s4] =	ssyncadd.s32 $0xFFFFC000  }
0x112: {  	_ =	swait.ge [sflag:s4], $0x4000  }
0x113: {  	s0 =	sadd.s32 $0xFFFFFFFF, s0;
	[sflag:s4] =	ssyncset.done $0x0  }
0x114: {  	p3 =	sne.s32 s0, $0x0;
	s1 =	simm.s32 @!p0 $0xA;
	[sflag:s4] =	ssyncadd.s32 $0xFFFFC000  }
.Ltmp1:
0x115: {  	_ =	swait.ge @!p0 [sflag:s1], $0x4000;
	(pc) =	sbr.rel @!p3 .LBB2_2-.Ltmp1, $4  }
0x116: {  	[sflag:s1] =	ssyncset.done @!p0 $0x0  }
0x117: {  	[sflag:s1] =	ssyncadd.s32 @!p0 $0xFFFFC000  }
0x118: {  	_ =	swait.ge [sflag:s3], $0x4000  }
0x119: {  	p2 =	por $0x1, $0x1;
	s28 =	rddreg [dreg:$0x3];
	[sflag:s3] =	ssyncset.done $0x0  }
.LBB2_3:
0x11a: {  	[sflag:s3] =	ssyncadd.s32 $0xFFFFC000  }
0x11b: {  	[tilespmem:s2], [sflag:$0x1] =	stream.linear.gather [hbm4b:s28+s2], $0x4000, $0x38;
	[tilespmem:$0x18000] =	vst v63  }
0x11c: {  	s30 =	rddreg [dreg:$0x4]  }
0x11d: {  	[tilespmem:s17], [sflag:$0x2] =	stream.linear.gather [hbm4b:s30+s2], $0x4000, $0x38;
	[tilespmem:$0x18000] =	vst v63  }
0x11e: {  	s28 =	rddreg [dreg:$0x5]  }
0x11f: {  	[tilespmem:s15], [sflag:$0x3] =	stream.linear.gather [hbm4b:s28+s2], $0x4000, $0x38;
	[tilespmem:$0x18000] =	vst v63  }
0x120: {  	s31 =	rddreg [dreg:$0x6]  }
0x121: {  	[tilespmem:s11], [sflag:$0x4] =	stream.linear.gather [hbm4b:s31+s2], $0x4000, $0x38;
	[tilespmem:$0x18000] =	vst v63  }
0x122: {  	_ =	swait.ge [sflag:s22], $0x4000  }
0x123: {  	[sflag:s22] =	ssyncset.done $0x0  }
0x124: {  	s28 =	rddreg [dreg:$0x7];
	[sflag:s22] =	ssyncadd.s32 $0xFFFFC000  }
0x125: {  	[hbm4b:s28+s2] =	stream.linear.scatter [tilespmem:s2], [sflag:$0x7], $0x4000, $0x38;
	[tilespmem:$0x18000] =	vst v63  }
0x126: {  	s31 =	simm.s32 @!p1 $0x0;
	s30 =	rddreg [dreg:$0x8]  }
0x127: {  	[hbm4b:s30+s31] =	stream.linear.scatter @!p1 [tilespmem:s31], [sflag:$0x7], $0x4000, $0x38;
	[tilespmem:$0x18000] =	vst v63  }
0x128: {  	s28 =	rddreg [dreg:$0x9]  }
0x129: {  	[tilespmem:s25], [sflag:$0x5] =	stream.linear.gather [hbm4b:s28+s2], $0x4000, $0x38;
	[tilespmem:$0x18000] =	vst v63  }
0x12a: {  	_ =	swait.ge [sflag:s21], $0x4000  }
0x12b: {  	[sflag:s21] =	ssyncset.done $0x0  }
0x12c: {  	s28 =	rddreg [dreg:$0xa];
	[sflag:s21] =	ssyncadd.s32 $0xFFFFC000  }
0x12d: {  	[hbm4b:s28+s2] =	stream.linear.scatter [tilespmem:s17], [sflag:$0x8], $0x4000, $0x38;
	[tilespmem:$0x18000] =	vst v63  }
0x12e: {  	s31 =	rddreg [dreg:$0xb]  }
0x12f: {  	[hbm4b:s31+s2] =	stream.linear.scatter [tilespmem:s17], [sflag:$0x8], $0x4000, $0x38;
	[tilespmem:$0x18000] =	vst v63  }
0x130: {  	s28 =	rddreg [dreg:$0xc]  }
0x131: {  	[tilespmem:s23], [sflag:$0x6] =	stream.linear.gather [hbm4b:s28+s2], $0x4000, $0x38;
	[tilespmem:$0x18000] =	vst v63  }
0x132: {  	_ =	swait.ge [sflag:s20], $0x4000  }
0x133: {  	[sflag:s20] =	ssyncset.done $0x0  }
0x134: {  	s28 =	rddreg [dreg:$0xd];
	[sflag:s20] =	ssyncadd.s32 $0xFFFFC000  }
0x135: {  	[hbm4b:s28+s2] =	stream.linear.scatter [tilespmem:s15], [sflag:$0x9], $0x4000, $0x38;
	[tilespmem:$0x18000] =	vst v63  }
0x136: {  	s31 =	rddreg [dreg:$0xe]  }
0x137: {  	[hbm4b:s31+s2] =	stream.linear.scatter [tilespmem:s15], [sflag:$0x9], $0x4000, $0x38;
	[tilespmem:$0x18000] =	vst v63  }
0x138: {  	_ =	swait.ge [sflag:s6], $0x4000  }
0x139: {  	[sflag:s6] =	ssyncset.done $0x0  }
0x13a: {  	[sflag:s6] =	ssyncadd.s32 $0xFFFFC000  }
0x13b: {  	_ =	swait.ge @!p1 [sflag:s29], $0x4000  }
0x13c: {  	[sflag:s29] =	ssyncset.done @!p1 $0x0  }
0x13d: {  	s28 =	rddreg [dreg:$0xf];
	[sflag:s29] =	ssyncadd.s32 @!p1 $0xFFFFC000  }
0x13e: {  	[tilespmem:s2], [sflag:$0x1] =	stream.linear.gather [hbm4b:s28+s2], $0x4000, $0x38;
	[tilespmem:$0x18000] =	vst v63  }
0x13f: {  	_ =	swait.ge [sflag:s19], $0x4000  }
0x140: {  	[sflag:s19] =	ssyncset.done $0x0  }
0x141: {  	s28 =	rddreg [dreg:$0x10];
	[sflag:s19] =	ssyncadd.s32 $0xFFFFC000  }
0x142: {  	[hbm4b:s28+s2] =	stream.linear.scatter [tilespmem:s11], [sflag:$0xA], $0x4000, $0x38;
	[tilespmem:$0x18000] =	vst v63  }
0x143: {  	s31 =	rddreg [dreg:$0x11]  }
0x144: {  	[hbm4b:s31+s2] =	stream.linear.scatter [tilespmem:s11], [sflag:$0xA], $0x4000, $0x38;
	[tilespmem:$0x18000] =	vst v63  }
0x145: {  	_ =	swait.ge [sflag:s5], $0x4000  }
0x146: {  	[sflag:s5] =	ssyncset.done $0x0  }
0x147: {  	[sflag:s5] =	ssyncadd.s32 $0xFFFFC000  }
0x148: {  	_ =	swait.ge [sflag:s5], $0x4000  }
0x149: {  	[sflag:s5] =	ssyncset.done $0x0  }
0x14a: {  	s28 =	rddreg [dreg:$0x12];
	[sflag:s5] =	ssyncadd.s32 $0xFFFFC000  }
0x14b: {  	[tilespmem:s17], [sflag:$0x2] =	stream.linear.gather [hbm4b:s28+s2], $0x4000, $0x38;
	[tilespmem:$0x18000] =	vst v63  }
0x14c: {  	_ =	swait.ge [sflag:s26], $0x4000  }
0x14d: {  	[sflag:s26] =	ssyncset.done $0x0  }
0x14e: {  	s28 =	rddreg [dreg:$0x13];
	[sflag:s26] =	ssyncadd.s32 $0xFFFFC000  }
0x14f: {  	[hbm4b:s28+s2] =	stream.linear.scatter [tilespmem:s25], [sflag:$0xB], $0x4000, $0x38;
	[tilespmem:$0x18000] =	vst v63  }
0x150: {  	s31 =	rddreg [dreg:$0x14]  }
0x151: {  	[hbm4b:s31+s2] =	stream.linear.scatter [tilespmem:s25], [sflag:$0xB], $0x4000, $0x38;
	[tilespmem:$0x18000] =	vst v63  }
0x152: {  	_ =	swait.ge [sflag:s4], $0x4000  }
0x153: {  	[sflag:s4] =	ssyncset.done $0x0  }
0x154: {  	[sflag:s4] =	ssyncadd.s32 $0xFFFFC000  }
0x155: {  	_ =	swait.ge [sflag:s4], $0x4000  }
0x156: {  	[sflag:s4] =	ssyncset.done $0x0  }
0x157: {  	s28 =	rddreg [dreg:$0x15];
	[sflag:s4] =	ssyncadd.s32 $0xFFFFC000  }
0x158: {  	[tilespmem:s15], [sflag:$0x3] =	stream.linear.gather [hbm4b:s28+s2], $0x4000, $0x38;
	[tilespmem:$0x18000] =	vst v63  }
0x159: {  	_ =	swait.ge [sflag:s24], $0x4000  }
0x15a: {  	[sflag:s24] =	ssyncset.done $0x0  }
0x15b: {  	s28 =	rddreg [dreg:$0x16];
	[sflag:s24] =	ssyncadd.s32 $0xFFFFC000  }
0x15c: {  	[hbm4b:s28+s2] =	stream.linear.scatter [tilespmem:s23], [sflag:$0xC], $0x4000, $0x38;
	[tilespmem:$0x18000] =	vst v63  }
0x15d: {  	s31 =	rddreg [dreg:$0x17]  }
0x15e: {  	[hbm4b:s31+s2] =	stream.linear.scatter [tilespmem:s23], [sflag:$0xC], $0x4000, $0x38;
	[tilespmem:$0x18000] =	vst v63  }
0x15f: {  	_ =	swait.ge [sflag:s3], $0x4000  }
0x160: {  	[sflag:s3] =	ssyncset.done $0x0  }
0x161: {  	[sflag:s3] =	ssyncadd.s32 $0xFFFFC000  }
0x162: {  	_ =	swait.ge [sflag:s3], $0x4000  }
0x163: {  	[sflag:s3] =	ssyncset.done $0x0  }
0x164: {  	s28 =	rddreg [dreg:$0x18];
	[sflag:s3] =	ssyncadd.s32 $0xFFFFC000  }
0x165: {  	[tilespmem:s11], [sflag:$0x4] =	stream.linear.gather [hbm4b:s28+s2], $0x4000, $0x38;
	[tilespmem:$0x18000] =	vst v63  }
0x166: {  	_ =	swait.ge [sflag:s22], $0x4000  }
0x167: {  	[sflag:s22] =	ssyncset.done $0x0  }
0x168: {  	s28 =	rddreg [dreg:$0x19];
	[sflag:s22] =	ssyncadd.s32 $0xFFFFC000  }
0x169: {  	[hbm4b:s28+s2] =	stream.linear.scatter [tilespmem:s2], [sflag:$0x7], $0x4000, $0x38;
	[tilespmem:$0x18000] =	vst v63  }
0x16a: {  	s31 =	rddreg [dreg:$0x1a]  }
0x16b: {  	[hbm4b:s31+s2] =	stream.linear.scatter [tilespmem:s2], [sflag:$0x7], $0x4000, $0x38;
	[tilespmem:$0x18000] =	vst v63  }
0x16c: {  	_ =	swait.ge [sflag:s18], $0x4000  }
0x16d: {  	[sflag:s18] =	ssyncset.done $0x0  }
0x16e: {  	[sflag:s18] =	ssyncadd.s32 $0xFFFFC000  }
0x16f: {  	_ =	swait.ge [sflag:s18], $0x4000  }
0x170: {  	[sflag:s18] =	ssyncset.done $0x0  }
0x171: {  	s28 =	rddreg [dreg:$0x1b];
	[sflag:s18] =	ssyncadd.s32 $0xFFFFC000  }
0x172: {  	[tilespmem:s25], [sflag:$0x5] =	stream.linear.gather [hbm4b:s28+s2], $0x4000, $0x38;
	[tilespmem:$0x18000] =	vst v63  }
0x173: {  	_ =	swait.ge [sflag:s21], $0x4000  }
0x174: {  	[sflag:s21] =	ssyncset.done $0x0  }
0x175: {  	s28 =	rddreg [dreg:$0x1c];
	[sflag:s21] =	ssyncadd.s32 $0xFFFFC000  }
0x176: {  	[hbm4b:s28+s2] =	stream.linear.scatter [tilespmem:s17], [sflag:$0x8], $0x4000, $0x38;
	[tilespmem:$0x18000] =	vst v63  }
0x177: {  	s31 =	rddreg [dreg:$0x1d]  }
0x178: {  	[hbm4b:s31+s2] =	stream.linear.scatter [tilespmem:s17], [sflag:$0x8], $0x4000, $0x38;
	[tilespmem:$0x18000] =	vst v63  }
0x179: {  	_ =	swait.ge [sflag:s16], $0x4000  }
0x17a: {  	[sflag:s16] =	ssyncset.done $0x0  }
0x17b: {  	[sflag:s16] =	ssyncadd.s32 $0xFFFFC000  }
0x17c: {  	_ =	swait.ge [sflag:s16], $0x4000  }
0x17d: {  	[sflag:s16] =	ssyncset.done $0x0  }
0x17e: {  	s28 =	rddreg [dreg:$0x1e];
	[sflag:s16] =	ssyncadd.s32 $0xFFFFC000  }
0x17f: {  	[tilespmem:s23], [sflag:$0x6] =	stream.linear.gather [hbm4b:s28+s2], $0x4000, $0x38;
	[tilespmem:$0x18000] =	vst v63  }
0x180: {  	_ =	swait.ge [sflag:s20], $0x4000  }
0x181: {  	s28 =	rddreg [dreg:$0x1f];
	[sflag:s20] =	ssyncset.done $0x0  }
0x182: {  	s31 =	sld [smem:$0x7F2];
	[sflag:s20] =	ssyncadd.s32 $0xFFFFC000  }
0x183: {  	[hbm4b:s28+s2] =	stream.linear.scatter [tilespmem:s15], [sflag:$0x9], $0x4000, $0x38;
	[tilespmem:$0x18000] =	vst v63  }
0x184: {  	_ = 	snop  }
0x185: {  	[hbm4b:s31+s2] =	stream.linear.scatter [tilespmem:s15], [sflag:$0x9], $0x4000, $0x38;
	[tilespmem:$0x18000] =	vst v63  }
0x186: {  	_ =	swait.ge [sflag:s6], $0x4000  }
0x187: {  	[sflag:s6] =	ssyncset.done $0x0  }
0x188: {  	[sflag:s6] =	ssyncadd.s32 $0xFFFFC000  }
0x189: {  	_ =	swait.ge [sflag:s6], $0x4000  }
0x18a: {  	s28 =	sld [smem:$0x7F3]  }
0x18b: {  	[sflag:s6] =	ssyncset.done $0x0  }
0x18c: {  	[sflag:s6] =	ssyncadd.s32 $0xFFFFC000  }
0x18d: {  	[tilespmem:s2], [sflag:$0x1] =	stream.linear.gather [hbm4b:s28+s2], $0x4000, $0x38;
	[tilespmem:$0x18000] =	vst v63  }
0x18e: {  	_ =	swait.ge [sflag:s19], $0x4000  }
0x18f: {  	s28 =	sld [smem:$0x7F4]  }
0x190: {  	[sflag:s19] =	ssyncset.done $0x0  }
0x191: {  	s31 =	sld [smem:$0x7F5];
	[sflag:s19] =	ssyncadd.s32 $0xFFFFC000  }
0x192: {  	[hbm4b:s28+s2] =	stream.linear.scatter [tilespmem:s11], [sflag:$0xA], $0x4000, $0x38;
	[tilespmem:$0x18000] =	vst v63  }
0x193: {  	_ = 	snop  }
0x194: {  	[hbm4b:s31+s2] =	stream.linear.scatter [tilespmem:s11], [sflag:$0xA], $0x4000, $0x38;
	[tilespmem:$0x18000] =	vst v63  }
0x195: {  	_ =	swait.ge [sflag:s5], $0x4000  }
0x196: {  	[sflag:s5] =	ssyncset.done $0x0  }
0x197: {  	[sflag:s5] =	ssyncadd.s32 $0xFFFFC000  }
0x198: {  	_ =	swait.ge [sflag:s5], $0x4000  }
0x199: {  	s28 =	sld [smem:$0x7F6]  }
0x19a: {  	[sflag:s5] =	ssyncset.done $0x0  }
0x19b: {  	[sflag:s5] =	ssyncadd.s32 $0xFFFFC000  }
0x19c: {  	[tilespmem:s17], [sflag:$0x2] =	stream.linear.gather [hbm4b:s28+s2], $0x4000, $0x38;
	[tilespmem:$0x18000] =	vst v63  }
0x19d: {  	_ =	swait.ge [sflag:s26], $0x4000  }
0x19e: {  	s28 =	sld [smem:$0x7F7]  }
0x19f: {  	[sflag:s26] =	ssyncset.done $0x0  }
0x1a0: {  	s31 =	sld [smem:$0x7F8];
	[sflag:s26] =	ssyncadd.s32 $0xFFFFC000  }
0x1a1: {  	[hbm4b:s28+s2] =	stream.linear.scatter [tilespmem:s25], [sflag:$0xB], $0x4000, $0x38;
	[tilespmem:$0x18000] =	vst v63  }
0x1a2: {  	_ = 	snop  }
0x1a3: {  	[hbm4b:s31+s2] =	stream.linear.scatter [tilespmem:s25], [sflag:$0xB], $0x4000, $0x38;
	[tilespmem:$0x18000] =	vst v63  }
0x1a4: {  	_ =	swait.ge [sflag:s4], $0x4000  }
0x1a5: {  	[sflag:s4] =	ssyncset.done $0x0  }
0x1a6: {  	[sflag:s4] =	ssyncadd.s32 $0xFFFFC000  }
0x1a7: {  	_ =	swait.ge [sflag:s4], $0x4000  }
0x1a8: {  	s28 =	sld [smem:$0x7F9]  }
0x1a9: {  	[sflag:s4] =	ssyncset.done $0x0  }
0x1aa: {  	[sflag:s4] =	ssyncadd.s32 $0xFFFFC000  }
0x1ab: {  	[tilespmem:s15], [sflag:$0x3] =	stream.linear.gather [hbm4b:s28+s2], $0x4000, $0x38;
	[tilespmem:$0x18000] =	vst v63  }
0x1ac: {  	_ =	swait.ge [sflag:s24], $0x4000  }
0x1ad: {  	s28 =	sld [smem:$0x7FA]  }
0x1ae: {  	[sflag:s24] =	ssyncset.done $0x0  }
0x1af: {  	s31 =	sld [smem:$0x7FB];
	[sflag:s24] =	ssyncadd.s32 $0xFFFFC000  }
0x1b0: {  	[hbm4b:s28+s2] =	stream.linear.scatter [tilespmem:s23], [sflag:$0xC], $0x4000, $0x38;
	[tilespmem:$0x18000] =	vst v63  }
0x1b1: {  	_ = 	snop  }
0x1b2: {  	[hbm4b:s31+s2] =	stream.linear.scatter [tilespmem:s23], [sflag:$0xC], $0x4000, $0x38;
	[tilespmem:$0x18000] =	vst v63  }
0x1b3: {  	_ =	swait.ge [sflag:s3], $0x4000  }
0x1b4: {  	[sflag:s3] =	ssyncset.done $0x0  }
0x1b5: {  	[sflag:s3] =	ssyncadd.s32 $0xFFFFC000  }
0x1b6: {  	_ =	swait.ge [sflag:s3], $0x4000  }
0x1b7: {  	s28 =	sld [smem:$0x7FC]  }
0x1b8: {  	[sflag:s3] =	ssyncset.done $0x0  }
0x1b9: {  	[sflag:s3] =	ssyncadd.s32 $0xFFFFC000  }
0x1ba: {  	[tilespmem:s11], [sflag:$0x4] =	stream.linear.gather [hbm4b:s28+s2], $0x4000, $0x38;
	[tilespmem:$0x18000] =	vst v63  }
0x1bb: {  	_ =	swait.ge [sflag:s22], $0x4000  }
0x1bc: {  	s28 =	sld [smem:$0x7FD]  }
0x1bd: {  	[sflag:s22] =	ssyncset.done $0x0  }
0x1be: {  	[sflag:s22] =	ssyncadd.s32 $0xFFFFC000  }
0x1bf: {  	[hbm4b:s28+s2] =	stream.linear.scatter [tilespmem:s2], [sflag:$0x7], $0x4000, $0x38;
	[tilespmem:$0x18000] =	vst v63  }
0x1c0: {  	_ = 	snop  }
0x1c1: {  	[hbm4b:s14+s2] =	stream.linear.scatter [tilespmem:s2], [sflag:$0x7], $0x4000, $0x38;
	[tilespmem:$0x18000] =	vst v63  }
0x1c2: {  	_ =	swait.ge [sflag:s21], $0x4000  }
0x1c3: {  	[sflag:s21] =	ssyncset.done $0x0  }
0x1c4: {  	[sflag:s21] =	ssyncadd.s32 $0xFFFFC000  }
0x1c5: {  	[hbm4b:s12+s2] =	stream.linear.scatter [tilespmem:s17], [sflag:$0x8], $0x4000, $0x38;
	[tilespmem:$0x18000] =	vst v63  }
0x1c6: {  	_ = 	snop  }
0x1c7: {  	[hbm4b:s13+s2] =	stream.linear.scatter [tilespmem:s17], [sflag:$0x8], $0x4000, $0x38;
	[tilespmem:$0x18000] =	vst v63  }
0x1c8: {  	_ =	swait.ge [sflag:s20], $0x4000  }
0x1c9: {  	[sflag:s20] =	ssyncset.done $0x0  }
0x1ca: {  	[sflag:s20] =	ssyncadd.s32 $0xFFFFC000  }
0x1cb: {  	[hbm4b:s9+s2] =	stream.linear.scatter [tilespmem:s15], [sflag:$0x9], $0x4000, $0x38;
	[tilespmem:$0x18000] =	vst v63  }
0x1cc: {  	_ = 	snop  }
0x1cd: {  	[hbm4b:s10+s2] =	stream.linear.scatter [tilespmem:s15], [sflag:$0x9], $0x4000, $0x38;
	[tilespmem:$0x18000] =	vst v63  }
0x1ce: {  	_ =	swait.ge [sflag:s19], $0x4000  }
0x1cf: {  	[sflag:s19] =	ssyncset.done $0x0  }
0x1d0: {  	s30 =	simm.s32 @!p0 $0xC000;
	s28 =	simm.s32 @!p0 $0x0;
	[sflag:s19] =	ssyncadd.s32 $0xFFFFC000  }
0x1d1: {  	[hbm4b:s7+s28] =	stream.linear.scatter @!p0 [tilespmem:s30], [sflag:$0xA], $0x4000, $0x38;
	[tilespmem:$0x18000] =	vst v63  }
0x1d2: {  	_ = 	snop  }
0x1d3: {  	[hbm4b:s8+s2] =	stream.linear.scatter [tilespmem:s11], [sflag:$0xA], $0x4000, $0x38;
	[tilespmem:$0x18000] =	vst v63  }
0x1d4: {  	_ =	swait.ge [sflag:s18], $0x4000  }
0x1d5: {  	[sflag:s18] =	ssyncset.done $0x0  }
0x1d6: {  	[sflag:s18] =	ssyncadd.s32 $0xFFFFC000  }
0x1d7: {  	_ =	swait.ge [sflag:s18], $0x4000  }
0x1d8: {  	[sflag:s18] =	ssyncset.done $0x0  }
0x1d9: {  	[sflag:s18] =	ssyncadd.s32 $0xFFFFC000  }
0x1da: {  	_ =	swait.ge [sflag:s16], $0x4000  }
0x1db: {  	[sflag:s16] =	ssyncset.done $0x0  }
0x1dc: {  	[sflag:s16] =	ssyncadd.s32 $0xFFFFC000  }
0x1dd: {  	_ =	swait.ge [sflag:s16], $0x4000  }
0x1de: {  	[sflag:s16] =	ssyncset.done $0x0  }
0x1df: {  	[sflag:s16] =	ssyncadd.s32 $0xFFFFC000  }
0x1e0: {  	_ =	swait.ge [sflag:s6], $0x4000  }
0x1e1: {  	[sflag:s6] =	ssyncset.done $0x0  }
0x1e2: {  	[sflag:s6] =	ssyncadd.s32 $0xFFFFC000  }
0x1e3: {  	_ =	swait.ge [sflag:s6], $0x4000  }
0x1e4: {  	[sflag:s6] =	ssyncset.done $0x0  }
0x1e5: {  	[sflag:s6] =	ssyncadd.s32 $0xFFFFC000  }
0x1e6: {  	_ =	swait.ge [sflag:s5], $0x4000  }
0x1e7: {  	[sflag:s5] =	ssyncset.done $0x0  }
0x1e8: {  	[sflag:s5] =	ssyncadd.s32 $0xFFFFC000  }
0x1e9: {  	_ =	swait.ge [sflag:s5], $0x4000  }
0x1ea: {  	[sflag:s5] =	ssyncset.done $0x0  }
0x1eb: {  	[sflag:s5] =	ssyncadd.s32 $0xFFFFC000  }
0x1ec: {  	_ =	swait.ge [sflag:s4], $0x4000  }
0x1ed: {  	[sflag:s4] =	ssyncset.done $0x0  }
0x1ee: {  	[sflag:s4] =	ssyncadd.s32 $0xFFFFC000  }
0x1ef: {  	_ =	swait.ge [sflag:s4], $0x4000  }
0x1f0: {  	s0 =	sadd.s32 $0xFFFFFFFF, s0;
	[sflag:s4] =	ssyncset.done $0x0  }
0x1f1: {  	p3 =	sne.s32 s0, $0x0;
	[sflag:s4] =	ssyncadd.s32 $0xFFFFC000  }
.Ltmp2:
0x1f2: {  	_ =	swait.ge @!p0 [sflag:s1], $0x4000;
	(pc) =	sbr.rel @p3 .LBB2_3-.Ltmp2, $4  }
0x1f3: {  	[sflag:s1] =	ssyncset.done @!p0 $0x0  }
0x1f4: {  	[sflag:s1] =	ssyncadd.s32 @!p0 $0xFFFFC000  }
0x1f5: {  	_ =	swait.ge [sflag:s3], $0x4000  }
0x1f6: {  	s28 =	rddreg [dreg:$0x3];
	[sflag:s3] =	ssyncset.done $0x0  }
0x1f7: {  	s29 =	stileid.u32;
	s30 =	rddreg [dreg:$0x2]  }
.LBB2_5:
0x1f8: {  	[sflag:s3] =	ssyncadd.s32 @p2 $0xFFFFC000  }
0x1f9: {  	[tilespmem:s2], [sflag:$0x1] =	stream.linear.gather [hbm4b:s28+s2], $0x4000, $0x38;
	[tilespmem:$0x18000] =	vst v63  }
0x1fa: {  	s0 =	rddreg [dreg:$0x4]  }
0x1fb: {  	[tilespmem:s17], [sflag:$0x2] =	stream.linear.gather [hbm4b:s0+s2], $0x4000, $0x38;
	[tilespmem:$0x18000] =	vst v63  }
0x1fc: {  	s1 =	rddreg [dreg:$0x5]  }
0x1fd: {  	[tilespmem:s15], [sflag:$0x3] =	stream.linear.gather [hbm4b:s1+s2], $0x4000, $0x38;
	[tilespmem:$0x18000] =	vst v63  }
0x1fe: {  	s31 =	rddreg [dreg:$0x6]  }
0x1ff: {  	[tilespmem:s11], [sflag:$0x4] =	stream.linear.gather [hbm4b:s31+s2], $0x4000, $0x38;
	[tilespmem:$0x18000] =	vst v63  }
0x200: {  	_ =	swait.ge [sflag:s22], $0x4000  }
0x201: {  	[sflag:s22] =	ssyncset.done $0x0  }
0x202: {  	s28 =	rddreg [dreg:$0x7];
	[sflag:s22] =	ssyncadd.s32 $0xFFFFC000  }
0x203: {  	[hbm4b:s28+s2] =	stream.linear.scatter [tilespmem:s2], [sflag:$0x7], $0x4000, $0x38;
	[tilespmem:$0x18000] =	vst v63  }
0x204: {  	s0 =	simm.s32 @!p1 $0x0;
	s1 =	rddreg [dreg:$0x8]  }
0x205: {  	[hbm4b:s1+s0] =	stream.linear.scatter @!p1 [tilespmem:s0], [sflag:$0x7], $0x4000, $0x38;
	[tilespmem:$0x18000] =	vst v63  }
0x206: {  	s31 =	rddreg [dreg:$0x9]  }
0x207: {  	[tilespmem:s25], [sflag:$0x5] =	stream.linear.gather [hbm4b:s31+s2], $0x4000, $0x38;
	[tilespmem:$0x18000] =	vst v63  }
0x208: {  	_ =	swait.ge [sflag:s21], $0x4000  }
0x209: {  	[sflag:s21] =	ssyncset.done $0x0  }
0x20a: {  	s1 =	rddreg [dreg:$0xa];
	[sflag:s21] =	ssyncadd.s32 $0xFFFFC000  }
0x20b: {  	[hbm4b:s1+s2] =	stream.linear.scatter [tilespmem:s17], [sflag:$0x8], $0x4000, $0x38;
	[tilespmem:$0x18000] =	vst v63  }
0x20c: {  	s28 =	rddreg [dreg:$0xb]  }
0x20d: {  	[hbm4b:s28+s2] =	stream.linear.scatter [tilespmem:s17], [sflag:$0x8], $0x4000, $0x38;
	[tilespmem:$0x18000] =	vst v63  }
0x20e: {  	s31 =	rddreg [dreg:$0xc]  }
0x20f: {  	[tilespmem:s23], [sflag:$0x6] =	stream.linear.gather [hbm4b:s31+s2], $0x4000, $0x38;
	[tilespmem:$0x18000] =	vst v63  }
0x210: {  	_ =	swait.ge [sflag:s20], $0x4000  }
0x211: {  	[sflag:s20] =	ssyncset.done $0x0  }
0x212: {  	s1 =	rddreg [dreg:$0xd];
	[sflag:s20] =	ssyncadd.s32 $0xFFFFC000  }
0x213: {  	[hbm4b:s1+s2] =	stream.linear.scatter [tilespmem:s15], [sflag:$0x9], $0x4000, $0x38;
	[tilespmem:$0x18000] =	vst v63  }
0x214: {  	s28 =	rddreg [dreg:$0xe]  }
0x215: {  	[hbm4b:s28+s2] =	stream.linear.scatter [tilespmem:s15], [sflag:$0x9], $0x4000, $0x38;
	[tilespmem:$0x18000] =	vst v63  }
0x216: {  	_ =	swait.ge [sflag:s6], $0x4000  }
0x217: {  	[sflag:s6] =	ssyncset.done $0x0  }
0x218: {  	s0 =	simm.s32 @!p1 $0x7;
	[sflag:s6] =	ssyncadd.s32 $0xFFFFC000  }
0x219: {  	_ =	swait.ge @!p1 [sflag:s0], $0x4000  }
0x21a: {  	[sflag:s0] =	ssyncset.done @!p1 $0x0  }
0x21b: {  	s31 =	rddreg [dreg:$0xf];
	[sflag:s0] =	ssyncadd.s32 @!p1 $0xFFFFC000  }
0x21c: {  	[tilespmem:s2], [sflag:$0x1] =	stream.linear.gather [hbm4b:s31+s2], $0x4000, $0x38;
	[tilespmem:$0x18000] =	vst v63  }
0x21d: {  	_ =	swait.ge [sflag:s19], $0x4000  }
0x21e: {  	[sflag:s19] =	ssyncset.done $0x0  }
0x21f: {  	s28 =	rddreg [dreg:$0x10];
	[sflag:s19] =	ssyncadd.s32 $0xFFFFC000  }
0x220: {  	[hbm4b:s28+s2] =	stream.linear.scatter [tilespmem:s11], [sflag:$0xA], $0x4000, $0x38;
	[tilespmem:$0x18000] =	vst v63  }
0x221: {  	s31 =	rddreg [dreg:$0x11]  }
0x222: {  	[hbm4b:s31+s2] =	stream.linear.scatter [tilespmem:s11], [sflag:$0xA], $0x4000, $0x38;
	[tilespmem:$0x18000] =	vst v63  }
0x223: {  	_ =	swait.ge [sflag:s5], $0x4000  }
0x224: {  	[sflag:s5] =	ssyncset.done $0x0  }
0x225: {  	[sflag:s5] =	ssyncadd.s32 $0xFFFFC000  }
0x226: {  	_ =	swait.ge [sflag:s5], $0x4000  }
0x227: {  	[sflag:s5] =	ssyncset.done $0x0  }
0x228: {  	s1 =	rddreg [dreg:$0x12];
	[sflag:s5] =	ssyncadd.s32 $0xFFFFC000  }
0x229: {  	[tilespmem:s17], [sflag:$0x2] =	stream.linear.gather [hbm4b:s1+s2], $0x4000, $0x38;
	[tilespmem:$0x18000] =	vst v63  }
0x22a: {  	_ =	swait.ge [sflag:s26], $0x4000  }
0x22b: {  	[sflag:s26] =	ssyncset.done $0x0  }
0x22c: {  	s28 =	rddreg [dreg:$0x13];
	[sflag:s26] =	ssyncadd.s32 $0xFFFFC000  }
0x22d: {  	[hbm4b:s28+s2] =	stream.linear.scatter [tilespmem:s25], [sflag:$0xB], $0x4000, $0x38;
	[tilespmem:$0x18000] =	vst v63  }
0x22e: {  	s31 =	rddreg [dreg:$0x14]  }
0x22f: {  	[hbm4b:s31+s2] =	stream.linear.scatter [tilespmem:s25], [sflag:$0xB], $0x4000, $0x38;
	[tilespmem:$0x18000] =	vst v63  }
0x230: {  	_ =	swait.ge [sflag:s4], $0x4000  }
0x231: {  	[sflag:s4] =	ssyncset.done $0x0  }
0x232: {  	[sflag:s4] =	ssyncadd.s32 $0xFFFFC000  }
0x233: {  	_ =	swait.ge [sflag:s4], $0x4000  }
0x234: {  	[sflag:s4] =	ssyncset.done $0x0  }
0x235: {  	s1 =	rddreg [dreg:$0x15];
	[sflag:s4] =	ssyncadd.s32 $0xFFFFC000  }
0x236: {  	[tilespmem:s15], [sflag:$0x3] =	stream.linear.gather [hbm4b:s1+s2], $0x4000, $0x38;
	[tilespmem:$0x18000] =	vst v63  }
0x237: {  	_ =	swait.ge [sflag:s24], $0x4000  }
0x238: {  	[sflag:s24] =	ssyncset.done $0x0  }
0x239: {  	s28 =	rddreg [dreg:$0x16];
	[sflag:s24] =	ssyncadd.s32 $0xFFFFC000  }
0x23a: {  	[hbm4b:s28+s2] =	stream.linear.scatter [tilespmem:s23], [sflag:$0xC], $0x4000, $0x38;
	[tilespmem:$0x18000] =	vst v63  }
0x23b: {  	s31 =	rddreg [dreg:$0x17]  }
0x23c: {  	[hbm4b:s31+s2] =	stream.linear.scatter [tilespmem:s23], [sflag:$0xC], $0x4000, $0x38;
	[tilespmem:$0x18000] =	vst v63  }
0x23d: {  	_ =	swait.ge [sflag:s3], $0x4000  }
0x23e: {  	[sflag:s3] =	ssyncset.done $0x0  }
0x23f: {  	[sflag:s3] =	ssyncadd.s32 $0xFFFFC000  }
0x240: {  	_ =	swait.ge [sflag:s3], $0x4000  }
0x241: {  	[sflag:s3] =	ssyncset.done $0x0  }
0x242: {  	s1 =	rddreg [dreg:$0x18];
	[sflag:s3] =	ssyncadd.s32 $0xFFFFC000  }
0x243: {  	[tilespmem:s11], [sflag:$0x4] =	stream.linear.gather [hbm4b:s1+s2], $0x4000, $0x38;
	[tilespmem:$0x18000] =	vst v63  }
0x244: {  	_ =	swait.ge [sflag:s22], $0x4000  }
0x245: {  	[sflag:s22] =	ssyncset.done $0x0  }
0x246: {  	s28 =	rddreg [dreg:$0x19];
	[sflag:s22] =	ssyncadd.s32 $0xFFFFC000  }
0x247: {  	[hbm4b:s28+s2] =	stream.linear.scatter [tilespmem:s2], [sflag:$0x7], $0x4000, $0x38;
	[tilespmem:$0x18000] =	vst v63  }
0x248: {  	s31 =	rddreg [dreg:$0x1a]  }
0x249: {  	[hbm4b:s31+s2] =	stream.linear.scatter [tilespmem:s2], [sflag:$0x7], $0x4000, $0x38;
	[tilespmem:$0x18000] =	vst v63  }
0x24a: {  	_ =	swait.ge [sflag:s18], $0x4000  }
0x24b: {  	[sflag:s18] =	ssyncset.done $0x0  }
0x24c: {  	[sflag:s18] =	ssyncadd.s32 $0xFFFFC000  }
0x24d: {  	_ =	swait.ge [sflag:s18], $0x4000  }
0x24e: {  	[sflag:s18] =	ssyncset.done $0x0  }
0x24f: {  	s1 =	rddreg [dreg:$0x1b];
	[sflag:s18] =	ssyncadd.s32 $0xFFFFC000  }
0x250: {  	[tilespmem:s25], [sflag:$0x5] =	stream.linear.gather [hbm4b:s1+s2], $0x4000, $0x38;
	[tilespmem:$0x18000] =	vst v63  }
0x251: {  	_ =	swait.ge [sflag:s21], $0x4000  }
0x252: {  	[sflag:s21] =	ssyncset.done $0x0  }
0x253: {  	s28 =	rddreg [dreg:$0x1c];
	[sflag:s21] =	ssyncadd.s32 $0xFFFFC000  }
0x254: {  	[hbm4b:s28+s2] =	stream.linear.scatter [tilespmem:s17], [sflag:$0x8], $0x4000, $0x38;
	[tilespmem:$0x18000] =	vst v63  }
0x255: {  	s31 =	rddreg [dreg:$0x1d]  }
0x256: {  	[hbm4b:s31+s2] =	stream.linear.scatter [tilespmem:s17], [sflag:$0x8], $0x4000, $0x38;
	[tilespmem:$0x18000] =	vst v63  }
0x257: {  	_ =	swait.ge [sflag:s16], $0x4000  }
0x258: {  	[sflag:s16] =	ssyncset.done $0x0  }
0x259: {  	[sflag:s16] =	ssyncadd.s32 $0xFFFFC000  }
0x25a: {  	_ =	swait.ge [sflag:s16], $0x4000  }
0x25b: {  	[sflag:s16] =	ssyncset.done $0x0  }
0x25c: {  	s1 =	rddreg [dreg:$0x1e];
	[sflag:s16] =	ssyncadd.s32 $0xFFFFC000  }
0x25d: {  	[tilespmem:s23], [sflag:$0x6] =	stream.linear.gather [hbm4b:s1+s2], $0x4000, $0x38;
	[tilespmem:$0x18000] =	vst v63  }
0x25e: {  	_ =	swait.ge [sflag:s20], $0x4000  }
0x25f: {  	s28 =	rddreg [dreg:$0x1f];
	[sflag:s20] =	ssyncset.done $0x0  }
0x260: {  	s31 =	sld [smem:$0x7F2];
	[sflag:s20] =	ssyncadd.s32 $0xFFFFC000  }
0x261: {  	[hbm4b:s28+s2] =	stream.linear.scatter [tilespmem:s15], [sflag:$0x9], $0x4000, $0x38;
	[tilespmem:$0x18000] =	vst v63  }
0x262: {  	_ = 	snop  }
0x263: {  	[hbm4b:s31+s2] =	stream.linear.scatter [tilespmem:s15], [sflag:$0x9], $0x4000, $0x38;
	[tilespmem:$0x18000] =	vst v63  }
0x264: {  	_ =	swait.ge [sflag:s6], $0x4000  }
0x265: {  	[sflag:s6] =	ssyncset.done $0x0  }
0x266: {  	[sflag:s6] =	ssyncadd.s32 $0xFFFFC000  }
0x267: {  	_ =	swait.ge [sflag:s6], $0x4000  }
0x268: {  	s1 =	sld [smem:$0x7F3]  }
0x269: {  	[sflag:s6] =	ssyncset.done $0x0  }
0x26a: {  	[sflag:s6] =	ssyncadd.s32 $0xFFFFC000  }
0x26b: {  	[tilespmem:s2], [sflag:$0x1] =	stream.linear.gather [hbm4b:s1+s2], $0x4000, $0x38;
	[tilespmem:$0x18000] =	vst v63  }
0x26c: {  	_ =	swait.ge [sflag:s19], $0x4000  }
0x26d: {  	s28 =	sld [smem:$0x7F4]  }
0x26e: {  	[sflag:s19] =	ssyncset.done $0x0  }
0x26f: {  	s31 =	sld [smem:$0x7F5];
	[sflag:s19] =	ssyncadd.s32 $0xFFFFC000  }
0x270: {  	[hbm4b:s28+s2] =	stream.linear.scatter [tilespmem:s11], [sflag:$0xA], $0x4000, $0x38;
	[tilespmem:$0x18000] =	vst v63  }
0x271: {  	_ = 	snop  }
0x272: {  	[hbm4b:s31+s2] =	stream.linear.scatter [tilespmem:s11], [sflag:$0xA], $0x4000, $0x38;
	[tilespmem:$0x18000] =	vst v63  }
0x273: {  	_ =	swait.ge [sflag:s5], $0x4000  }
0x274: {  	[sflag:s5] =	ssyncset.done $0x0  }
0x275: {  	[sflag:s5] =	ssyncadd.s32 $0xFFFFC000  }
0x276: {  	_ =	swait.ge [sflag:s5], $0x4000  }
0x277: {  	s1 =	sld [smem:$0x7F6]  }
0x278: {  	[sflag:s5] =	ssyncset.done $0x0  }
0x279: {  	[sflag:s5] =	ssyncadd.s32 $0xFFFFC000  }
0x27a: {  	[tilespmem:s17], [sflag:$0x2] =	stream.linear.gather [hbm4b:s1+s2], $0x4000, $0x38;
	[tilespmem:$0x18000] =	vst v63  }
0x27b: {  	_ =	swait.ge [sflag:s26], $0x4000  }
0x27c: {  	s28 =	sld [smem:$0x7F7]  }
0x27d: {  	[sflag:s26] =	ssyncset.done $0x0  }
0x27e: {  	s31 =	sld [smem:$0x7F8];
	[sflag:s26] =	ssyncadd.s32 $0xFFFFC000  }
0x27f: {  	[hbm4b:s28+s2] =	stream.linear.scatter [tilespmem:s25], [sflag:$0xB], $0x4000, $0x38;
	[tilespmem:$0x18000] =	vst v63  }
0x280: {  	_ = 	snop  }
0x281: {  	[hbm4b:s31+s2] =	stream.linear.scatter [tilespmem:s25], [sflag:$0xB], $0x4000, $0x38;
	[tilespmem:$0x18000] =	vst v63  }
0x282: {  	_ =	swait.ge [sflag:s4], $0x4000  }
0x283: {  	[sflag:s4] =	ssyncset.done $0x0  }
0x284: {  	[sflag:s4] =	ssyncadd.s32 $0xFFFFC000  }
0x285: {  	_ =	swait.ge [sflag:s4], $0x4000  }
0x286: {  	s1 =	sld [smem:$0x7F9]  }
0x287: {  	[sflag:s4] =	ssyncset.done $0x0  }
0x288: {  	[sflag:s4] =	ssyncadd.s32 $0xFFFFC000  }
0x289: {  	[tilespmem:s15], [sflag:$0x3] =	stream.linear.gather [hbm4b:s1+s2], $0x4000, $0x38;
	[tilespmem:$0x18000] =	vst v63  }
0x28a: {  	_ =	swait.ge [sflag:s24], $0x4000  }
0x28b: {  	s25 =	sld [smem:$0x7FA]  }
0x28c: {  	[sflag:s24] =	ssyncset.done $0x0  }
0x28d: {  	s26 =	sld [smem:$0x7FB];
	[sflag:s24] =	ssyncadd.s32 $0xFFFFC000  }
0x28e: {  	[hbm4b:s25+s2] =	stream.linear.scatter [tilespmem:s23], [sflag:$0xC], $0x4000, $0x38;
	[tilespmem:$0x18000] =	vst v63  }
0x28f: {  	_ = 	snop  }
0x290: {  	[hbm4b:s26+s2] =	stream.linear.scatter [tilespmem:s23], [sflag:$0xC], $0x4000, $0x38;
	[tilespmem:$0x18000] =	vst v63  }
0x291: {  	_ =	swait.ge [sflag:s3], $0x4000  }
0x292: {  	[sflag:s3] =	ssyncset.done $0x0  }
0x293: {  	[sflag:s3] =	ssyncadd.s32 $0xFFFFC000  }
0x294: {  	_ =	swait.ge [sflag:s3], $0x4000  }
0x295: {  	s28 =	sld [smem:$0x7FC]  }
0x296: {  	[sflag:s3] =	ssyncset.done $0x0  }
0x297: {  	[sflag:s3] =	ssyncadd.s32 $0xFFFFC000  }
0x298: {  	[tilespmem:s11], [sflag:$0x4] =	stream.linear.gather [hbm4b:s28+s2], $0x4000, $0x38;
	[tilespmem:$0x18000] =	vst v63  }
0x299: {  	_ =	swait.ge [sflag:s22], $0x4000  }
0x29a: {  	s31 =	sld [smem:$0x7FD]  }
0x29b: {  	[sflag:s22] =	ssyncset.done $0x0  }
0x29c: {  	[sflag:s22] =	ssyncadd.s32 $0xFFFFC000  }
0x29d: {  	[hbm4b:s31+s2] =	stream.linear.scatter [tilespmem:s2], [sflag:$0x7], $0x4000, $0x38;
	[tilespmem:$0x18000] =	vst v63  }
0x29e: {  	_ = 	snop  }
0x29f: {  	[hbm4b:s14+s2] =	stream.linear.scatter [tilespmem:s2], [sflag:$0x7], $0x4000, $0x38;
	[tilespmem:$0x18000] =	vst v63  }
0x2a0: {  	_ =	swait.ge [sflag:s21], $0x4000  }
0x2a1: {  	[sflag:s21] =	ssyncset.done $0x0  }
0x2a2: {  	[sflag:s21] =	ssyncadd.s32 $0xFFFFC000  }
0x2a3: {  	[hbm4b:s12+s2] =	stream.linear.scatter [tilespmem:s17], [sflag:$0x8], $0x4000, $0x38;
	[tilespmem:$0x18000] =	vst v63  }
0x2a4: {  	_ = 	snop  }
0x2a5: {  	[hbm4b:s13+s2] =	stream.linear.scatter [tilespmem:s17], [sflag:$0x8], $0x4000, $0x38;
	[tilespmem:$0x18000] =	vst v63  }
0x2a6: {  	_ =	swait.ge [sflag:s20], $0x4000  }
0x2a7: {  	[sflag:s20] =	ssyncset.done $0x0  }
0x2a8: {  	[sflag:s20] =	ssyncadd.s32 $0xFFFFC000  }
0x2a9: {  	[hbm4b:s9+s2] =	stream.linear.scatter [tilespmem:s15], [sflag:$0x9], $0x4000, $0x38;
	[tilespmem:$0x18000] =	vst v63  }
0x2aa: {  	_ = 	snop  }
0x2ab: {  	[hbm4b:s10+s2] =	stream.linear.scatter [tilespmem:s15], [sflag:$0x9], $0x4000, $0x38;
	[tilespmem:$0x18000] =	vst v63  }
0x2ac: {  	_ =	swait.ge [sflag:s19], $0x4000  }
0x2ad: {  	[sflag:s19] =	ssyncset.done $0x0  }
0x2ae: {  	s0 =	simm.s32 @!p0 $0x0;
	s1 =	simm.s32 @!p0 $0xC000;
	[sflag:s19] =	ssyncadd.s32 $0xFFFFC000  }
0x2af: {  	[hbm4b:s7+s0] =	stream.linear.scatter @!p0 [tilespmem:s1], [sflag:$0xA], $0x4000, $0x38;
	[tilespmem:$0x18000] =	vst v63  }
0x2b0: {  	_ = 	snop  }
0x2b1: {  	[hbm4b:s8+s2] =	stream.linear.scatter [tilespmem:s11], [sflag:$0xA], $0x4000, $0x38;
	[tilespmem:$0x18000] =	vst v63  }
0x2b2: {  	_ =	swait.ge [sflag:s18], $0x4000  }
0x2b3: {  	[sflag:s18] =	ssyncset.done $0x0  }
0x2b4: {  	[sflag:s18] =	ssyncadd.s32 $0xFFFFC000  }
0x2b5: {  	_ =	swait.ge [sflag:s18], $0x4000  }
0x2b6: {  	[sflag:s18] =	ssyncset.done $0x0  }
0x2b7: {  	[sflag:s18] =	ssyncadd.s32 $0xFFFFC000  }
0x2b8: {  	_ =	swait.ge [sflag:s16], $0x4000  }
0x2b9: {  	[sflag:s16] =	ssyncset.done $0x0  }
0x2ba: {  	[sflag:s16] =	ssyncadd.s32 $0xFFFFC000  }
0x2bb: {  	_ =	swait.ge [sflag:s16], $0x4000  }
0x2bc: {  	[sflag:s16] =	ssyncset.done $0x0  }
0x2bd: {  	[sflag:s16] =	ssyncadd.s32 $0xFFFFC000  }
0x2be: {  	_ =	swait.ge [sflag:s6], $0x4000  }
0x2bf: {  	[sflag:s6] =	ssyncset.done $0x0  }
0x2c0: {  	[sflag:s6] =	ssyncadd.s32 $0xFFFFC000  }
0x2c1: {  	_ =	swait.ge [sflag:s6], $0x4000  }
0x2c2: {  	[sflag:s6] =	ssyncset.done $0x0  }
0x2c3: {  	[sflag:s6] =	ssyncadd.s32 $0xFFFFC000  }
0x2c4: {  	_ =	swait.ge [sflag:s5], $0x4000  }
0x2c5: {  	[sflag:s5] =	ssyncset.done $0x0  }
0x2c6: {  	[sflag:s5] =	ssyncadd.s32 $0xFFFFC000  }
0x2c7: {  	_ =	swait.ge [sflag:s5], $0x4000  }
0x2c8: {  	[sflag:s5] =	ssyncset.done $0x0  }
0x2c9: {  	[sflag:s5] =	ssyncadd.s32 $0xFFFFC000  }
0x2ca: {  	_ =	swait.ge [sflag:s4], $0x4000  }
0x2cb: {  	[sflag:s4] =	ssyncset.done $0x0  }
0x2cc: {  	[sflag:s4] =	ssyncadd.s32 $0xFFFFC000  }
0x2cd: {  	_ =	swait.ge [sflag:s4], $0x4000  }
0x2ce: {  	[sflag:s4] =	ssyncset.done $0x0  }
0x2cf: {  	s0 =	simm.s32 @!p0 $0xA;
	[sflag:s4] =	ssyncadd.s32 $0xFFFFC000  }
0x2d0: {  	_ =	swait.ge @!p0 [sflag:s0], $0x4000  }
0x2d1: {  	[sflag:s0] =	ssyncset.done @!p0 $0x0  }
0x2d2: {  	[sflag:s0] =	ssyncadd.s32 @!p0 $0xFFFFC000  }
0x2d3: {  	_ =	swait.ge [sflag:s3], $0x4000  }
0x2d4: {  	[sflag:s3] =	ssyncset.done $0x0  }
0x2d5: {  	[sflag:s3] =	ssyncadd.s32 $0xFFFFC000  }
0x2d6: {  	_ =	sfence.sel $0x180000  }
0x2d7: {  	[bflag:$0x0] =	sbarrier.arrive $0xFFFF  }
0x2d8: {  	p0 =	sne.s32 s29, $0x0;
	_ =	strace $0x90000047  }
0x2d9: {  	s0 =	sadd.s32 @!p0 $0x100000, s30;
	[bflag:$0x2] =	sbarrier.arrive $0xFFFF  }
0x2da: {  	[sflag:s0] =	ssyncadd.tile.s32 @!p0 $0x1;
	_ =	shalt  }
.LBB2_2:
.Ltmp3:
0x2db: {  	(pc) =	sbr.rel .LBB2_5-.Ltmp3, $2  }
0x2dc: {  	_ =	sdelay $0x2  }
0x2dd: {  	s29 =	stileid.u32;
	s30 =	rddreg [dreg:$0x2]  }
.Lfunc_end2:
_tile_overlayer_lowered:
.L_overlay_start_2:
0x2de: {  	(tag) =	ssettag $0x2  }
0x2df: {  	s0 =	rddreg [dreg:$0x0];
	s2 =	stileid.u32  }
0x2e0: {  	s1 =	rddreg [dreg:$0x1];
	p0 =	sne.s32 s2, $0x0  }
0x2e1: {  	s3 =	rddreg [dreg:$0x2];
	[bflag:$0x3] =	sbarrier.arrive $0xFFFF;
	s2 =	simm.s32 @!p0 $0x1C0D  }
0x2e2: {  	[timem:s3], [sflag:s2] =	dma.local @!p0 [hbm:s0], s1  }
0x2e3: {  	s0 =	simm.s32 @!p0 $0xD  }
0x2e4: {  	_ =	swait.ge @!p0 [sflag:s0], s1  }
0x2e5: {  	s1 =	ssub.s32 @!p0 $0x0, s1;
	[sflag:s0] =	ssyncset.done @!p0 $0x0  }
0x2e6: {  	[sflag:s0] =	ssyncadd.s32 @!p0 s1  }
0x2e7: {  	[bflag:$0x3] =	sbarrier.arrive $0xFFFF  }
0x2e8: {  	_ =	shalt  }

</sc_bundles>
